<compile_context>
chip_gen: v7x
topology: tpu7x:2x2x1
jax: 0.10.2.dev20260603
libtpu: 0.0.44.dev20260713+nightly
codegen_flags: <defaults>
</compile_context>

<pallas_src>
import functools
import numpy as np
import jax
import jax.numpy as jnp
from jax import lax
from jax.experimental import pallas as pl
from jax.experimental.pallas import tpu as pltpu
from jax.experimental.pallas import tpu_sc as plsc

_B, _N, _C, _R, _HS, _NH, _NB = 2, 8192, 32, 64, 32, 2, 5
_H = _HS * _NH
_PAD = 0.1
_R3 = _R * _R * _R
_NS = 27 + 8
_BLK = 512

_o = np.array([-1, 0, 1], dtype=np.int32)
_oz, _oy, _ox = np.meshgrid(_o, _o, _o, indexing='ij')
_OFFS = np.stack([_ox.ravel(), _oy.ravel(), _oz.ravel()], axis=-1)

_NW = 32
_CHUNK = 128
_G = _NS * _N
_ROWS_W = _G // _NW
_NCH = _ROWS_W // _CHUNK


def _sc_gather(vol, gidx):
    mesh = plsc.VectorSubcoreMesh(core_axis_name="c", subcore_axis_name="s")

    @functools.partial(
        pl.kernel, mesh=mesh,
        compiler_params=pltpu.CompilerParams(use_tc_tiling_on_sc=False),
        out_type=jax.ShapeDtypeStruct((_G, _C), jnp.float32),
        scratch_types=[
            pltpu.VMEM((_NCH, _CHUNK), jnp.int32),
            pltpu.VMEM((_CHUNK, _C), jnp.float32),
            pltpu.VMEM((_CHUNK, _C), jnp.float32),
            pltpu.SemaphoreType.DMA,
            pltpu.SemaphoreType.DMA,
        ],
    )
    def k(vol_hbm, gidx_hbm, out_hbm, idx_v, row0, row1, sem0, sem1):
        wid = lax.axis_index("s") * 2 + lax.axis_index("c")
        pltpu.sync_copy(gidx_hbm.at[wid], idx_v)
        base = wid * _ROWS_W
        bufs = (row0, row1)
        sems = (sem0, sem1)
        pltpu.async_copy(vol_hbm.at[idx_v.at[0]], row0, sem0)
        pltpu.async_copy(vol_hbm.at[idx_v.at[1]], row1, sem1)

        def step(g2, carry):
            for b in range(2):
                c = g2 * 2 + b
                pltpu.make_async_copy(
                    vol_hbm.at[idx_v.at[c]], bufs[b], sems[b]).wait()
                pltpu.sync_copy(
                    bufs[b], out_hbm.at[pl.ds(base + c * _CHUNK, _CHUNK)])

                @pl.when(c + 2 < _NCH)
                def _():
                    pltpu.async_copy(
                        vol_hbm.at[idx_v.at[c + 2]], bufs[b], sems[b])
            return carry

        lax.fori_loop(0, _NCH // 2, step, 0)

    return k(vol, gidx)



def _tc_body(idx_ref, pn_ref, t_ref, feat_ref, offs_ref,
             wd1, bd1, wkv, bkv, wq, bq, wi, bi, wca, bca,
             wb0, bb0, wb1, bb1, wo, bo, out_ref):
    f32 = jnp.float32
    def unpack(x4, d):
        return jnp.concatenate(
            [x4[:, d * r:d * (r + 1)] for r in range(4)], axis=0)

    idxb = unpack(idx_ref[0], 3)
    pn = unpack(pn_ref[0], 3)
    tb = unpack(t_ref[0], 3)
    FA4 = feat_ref[0]

    nb_list = [jnp.clip(idxb + offs_ref[j:j + 1, :], 0, _R - 1)
               for j in range(27)]
    NB27 = jnp.concatenate(nb_list, axis=0)
    PN27 = jnp.concatenate([pn] * 27, axis=0)
    D = NB27.astype(f32) * f32(1.0 / (_R - 1)) - PN27
    rel = jnp.maximum(
        jnp.dot(D, wd1[...], preferred_element_type=f32) + bd1[...], 0.0)

    F = jnp.concatenate(
        [FA4[j, :, _C * r:_C * (r + 1)]
         for j in range(27) for r in range(4)], axis=0)
    FR = jnp.concatenate([F, rel], axis=1)
    kv = jnp.dot(FR, wkv[...], preferred_element_type=f32) + bkv[...]
    K = kv[:, :_H]
    V = kv[:, _H:]

    tx, ty, tz = tb[:, 0:1], tb[:, 1:2], tb[:, 2:3]
    ws = []
    for dx in (0, 1):
        for dy in (0, 1):
            for dz in (0, 1):
                ws.append(((tx if dx else 1.0 - tx)
                           * (ty if dy else 1.0 - ty))
                          * (tz if dz else 1.0 - tz))
    W8 = jnp.concatenate(ws, axis=1)
    CC = jnp.concatenate(
        [unpack(FA4[27 + s], _C) for s in range(8)], axis=1)
    m8 = (lax.broadcasted_iota(jnp.int32, (8, 8 * _C), 1) // _C
          == lax.broadcasted_iota(jnp.int32, (8, 8 * _C), 0)).astype(f32)
    p8 = (lax.broadcasted_iota(jnp.int32, (8 * _C, _C), 0) % _C
          == lax.broadcasted_iota(jnp.int32, (8 * _C, _C), 1)).astype(f32)
    WB = jnp.dot(W8, m8, preferred_element_type=f32)
    ci = jnp.dot(WB * CC, p8, preferred_element_type=f32)
    q = jnp.dot(ci, wq[...], preferred_element_type=f32) + bq[...]

    Qt = jnp.concatenate([q] * 27, axis=0)
    E = Qt * K
    mh = (lax.broadcasted_iota(jnp.int32, (_H, _NH), 0) // _HS
          == lax.broadcasted_iota(jnp.int32, (_H, _NH), 1)).astype(f32)
    S = jnp.dot(E, mh, preferred_element_type=f32) \
        * f32(1.0 / np.sqrt(_HS))

    def _tree(xs, op):
        while len(xs) > 1:
            nxt = [op(xs[i], xs[i + 1]) for i in range(0, len(xs) - 1, 2)]
            if len(xs) % 2:
                nxt.append(xs[-1])
            xs = nxt
        return xs[0]

    m = _tree([S[j * _BLK:(j + 1) * _BLK] for j in range(27)], jnp.maximum)
    P = jnp.exp(S - jnp.concatenate([m] * 27, axis=0))
    ssum = _tree([P[j * _BLK:(j + 1) * _BLK] for j in range(27)],
                 lambda a, b: a + b)
    rinv = jnp.concatenate([1.0 / ssum] * 27, axis=0)
    AB = jnp.dot(P * rinv, mh.T, preferred_element_type=f32)
    AV = AB * V
    agg = _tree([AV[j * _BLK:(j + 1) * _BLK] for j in range(27)],
                lambda a, b: a + b)

    net = jnp.dot(agg, wi[...], preferred_element_type=f32) + bi[...]
    c5 = jnp.dot(agg, wca[...], preferred_element_type=f32) + bca[...]
    for i in range(_NB):
        net = net + c5[:, i * _H:(i + 1) * _H]
        d = jnp.maximum(net, 0.0)
        d = jnp.maximum(
            jnp.dot(d, wb0[i], preferred_element_type=f32) + bb0[i], 0.0)
        net = net + jnp.dot(d, wb1[i], preferred_element_type=f32) + bb1[i]
    o = jnp.maximum(net, 0.0)
    res = jnp.dot(o, wo[...], preferred_element_type=f32) + bo[...]
    out_ref[0] = jnp.concatenate(
        [res[(_BLK // 4) * r:(_BLK // 4) * (r + 1)] for r in range(4)],
        axis=1)


def _tc_dense(idx, pn, t, feat, offs, wd1, bd1, wkv, bkv, wq, bq, wi, bi,
              wca, bca, wb0, bb0, wb1, bb1, wo, bo, interpret=False):
    nblk = _N // _BLK
    pt_spec = lambda d: pl.BlockSpec((1, _BLK // 4, 4 * d),
                                     lambda b, i: (b, i, 0))
    full = lambda shp: pl.BlockSpec(shp, lambda b, i: tuple([0] * len(shp)))
    return pl.pallas_call(
        _tc_body,
        grid=(1, nblk),
        in_specs=[
            pt_spec(3), pt_spec(3), pt_spec(3),
            pl.BlockSpec((1, _NS, _BLK // 4, 4 * _C),
                         lambda b, i: (b, 0, i, 0)),
            full((27, 3)),
            full((3, _H)), full((1, _H)),
            full((_C + _H, 2 * _H)), full((1, 2 * _H)),
            full((_C, _H)), full((1, _H)),
            full((_H, _H)), full((1, _H)),
            full((_H, _NB * _H)), full((1, _NB * _H)),
            full((_NB, _H, _H)), full((_NB, 1, _H)),
            full((_NB, _H, _H)), full((_NB, 1, _H)),
            full((_H, 1)), full((1, 1)),
        ],
        out_specs=pl.BlockSpec((1, _BLK // 4, 4), lambda b, i: (b, i, 0)),
        out_shape=jax.ShapeDtypeStruct((1, _N // 4, 4), jnp.float32),
        compiler_params=pltpu.CompilerParams(
            dimension_semantics=("parallel", "parallel")),
        interpret=interpret,
    )(idx, pn, t, feat, offs, wd1, bd1, wkv, bkv, wq, bq, wi, bi,
      wca, bca, wb0, bb0, wb1, bb1, wo, bo)


def kernel(p, c_grid, Wq, bq, Wk, bk, Wv, bv, Wd1, bd1, Wd2, bd2,
           Wi, bi, Wc, bc, Wb0, bb0, Wb1, bb1, Wo, bo):
    p_nor = jnp.clip(p / (1.0 + _PAD + 1e-3) + 0.5, 0.0, 1.0 - 1e-6)
    coord = p_nor * (_R - 1)
    idx = jnp.round(coord).astype(jnp.int32)
    offs = jnp.asarray(_OFFS)
    nb = jnp.clip(idx[:, :, None, :] + offs[None, None, :, :], 0, _R - 1)
    lin = nb[..., 2] + _R * nb[..., 1] + _R * _R * nb[..., 0]
    c0 = jnp.clip(jnp.floor(coord).astype(jnp.int32), 0, _R - 2)
    t = jnp.clip(coord - c0.astype(jnp.float32), 0.0, 1.0)
    cls = []
    for dx in (0, 1):
        for dy in (0, 1):
            for dz in (0, 1):
                cls.append((c0[..., 2] + dz) + _R * (c0[..., 1] + dy)
                           + _R * _R * (c0[..., 0] + dx))
    cl = jnp.stack(cls, axis=2)
    gidx = jnp.concatenate(
        [jnp.transpose(lin, (0, 2, 1)), jnp.transpose(cl, (0, 2, 1))],
        axis=1)
    gidx = gidx + (jnp.arange(_B, dtype=jnp.int32) * _R3)[:, None, None]
    gidx = gidx.reshape(_B, _NW, _NCH, _CHUNK)

    vol = jnp.transpose(c_grid.reshape(_B, _C, _R3), (0, 2, 1))
    vol = vol.reshape(_B * _R3, _C)

    feat = [_sc_gather(vol, gidx[b]).reshape(1, _NS, _N // 4, 4 * _C)
            for b in range(_B)]

    wkv = jnp.concatenate(
        [jnp.concatenate([Wk, Wd2], axis=0),
         jnp.concatenate([Wv, Wd2], axis=0)], axis=1)
    bkv = jnp.concatenate([bk + bd2, bv + bd2]).reshape(1, 2 * _H)
    wca = jnp.concatenate([Wc[i] for i in range(_NB)], axis=1)
    bca = bc.reshape(1, _NB * _H)

    idxP = idx.reshape(_B, _N // 4, 12)
    pnP = p_nor.reshape(_B, _N // 4, 12)
    tP = t.reshape(_B, _N // 4, 12)
    outs = [
        _tc_dense(
            idxP[b:b + 1], pnP[b:b + 1], tP[b:b + 1], feat[b], offs,
            Wd1, bd1.reshape(1, _H), wkv, bkv, Wq, bq.reshape(1, _H),
            Wi, bi.reshape(1, _H), wca, bca,
            Wb0, bb0.reshape(_NB, 1, _H), Wb1, bb1.reshape(_NB, 1, _H),
            Wo, bo.reshape(1, 1))
        for b in range(_B)]
    return jnp.concatenate(outs, axis=0).reshape(_B, _N)

# --- scband reference (transcript-rebuilt; emitter-appended) ---
"""Pipeline reference for scband-local-decoder-attention-sub-19396072308875 (READ-ONLY COPY).

The authoritative reference and input builder live on the scoring server;
editing this copy changes nothing except your own understanding.
"""

import jax, jax.numpy as jnp
import numpy as np

B, N, C, R, HS, NH, NB = 2, 8192, 32, 64, 32, 2, 5
H = HS * NH
PAD = 0.1


def setup_inputs() -> dict:
    ks = jax.random.split(jax.random.key(0), 20)
    s = 0.05
    d = {}
    d['p'] = jax.random.uniform(ks[0], (B, N, 3), dtype=jnp.float32) - 0.5
    d['c_grid'] = jax.random.normal(ks[1], (B, C, R, R, R), dtype=jnp.float32)
    d['Wq'] = jax.random.normal(ks[2], (C, H), dtype=jnp.float32) * s
    d['bq'] = jnp.zeros((H,), jnp.float32)
    d['Wk'] = jax.random.normal(ks[3], (C, H), dtype=jnp.float32) * s
    d['bk'] = jnp.zeros((H,), jnp.float32)
    d['Wv'] = jax.random.normal(ks[4], (C, H), dtype=jnp.float32) * s
    d['bv'] = jnp.zeros((H,), jnp.float32)
    d['Wd1'] = jax.random.normal(ks[5], (3, H), dtype=jnp.float32) * s
    d['bd1'] = jnp.zeros((H,), jnp.float32)
    d['Wd2'] = jax.random.normal(ks[6], (H, H), dtype=jnp.float32) * s
    d['bd2'] = jnp.zeros((H,), jnp.float32)
    d['Wi'] = jax.random.normal(ks[7], (H, H), dtype=jnp.float32) * s
    d['bi'] = jnp.zeros((H,), jnp.float32)
    d['Wc'] = jax.random.normal(ks[8], (NB, H, H), dtype=jnp.float32) * s
    d['bc'] = jnp.zeros((NB, H), jnp.float32)
    d['Wb0'] = jax.random.normal(ks[9], (NB, H, H), dtype=jnp.float32) * s
    d['bb0'] = jnp.zeros((NB, H), jnp.float32)
    d['Wb1'] = jax.random.normal(ks[10], (NB, H, H), dtype=jnp.float32) * s
    d['bb1'] = jnp.zeros((NB, H), jnp.float32)
    d['Wo'] = jax.random.normal(ks[11], (H, 1), dtype=jnp.float32) * s
    d['bo'] = jnp.zeros((1,), jnp.float32)
    return d


def _forward(p, c_grid, Wq, bq, Wk, bk, Wv, bv, Wd1, bd1, Wd2, bd2, Wi, bi, Wc, bc, Wb0, bb0, Wb1, bb1, Wo, bo):
    # normalize_3d_coordinate: map points into [0,1] unit cube
    p_nor = jnp.clip(p / (1.0 + PAD + 1e-3) + 0.5, 0.0, 1.0 - 1e-6)
    coord = p_nor * (R - 1)
    idx = jnp.round(coord).astype(jnp.int32)
    # 27-neighborhood offsets (find_neighbors_3d with clamping to volume bounds)
    o = jnp.array([-1, 0, 1], dtype=jnp.int32)
    oz, oy, ox = jnp.meshgrid(o, o, o, indexing='ij')
    offs = jnp.stack([ox.ravel(), oy.ravel(), oz.ravel()], axis=-1)  # [27,3]
    nb = jnp.clip(idx[:, :, None, :] + offs[None, None, :, :], 0, R - 1)  # [B,N,27,3]
    lin = nb[..., 2] + R * nb[..., 1] + R * R * nb[..., 0]  # [B,N,27]
    vol = jnp.transpose(c_grid.reshape(B, C, R * R * R), (0, 2, 1))  # [B,R^3,C]
    # get_grid_feature: gather neighbor features (memory-bound gather)
    feat_nb = jnp.take_along_axis(vol, lin.reshape(B, N * 27, 1), axis=1).reshape(B, N, 27, C)
    # displacement encoding fc_di
    disp = nb.astype(jnp.float32) / (R - 1) - p_nor[:, :, None, :]
    di = jax.nn.relu(disp @ Wd1 + bd1) @ Wd2 + bd2  # [B,N,27,H]
    # sample_grid_feature: trilinear interpolation (grid_sample, align_corners=True, border pad)
    c0 = jnp.clip(jnp.floor(coord).astype(jnp.int32), 0, R - 2)
    t = jnp.clip(coord - c0.astype(jnp.float32), 0.0, 1.0)
    c_interp = jnp.zeros((B, N, C), jnp.float32)
    for dx in (0, 1):
        for dy in (0, 1):
            for dz in (0, 1):
                w = ((t[..., 0] if dx else 1.0 - t[..., 0]) * (t[..., 1] if dy else 1.0 - t[..., 1]) * (t[..., 2] if dz else 1.0 - t[..., 2]))
                cl = (c0[..., 2] + dz) + R * (c0[..., 1] + dy) + R * R * (c0[..., 0] + dx)
                fc = jnp.take_along_axis(vol, cl[..., None], axis=1)  # [B,N,C]
                c_interp = c_interp + w[..., None] * fc
    # SubAttention: query from interpolated feature, keys/values from 27 neighbors + disp enc
    q = c_interp @ Wq + bq  # [B,N,H]
    k = feat_nb @ Wk + bk + di  # [B,N,27,H]
    v = feat_nb @ Wv + bv + di
    qh = q.reshape(B, N, NH, HS)
    kh = k.reshape(B, N, 27, NH, HS)
    vh = v.reshape(B, N, 27, NH, HS)
    scores = jnp.einsum('bnhd,bnkhd->bnhk', qh, kh) / np.sqrt(HS).astype(np.float32)
    attn = jax.nn.softmax(scores, axis=-1)
    agg = jnp.einsum('bnhk,bnkhd->bnhd', attn, vh).reshape(B, N, H)
    # decoder trunk: fc_interpolated_fea + n_blocks x (fc_c skip + ResnetBlockFC)
    net = agg @ Wi + bi
    for i in range(NB):
        net = net + agg @ Wc[i] + bc[i]
        dx_ = jax.nn.relu(net)
        dx_ = jax.nn.relu(dx_ @ Wb0[i] + bb0[i])
        net = net + dx_ @ Wb1[i] + bb1[i]
    out = (jax.nn.relu(net) @ Wo + bo)[..., 0]  # [B,N]
    return out


def reference(p, c_grid, Wq, bq, Wk, bk, Wv, bv, Wd1, bd1, Wd2, bd2, Wi, bi, Wc, bc, Wb0, bb0, Wb1, bb1, Wo, bo):
    return _forward(p=p, c_grid=c_grid, Wq=Wq, bq=bq, Wk=Wk, bk=bk, Wv=Wv, bv=bv, Wd1=Wd1, bd1=bd1, Wd2=Wd2, bd2=bd2, Wi=Wi, bi=bi, Wc=Wc, bc=bc, Wb0=Wb0, bb0=bb0, Wb1=Wb1, bb1=bb1, Wo=Wo, bo=bo)

if __name__ == "__main__":
    import jax
    _d = setup_inputs()
    print(jax.jit(kernel)(*tuple(_d.values())))

</pallas_src>

<mosaic_0001>
#map = affine_map<(d0, d1) -> (0, 0)>
#map1 = affine_map<(d0, d1) -> (0, 0, 0)>
module attributes {stable_mosaic.version = 14 : i64} {
  func.func @k(%arg0: i32, %arg1: i32, %arg2: memref<524288x32xf32, #tpu.memory_space<hbm>>, %arg3: memref<32x70x128xi32, #tpu.memory_space<hbm>>, %arg4: memref<286720x32xf32, #tpu.memory_space<hbm>>, %arg5: memref<70x128xi32, #tpu.memory_space<vmem>>, %arg6: memref<128x32xf32, #tpu.memory_space<vmem>>, %arg7: memref<128x32xf32, #tpu.memory_space<vmem>>, %arg8: memref<!tpu.dma_semaphore, #tpu.memory_space<semaphore_mem>>, %arg9: memref<!tpu.dma_semaphore, #tpu.memory_space<semaphore_mem>>) attributes {dimension_semantics = [#tpu.dimension_semantics<core_parallel>, #tpu.dimension_semantics<subcore_parallel>], iteration_bounds = array<i64: 2, 16>, scalar_prefetch = 0 : i64, scratch_operands = 5 : i64, tpu.core_type = #tpu.core_type<sc_vector_subcore>, window_params = [{transform_indices = #map}, {transform_indices = #map1}, {transform_indices = #map}]} {
    %mul3A = arith.constant 2 : i32
    %mul3A_0 = arith.muli %arg1, %mul3A : i32
    %add3A = arith.addi %mul3A_0, %arg0 : i32
    "tpu.region"() ({
      %run_scoped3A = tpu.sem_alloc : memref<!tpu.dma_semaphore, #tpu.memory_space<semaphore_mem>>
      %dma_start3A_21 = arith.constant 0 : i32
      %dma_start3A_22 = arith.constant 0 : i32
      %dma_start3A_23 = tpu.memref_slice %arg3[%add3A, %dma_start3A_21, %dma_start3A_22] : memref<32x70x128xi32, #tpu.memory_space<hbm>> -> memref<1x70x128xi32, #tpu.memory_space<hbm>>
      %dma_start3A_24 = tpu.memref_squeeze %dma_start3A_23 : memref<1x70x128xi32, #tpu.memory_space<hbm>> -> memref<70x128xi32, #tpu.memory_space<hbm>>
      %dma_start3A_25 = arith.constant 0 : i32
      %dma_start3A_26 = arith.constant 0 : i32
      %dma_start3A_27 = tpu.memref_slice %arg3[%add3A, %dma_start3A_25, %dma_start3A_26] : memref<32x70x128xi32, #tpu.memory_space<hbm>> -> memref<1x70x128xi32, #tpu.memory_space<hbm>>
      %dma_start3A_28 = tpu.memref_squeeze %dma_start3A_27 : memref<1x70x128xi32, #tpu.memory_space<hbm>> -> memref<70x128xi32, #tpu.memory_space<hbm>>
      tpu.enqueue_dma source(%dma_start3A_28 : memref<70x128xi32, #tpu.memory_space<hbm>>) target(%arg5 : memref<70x128xi32, #tpu.memory_space<vmem>>) target_semaphore(%run_scoped3A : memref<!tpu.dma_semaphore, #tpu.memory_space<semaphore_mem>>)
      %dma_wait3A = arith.constant 0 : i32
      %dma_wait3A_29 = arith.constant 0 : i32
      %dma_wait3A_30 = tpu.memref_slice %arg3[%add3A, %dma_wait3A, %dma_wait3A_29] : memref<32x70x128xi32, #tpu.memory_space<hbm>> -> memref<1x70x128xi32, #tpu.memory_space<hbm>>
      %dma_wait3A_31 = tpu.memref_squeeze %dma_wait3A_30 : memref<1x70x128xi32, #tpu.memory_space<hbm>> -> memref<70x128xi32, #tpu.memory_space<hbm>>
      %dma_wait3A_32 = arith.constant 0 : i32
      %dma_wait3A_33 = arith.constant 0 : i32
      %dma_wait3A_34 = tpu.memref_slice %arg3[%add3A, %dma_wait3A_32, %dma_wait3A_33] : memref<32x70x128xi32, #tpu.memory_space<hbm>> -> memref<1x70x128xi32, #tpu.memory_space<hbm>>
      %dma_wait3A_35 = tpu.memref_squeeze %dma_wait3A_34 : memref<1x70x128xi32, #tpu.memory_space<hbm>> -> memref<70x128xi32, #tpu.memory_space<hbm>>
      tpu.wait_dma2 semaphore(%run_scoped3A : memref<!tpu.dma_semaphore, #tpu.memory_space<semaphore_mem>>) src(%dma_wait3A_35 : memref<70x128xi32, #tpu.memory_space<hbm>>) dst(%arg5 : memref<70x128xi32, #tpu.memory_space<vmem>>)
      tpu.yield
    }) : () -> ()
    %mul3A_1 = arith.constant 8960 : i32
    %mul3A_2 = arith.muli %add3A, %mul3A_1 : i32
    %dma_start3A = arith.constant 0 : i32
    %dma_start3A_3 = arith.constant 0 : i32
    %dma_start3A_4 = tpu.memref_slice %arg5[%dma_start3A, %dma_start3A_3] : memref<70x128xi32, #tpu.memory_space<vmem>> -> memref<1x128xi32, #tpu.memory_space<vmem>>
    %dma_start3A_5 = tpu.memref_squeeze %dma_start3A_4 : memref<1x128xi32, #tpu.memory_space<vmem>> -> memref<128xi32, #tpu.memory_space<vmem>>
    %dma_start3A_6 = arith.constant 0 : i32
    %dma_start3A_7 = arith.constant 0 : i32
    %dma_start3A_8 = tpu.memref_slice %arg2[%dma_start3A_6, %dma_start3A_7] : memref<524288x32xf32, #tpu.memory_space<hbm>> -> memref<524288x32xf32, #tpu.memory_space<hbm>>
    tpu.enqueue_indirect_dma source(%dma_start3A_8 : memref<524288x32xf32, #tpu.memory_space<hbm>>) target(%arg6 : memref<128x32xf32, #tpu.memory_space<vmem>>) offsets(%dma_start3A_5 : memref<128xi32, #tpu.memory_space<vmem>>) semaphore(%arg8 : memref<!tpu.dma_semaphore, #tpu.memory_space<semaphore_mem>>)
    %dma_start3A_9 = arith.constant 1 : i32
    %dma_start3A_10 = arith.constant 0 : i32
    %dma_start3A_11 = tpu.memref_slice %arg5[%dma_start3A_9, %dma_start3A_10] : memref<70x128xi32, #tpu.memory_space<vmem>> -> memref<1x128xi32, #tpu.memory_space<vmem>>
    %dma_start3A_12 = tpu.memref_squeeze %dma_start3A_11 : memref<1x128xi32, #tpu.memory_space<vmem>> -> memref<128xi32, #tpu.memory_space<vmem>>
    %dma_start3A_13 = arith.constant 0 : i32
    %dma_start3A_14 = arith.constant 0 : i32
    %dma_start3A_15 = tpu.memref_slice %arg2[%dma_start3A_13, %dma_start3A_14] : memref<524288x32xf32, #tpu.memory_space<hbm>> -> memref<524288x32xf32, #tpu.memory_space<hbm>>
    tpu.enqueue_indirect_dma source(%dma_start3A_15 : memref<524288x32xf32, #tpu.memory_space<hbm>>) target(%arg7 : memref<128x32xf32, #tpu.memory_space<vmem>>) offsets(%dma_start3A_12 : memref<128xi32, #tpu.memory_space<vmem>>) semaphore(%arg9 : memref<!tpu.dma_semaphore, #tpu.memory_space<semaphore_mem>>)
    %scan3A = arith.constant 0 : i32
    %scan3A_16 = arith.constant 0 : i32
    %scan3A_17 = arith.constant 35 : i32
    %scan3A_18 = arith.addi %scan3A_16, %scan3A_17 : i32
    %scan3A_19 = arith.constant 1 : i32
    scf.for %scan3A_21 = %scan3A_16 to %scan3A_18 step %scan3A_19  : i32 {
      %mul3A_22 = arith.constant 2 : i32
      %mul3A_23 = arith.muli %scan3A_21, %mul3A_22 : i32
      %add3A_24 = arith.constant 0 : i32
      %add3A_25 = arith.addi %mul3A_23, %add3A_24 : i32
      %dma_wait3A = arith.constant 0 : i32
      %dma_wait3A_26 = tpu.memref_slice %arg5[%add3A_25, %dma_wait3A] : memref<70x128xi32, #tpu.memory_space<vmem>> -> memref<1x128xi32, #tpu.memory_space<vmem>>
      %dma_wait3A_27 = tpu.memref_squeeze %dma_wait3A_26 : memref<1x128xi32, #tpu.memory_space<vmem>> -> memref<128xi32, #tpu.memory_space<vmem>>
      %dma_wait3A_28 = arith.constant 0 : i32
      %dma_wait3A_29 = arith.constant 0 : i32
      %dma_wait3A_30 = tpu.memref_slice %arg2[%dma_wait3A_28, %dma_wait3A_29] : memref<524288x32xf32, #tpu.memory_space<hbm>> -> memref<524288x32xf32, #tpu.memory_space<hbm>>
      tpu.wait_indirect_dma semaphore(%arg8 : memref<!tpu.dma_semaphore, #tpu.memory_space<semaphore_mem>>) src(%dma_wait3A_30 : memref<524288x32xf32, #tpu.memory_space<hbm>>) dst(%arg6 : memref<128x32xf32, #tpu.memory_space<vmem>>)
      %mul3A_31 = arith.constant 128 : i32
      %mul3A_32 = arith.muli %add3A_25, %mul3A_31 : i32
      %add3A_33 = arith.addi %mul3A_2, %mul3A_32 : i32
      "tpu.region"() ({
        %run_scoped3A = tpu.sem_alloc : memref<!tpu.dma_semaphore, #tpu.memory_space<semaphore_mem>>
        %dma_start3A_58 = arith.constant 0 : i32
        %dma_start3A_59 = tpu.memref_slice %arg4[%add3A_33, %dma_start3A_58] : memref<286720x32xf32, #tpu.memory_space<hbm>> -> memref<128x32xf32, #tpu.memory_space<hbm>>
        %dma_start3A_60 = arith.constant 0 : i32
        %dma_start3A_61 = tpu.memref_slice %arg4[%add3A_33, %dma_start3A_60] : memref<286720x32xf32, #tpu.memory_space<hbm>> -> memref<128x32xf32, #tpu.memory_space<hbm>>
        tpu.enqueue_dma source(%arg6 : memref<128x32xf32, #tpu.memory_space<vmem>>) target(%dma_start3A_61 : memref<128x32xf32, #tpu.memory_space<hbm>>) target_semaphore(%run_scoped3A : memref<!tpu.dma_semaphore, #tpu.memory_space<semaphore_mem>>)
        %dma_wait3A_62 = arith.constant 0 : i32
        %dma_wait3A_63 = tpu.memref_slice %arg4[%add3A_33, %dma_wait3A_62] : memref<286720x32xf32, #tpu.memory_space<hbm>> -> memref<128x32xf32, #tpu.memory_space<hbm>>
        %dma_wait3A_64 = arith.constant 0 : i32
        %dma_wait3A_65 = tpu.memref_slice %arg4[%add3A_33, %dma_wait3A_64] : memref<286720x32xf32, #tpu.memory_space<hbm>> -> memref<128x32xf32, #tpu.memory_space<hbm>>
        tpu.wait_dma2 semaphore(%run_scoped3A : memref<!tpu.dma_semaphore, #tpu.memory_space<semaphore_mem>>) src(%arg6 : memref<128x32xf32, #tpu.memory_space<vmem>>) dst(%dma_wait3A_65 : memref<128x32xf32, #tpu.memory_space<hbm>>)
        tpu.yield
      }) : () -> ()
      %add3A_34 = arith.constant 2 : i32
      %add3A_35 = arith.addi %add3A_25, %add3A_34 : i32
      %lt3A = arith.constant 70 : i32
      %lt3A_36 = arith.cmpi slt, %add3A_35, %lt3A : i32
      %convert_element_type3A = arith.extui %lt3A_36 : i1 to i32
      %cond3A = arith.constant 0 : i32
      %cond3A_37 = arith.cmpi ne, %convert_element_type3A, %cond3A : i32
      scf.if %cond3A_37 {
        %add3A_58 = arith.constant 2 : i32
        %add3A_59 = arith.addi %add3A_25, %add3A_58 : i32
        %dma_start3A_60 = arith.constant 0 : i32
        %dma_start3A_61 = tpu.memref_slice %arg5[%add3A_59, %dma_start3A_60] : memref<70x128xi32, #tpu.memory_space<vmem>> -> memref<1x128xi32, #tpu.memory_space<vmem>>
        %dma_start3A_62 = tpu.memref_squeeze %dma_start3A_61 : memref<1x128xi32, #tpu.memory_space<vmem>> -> memref<128xi32, #tpu.memory_space<vmem>>
        %dma_start3A_63 = arith.constant 0 : i32
        %dma_start3A_64 = arith.constant 0 : i32
        %dma_start3A_65 = tpu.memref_slice %arg2[%dma_start3A_63, %dma_start3A_64] : memref<524288x32xf32, #tpu.memory_space<hbm>> -> memref<524288x32xf32, #tpu.memory_space<hbm>>
        tpu.enqueue_indirect_dma source(%dma_start3A_65 : memref<524288x32xf32, #tpu.memory_space<hbm>>) target(%arg6 : memref<128x32xf32, #tpu.memory_space<vmem>>) offsets(%dma_start3A_62 : memref<128xi32, #tpu.memory_space<vmem>>) semaphore(%arg8 : memref<!tpu.dma_semaphore, #tpu.memory_space<semaphore_mem>>)
      } else {
      }
      %mul3A_38 = arith.constant 2 : i32
      %mul3A_39 = arith.muli %scan3A_21, %mul3A_38 : i32
      %add3A_40 = arith.constant 1 : i32
      %add3A_41 = arith.addi %mul3A_39, %add3A_40 : i32
      %dma_wait3A_42 = arith.constant 0 : i32
      %dma_wait3A_43 = tpu.memref_slice %arg5[%add3A_41, %dma_wait3A_42] : memref<70x128xi32, #tpu.memory_space<vmem>> -> memref<1x128xi32, #tpu.memory_space<vmem>>
      %dma_wait3A_44 = tpu.memref_squeeze %dma_wait3A_43 : memref<1x128xi32, #tpu.memory_space<vmem>> -> memref<128xi32, #tpu.memory_space<vmem>>
      %dma_wait3A_45 = arith.constant 0 : i32
      %dma_wait3A_46 = arith.constant 0 : i32
      %dma_wait3A_47 = tpu.memref_slice %arg2[%dma_wait3A_45, %dma_wait3A_46] : memref<524288x32xf32, #tpu.memory_space<hbm>> -> memref<524288x32xf32, #tpu.memory_space<hbm>>
      tpu.wait_indirect_dma semaphore(%arg9 : memref<!tpu.dma_semaphore, #tpu.memory_space<semaphore_mem>>) src(%dma_wait3A_47 : memref<524288x32xf32, #tpu.memory_space<hbm>>) dst(%arg7 : memref<128x32xf32, #tpu.memory_space<vmem>>)
      %mul3A_48 = arith.constant 128 : i32
      %mul3A_49 = arith.muli %add3A_41, %mul3A_48 : i32
      %add3A_50 = arith.addi %mul3A_2, %mul3A_49 : i32
      "tpu.region"() ({
        %run_scoped3A = tpu.sem_alloc : memref<!tpu.dma_semaphore, #tpu.memory_space<semaphore_mem>>
        %dma_start3A_58 = arith.constant 0 : i32
        %dma_start3A_59 = tpu.memref_slice %arg4[%add3A_50, %dma_start3A_58] : memref<286720x32xf32, #tpu.memory_space<hbm>> -> memref<128x32xf32, #tpu.memory_space<hbm>>
        %dma_start3A_60 = arith.constant 0 : i32
        %dma_start3A_61 = tpu.memref_slice %arg4[%add3A_50, %dma_start3A_60] : memref<286720x32xf32, #tpu.memory_space<hbm>> -> memref<128x32xf32, #tpu.memory_space<hbm>>
        tpu.enqueue_dma source(%arg7 : memref<128x32xf32, #tpu.memory_space<vmem>>) target(%dma_start3A_61 : memref<128x32xf32, #tpu.memory_space<hbm>>) target_semaphore(%run_scoped3A : memref<!tpu.dma_semaphore, #tpu.memory_space<semaphore_mem>>)
        %dma_wait3A_62 = arith.constant 0 : i32
        %dma_wait3A_63 = tpu.memref_slice %arg4[%add3A_50, %dma_wait3A_62] : memref<286720x32xf32, #tpu.memory_space<hbm>> -> memref<128x32xf32, #tpu.memory_space<hbm>>
        %dma_wait3A_64 = arith.constant 0 : i32
        %dma_wait3A_65 = tpu.memref_slice %arg4[%add3A_50, %dma_wait3A_64] : memref<286720x32xf32, #tpu.memory_space<hbm>> -> memref<128x32xf32, #tpu.memory_space<hbm>>
        tpu.wait_dma2 semaphore(%run_scoped3A : memref<!tpu.dma_semaphore, #tpu.memory_space<semaphore_mem>>) src(%arg7 : memref<128x32xf32, #tpu.memory_space<vmem>>) dst(%dma_wait3A_65 : memref<128x32xf32, #tpu.memory_space<hbm>>)
        tpu.yield
      }) : () -> ()
      %add3A_51 = arith.constant 2 : i32
      %add3A_52 = arith.addi %add3A_41, %add3A_51 : i32
      %lt3A_53 = arith.constant 70 : i32
      %lt3A_54 = arith.cmpi slt, %add3A_52, %lt3A_53 : i32
      %convert_element_type3A_55 = arith.extui %lt3A_54 : i1 to i32
      %cond3A_56 = arith.constant 0 : i32
      %cond3A_57 = arith.cmpi ne, %convert_element_type3A_55, %cond3A_56 : i32
      scf.if %cond3A_57 {
        %add3A_58 = arith.constant 2 : i32
        %add3A_59 = arith.addi %add3A_41, %add3A_58 : i32
        %dma_start3A_60 = arith.constant 0 : i32
        %dma_start3A_61 = tpu.memref_slice %arg5[%add3A_59, %dma_start3A_60] : memref<70x128xi32, #tpu.memory_space<vmem>> -> memref<1x128xi32, #tpu.memory_space<vmem>>
        %dma_start3A_62 = tpu.memref_squeeze %dma_start3A_61 : memref<1x128xi32, #tpu.memory_space<vmem>> -> memref<128xi32, #tpu.memory_space<vmem>>
        %dma_start3A_63 = arith.constant 0 : i32
        %dma_start3A_64 = arith.constant 0 : i32
        %dma_start3A_65 = tpu.memref_slice %arg2[%dma_start3A_63, %dma_start3A_64] : memref<524288x32xf32, #tpu.memory_space<hbm>> -> memref<524288x32xf32, #tpu.memory_space<hbm>>
        tpu.enqueue_indirect_dma source(%dma_start3A_65 : memref<524288x32xf32, #tpu.memory_space<hbm>>) target(%arg7 : memref<128x32xf32, #tpu.memory_space<vmem>>) offsets(%dma_start3A_62 : memref<128xi32, #tpu.memory_space<vmem>>) semaphore(%arg9 : memref<!tpu.dma_semaphore, #tpu.memory_space<semaphore_mem>>)
      } else {
      }
    }
    %scan3A_20 = arith.constant 35 : i32
    return
  }
}

#map = affine_map<(d0, d1) -> (0, 0)>
#map1 = affine_map<(d0, d1) -> (0, 0, 0)>
module attributes {stable_mosaic.version = 14 : i64} {
  func.func @k(%arg0: i32, %arg1: i32, %arg2: memref<524288x32xf32, #tpu.memory_space<hbm>>, %arg3: memref<32x70x128xi32, #tpu.memory_space<hbm>>, %arg4: memref<286720x32xf32, #tpu.memory_space<hbm>>, %arg5: memref<70x128xi32, #tpu.memory_space<vmem>>, %arg6: memref<128x32xf32, #tpu.memory_space<vmem>>, %arg7: memref<128x32xf32, #tpu.memory_space<vmem>>, %arg8: memref<!tpu.dma_semaphore, #tpu.memory_space<semaphore_mem>>, %arg9: memref<!tpu.dma_semaphore, #tpu.memory_space<semaphore_mem>>) attributes {dimension_semantics = [#tpu.dimension_semantics<core_parallel>, #tpu.dimension_semantics<subcore_parallel>], iteration_bounds = array<i64: 2, 16>, scalar_prefetch = 0 : i64, scratch_operands = 5 : i64, tpu.core_type = #tpu.core_type<sc_vector_subcore>, window_params = [{transform_indices = #map}, {transform_indices = #map1}, {transform_indices = #map}]} {
    %mul3A = arith.constant 2 : i32
    %mul3A_0 = arith.muli %arg1, %mul3A : i32
    %add3A = arith.addi %mul3A_0, %arg0 : i32
    "tpu.region"() ({
      %run_scoped3A = tpu.sem_alloc : memref<!tpu.dma_semaphore, #tpu.memory_space<semaphore_mem>>
      %dma_start3A_21 = arith.constant 0 : i32
      %dma_start3A_22 = arith.constant 0 : i32
      %dma_start3A_23 = tpu.memref_slice %arg3[%add3A, %dma_start3A_21, %dma_start3A_22] : memref<32x70x128xi32, #tpu.memory_space<hbm>> -> memref<1x70x128xi32, #tpu.memory_space<hbm>>
      %dma_start3A_24 = tpu.memref_squeeze %dma_start3A_23 : memref<1x70x128xi32, #tpu.memory_space<hbm>> -> memref<70x128xi32, #tpu.memory_space<hbm>>
      %dma_start3A_25 = arith.constant 0 : i32
      %dma_start3A_26 = arith.constant 0 : i32
      %dma_start3A_27 = tpu.memref_slice %arg3[%add3A, %dma_start3A_25, %dma_start3A_26] : memref<32x70x128xi32, #tpu.memory_space<hbm>> -> memref<1x70x128xi32, #tpu.memory_space<hbm>>
      %dma_start3A_28 = tpu.memref_squeeze %dma_start3A_27 : memref<1x70x128xi32, #tpu.memory_space<hbm>> -> memref<70x128xi32, #tpu.memory_space<hbm>>
      tpu.enqueue_dma source(%dma_start3A_28 : memref<70x128xi32, #tpu.memory_space<hbm>>) target(%arg5 : memref<70x128xi32, #tpu.memory_space<vmem>>) target_semaphore(%run_scoped3A : memref<!tpu.dma_semaphore, #tpu.memory_space<semaphore_mem>>)
      %dma_wait3A = arith.constant 0 : i32
      %dma_wait3A_29 = arith.constant 0 : i32
      %dma_wait3A_30 = tpu.memref_slice %arg3[%add3A, %dma_wait3A, %dma_wait3A_29] : memref<32x70x128xi32, #tpu.memory_space<hbm>> -> memref<1x70x128xi32, #tpu.memory_space<hbm>>
      %dma_wait3A_31 = tpu.memref_squeeze %dma_wait3A_30 : memref<1x70x128xi32, #tpu.memory_space<hbm>> -> memref<70x128xi32, #tpu.memory_space<hbm>>
      %dma_wait3A_32 = arith.constant 0 : i32
      %dma_wait3A_33 = arith.constant 0 : i32
      %dma_wait3A_34 = tpu.memref_slice %arg3[%add3A, %dma_wait3A_32, %dma_wait3A_33] : memref<32x70x128xi32, #tpu.memory_space<hbm>> -> memref<1x70x128xi32, #tpu.memory_space<hbm>>
      %dma_wait3A_35 = tpu.memref_squeeze %dma_wait3A_34 : memref<1x70x128xi32, #tpu.memory_space<hbm>> -> memref<70x128xi32, #tpu.memory_space<hbm>>
      tpu.wait_dma2 semaphore(%run_scoped3A : memref<!tpu.dma_semaphore, #tpu.memory_space<semaphore_mem>>) src(%dma_wait3A_35 : memref<70x128xi32, #tpu.memory_space<hbm>>) dst(%arg5 : memref<70x128xi32, #tpu.memory_space<vmem>>)
      tpu.yield
    }) : () -> ()
    %mul3A_1 = arith.constant 8960 : i32
    %mul3A_2 = arith.muli %add3A, %mul3A_1 : i32
    %dma_start3A = arith.constant 0 : i32
    %dma_start3A_3 = arith.constant 0 : i32
    %dma_start3A_4 = tpu.memref_slice %arg5[%dma_start3A, %dma_start3A_3] : memref<70x128xi32, #tpu.memory_space<vmem>> -> memref<1x128xi32, #tpu.memory_space<vmem>>
    %dma_start3A_5 = tpu.memref_squeeze %dma_start3A_4 : memref<1x128xi32, #tpu.memory_space<vmem>> -> memref<128xi32, #tpu.memory_space<vmem>>
    %dma_start3A_6 = arith.constant 0 : i32
    %dma_start3A_7 = arith.constant 0 : i32
    %dma_start3A_8 = tpu.memref_slice %arg2[%dma_start3A_6, %dma_start3A_7] : memref<524288x32xf32, #tpu.memory_space<hbm>> -> memref<524288x32xf32, #tpu.memory_space<hbm>>
    tpu.enqueue_indirect_dma source(%dma_start3A_8 : memref<524288x32xf32, #tpu.memory_space<hbm>>) target(%arg6 : memref<128x32xf32, #tpu.memory_space<vmem>>) offsets(%dma_start3A_5 : memref<128xi32, #tpu.memory_space<vmem>>) semaphore(%arg8 : memref<!tpu.dma_semaphore, #tpu.memory_space<semaphore_mem>>)
    %dma_start3A_9 = arith.constant 1 : i32
    %dma_start3A_10 = arith.constant 0 : i32
    %dma_start3A_11 = tpu.memref_slice %arg5[%dma_start3A_9, %dma_start3A_10] : memref<70x128xi32, #tpu.memory_space<vmem>> -> memref<1x128xi32, #tpu.memory_space<vmem>>
    %dma_start3A_12 = tpu.memref_squeeze %dma_start3A_11 : memref<1x128xi32, #tpu.memory_space<vmem>> -> memref<128xi32, #tpu.memory_space<vmem>>
    %dma_start3A_13 = arith.constant 0 : i32
    %dma_start3A_14 = arith.constant 0 : i32
    %dma_start3A_15 = tpu.memref_slice %arg2[%dma_start3A_13, %dma_start3A_14] : memref<524288x32xf32, #tpu.memory_space<hbm>> -> memref<524288x32xf32, #tpu.memory_space<hbm>>
    tpu.enqueue_indirect_dma source(%dma_start3A_15 : memref<524288x32xf32, #tpu.memory_space<hbm>>) target(%arg7 : memref<128x32xf32, #tpu.memory_space<vmem>>) offsets(%dma_start3A_12 : memref<128xi32, #tpu.memory_space<vmem>>) semaphore(%arg9 : memref<!tpu.dma_semaphore, #tpu.memory_space<semaphore_mem>>)
    %scan3A = arith.constant 0 : i32
    %scan3A_16 = arith.constant 0 : i32
    %scan3A_17 = arith.constant 35 : i32
    %scan3A_18 = arith.addi %scan3A_16, %scan3A_17 : i32
    %scan3A_19 = arith.constant 1 : i32
    scf.for %scan3A_21 = %scan3A_16 to %scan3A_18 step %scan3A_19  : i32 {
      %mul3A_22 = arith.constant 2 : i32
      %mul3A_23 = arith.muli %scan3A_21, %mul3A_22 : i32
      %add3A_24 = arith.constant 0 : i32
      %add3A_25 = arith.addi %mul3A_23, %add3A_24 : i32
      %dma_wait3A = arith.constant 0 : i32
      %dma_wait3A_26 = tpu.memref_slice %arg5[%add3A_25, %dma_wait3A] : memref<70x128xi32, #tpu.memory_space<vmem>> -> memref<1x128xi32, #tpu.memory_space<vmem>>
      %dma_wait3A_27 = tpu.memref_squeeze %dma_wait3A_26 : memref<1x128xi32, #tpu.memory_space<vmem>> -> memref<128xi32, #tpu.memory_space<vmem>>
      %dma_wait3A_28 = arith.constant 0 : i32
      %dma_wait3A_29 = arith.constant 0 : i32
      %dma_wait3A_30 = tpu.memref_slice %arg2[%dma_wait3A_28, %dma_wait3A_29] : memref<524288x32xf32, #tpu.memory_space<hbm>> -> memref<524288x32xf32, #tpu.memory_space<hbm>>
      tpu.wait_indirect_dma semaphore(%arg8 : memref<!tpu.dma_semaphore, #tpu.memory_space<semaphore_mem>>) src(%dma_wait3A_30 : memref<524288x32xf32, #tpu.memory_space<hbm>>) dst(%arg6 : memref<128x32xf32, #tpu.memory_space<vmem>>)
      %mul3A_31 = arith.constant 128 : i32
      %mul3A_32 = arith.muli %add3A_25, %mul3A_31 : i32
      %add3A_33 = arith.addi %mul3A_2, %mul3A_32 : i32
      "tpu.region"() ({
        %run_scoped3A = tpu.sem_alloc : memref<!tpu.dma_semaphore, #tpu.memory_space<semaphore_mem>>
        %dma_start3A_58 = arith.constant 0 : i32
        %dma_start3A_59 = tpu.memref_slice %arg4[%add3A_33, %dma_start3A_58] : memref<286720x32xf32, #tpu.memory_space<hbm>> -> memref<128x32xf32, #tpu.memory_space<hbm>>
        %dma_start3A_60 = arith.constant 0 : i32
        %dma_start3A_61 = tpu.memref_slice %arg4[%add3A_33, %dma_start3A_60] : memref<286720x32xf32, #tpu.memory_space<hbm>> -> memref<128x32xf32, #tpu.memory_space<hbm>>
        tpu.enqueue_dma source(%arg6 : memref<128x32xf32, #tpu.memory_space<vmem>>) target(%dma_start3A_61 : memref<128x32xf32, #tpu.memory_space<hbm>>) target_semaphore(%run_scoped3A : memref<!tpu.dma_semaphore, #tpu.memory_space<semaphore_mem>>)
        %dma_wait3A_62 = arith.constant 0 : i32
        %dma_wait3A_63 = tpu.memref_slice %arg4[%add3A_33, %dma_wait3A_62] : memref<286720x32xf32, #tpu.memory_space<hbm>> -> memref<128x32xf32, #tpu.memory_space<hbm>>
        %dma_wait3A_64 = arith.constant 0 : i32
        %dma_wait3A_65 = tpu.memref_slice %arg4[%add3A_33, %dma_wait3A_64] : memref<286720x32xf32, #tpu.memory_space<hbm>> -> memref<128x32xf32, #tpu.memory_space<hbm>>
        tpu.wait_dma2 semaphore(%run_scoped3A : memref<!tpu.dma_semaphore, #tpu.memory_space<semaphore_mem>>) src(%arg6 : memref<128x32xf32, #tpu.memory_space<vmem>>) dst(%dma_wait3A_65 : memref<128x32xf32, #tpu.memory_space<hbm>>)
        tpu.yield
      }) : () -> ()
      %add3A_34 = arith.constant 2 : i32
      %add3A_35 = arith.addi %add3A_25, %add3A_34 : i32
      %lt3A = arith.constant 70 : i32
      %lt3A_36 = arith.cmpi slt, %add3A_35, %lt3A : i32
      %convert_element_type3A = arith.extui %lt3A_36 : i1 to i32
      %cond3A = arith.constant 0 : i32
      %cond3A_37 = arith.cmpi ne, %convert_element_type3A, %cond3A : i32
      scf.if %cond3A_37 {
        %add3A_58 = arith.constant 2 : i32
        %add3A_59 = arith.addi %add3A_25, %add3A_58 : i32
        %dma_start3A_60 = arith.constant 0 : i32
        %dma_start3A_61 = tpu.memref_slice %arg5[%add3A_59, %dma_start3A_60] : memref<70x128xi32, #tpu.memory_space<vmem>> -> memref<1x128xi32, #tpu.memory_space<vmem>>
        %dma_start3A_62 = tpu.memref_squeeze %dma_start3A_61 : memref<1x128xi32, #tpu.memory_space<vmem>> -> memref<128xi32, #tpu.memory_space<vmem>>
        %dma_start3A_63 = arith.constant 0 : i32
        %dma_start3A_64 = arith.constant 0 : i32
        %dma_start3A_65 = tpu.memref_slice %arg2[%dma_start3A_63, %dma_start3A_64] : memref<524288x32xf32, #tpu.memory_space<hbm>> -> memref<524288x32xf32, #tpu.memory_space<hbm>>
        tpu.enqueue_indirect_dma source(%dma_start3A_65 : memref<524288x32xf32, #tpu.memory_space<hbm>>) target(%arg6 : memref<128x32xf32, #tpu.memory_space<vmem>>) offsets(%dma_start3A_62 : memref<128xi32, #tpu.memory_space<vmem>>) semaphore(%arg8 : memref<!tpu.dma_semaphore, #tpu.memory_space<semaphore_mem>>)
      } else {
      }
      %mul3A_38 = arith.constant 2 : i32
      %mul3A_39 = arith.muli %scan3A_21, %mul3A_38 : i32
      %add3A_40 = arith.constant 1 : i32
      %add3A_41 = arith.addi %mul3A_39, %add3A_40 : i32
      %dma_wait3A_42 = arith.constant 0 : i32
      %dma_wait3A_43 = tpu.memref_slice %arg5[%add3A_41, %dma_wait3A_42] : memref<70x128xi32, #tpu.memory_space<vmem>> -> memref<1x128xi32, #tpu.memory_space<vmem>>
      %dma_wait3A_44 = tpu.memref_squeeze %dma_wait3A_43 : memref<1x128xi32, #tpu.memory_space<vmem>> -> memref<128xi32, #tpu.memory_space<vmem>>
      %dma_wait3A_45 = arith.constant 0 : i32
      %dma_wait3A_46 = arith.constant 0 : i32
      %dma_wait3A_47 = tpu.memref_slice %arg2[%dma_wait3A_45, %dma_wait3A_46] : memref<524288x32xf32, #tpu.memory_space<hbm>> -> memref<524288x32xf32, #tpu.memory_space<hbm>>
      tpu.wait_indirect_dma semaphore(%arg9 : memref<!tpu.dma_semaphore, #tpu.memory_space<semaphore_mem>>) src(%dma_wait3A_47 : memref<524288x32xf32, #tpu.memory_space<hbm>>) dst(%arg7 : memref<128x32xf32, #tpu.memory_space<vmem>>)
      %mul3A_48 = arith.constant 128 : i32
      %mul3A_49 = arith.muli %add3A_41, %mul3A_48 : i32
      %add3A_50 = arith.addi %mul3A_2, %mul3A_49 : i32
      "tpu.region"() ({
        %run_scoped3A = tpu.sem_alloc : memref<!tpu.dma_semaphore, #tpu.memory_space<semaphore_mem>>
        %dma_start3A_58 = arith.constant 0 : i32
        %dma_start3A_59 = tpu.memref_slice %arg4[%add3A_50, %dma_start3A_58] : memref<286720x32xf32, #tpu.memory_space<hbm>> -> memref<128x32xf32, #tpu.memory_space<hbm>>
        %dma_start3A_60 = arith.constant 0 : i32
        %dma_start3A_61 = tpu.memref_slice %arg4[%add3A_50, %dma_start3A_60] : memref<286720x32xf32, #tpu.memory_space<hbm>> -> memref<128x32xf32, #tpu.memory_space<hbm>>
        tpu.enqueue_dma source(%arg7 : memref<128x32xf32, #tpu.memory_space<vmem>>) target(%dma_start3A_61 : memref<128x32xf32, #tpu.memory_space<hbm>>) target_semaphore(%run_scoped3A : memref<!tpu.dma_semaphore, #tpu.memory_space<semaphore_mem>>)
        %dma_wait3A_62 = arith.constant 0 : i32
        %dma_wait3A_63 = tpu.memref_slice %arg4[%add3A_50, %dma_wait3A_62] : memref<286720x32xf32, #tpu.memory_space<hbm>> -> memref<128x32xf32, #tpu.memory_space<hbm>>
        %dma_wait3A_64 = arith.constant 0 : i32
        %dma_wait3A_65 = tpu.memref_slice %arg4[%add3A_50, %dma_wait3A_64] : memref<286720x32xf32, #tpu.memory_space<hbm>> -> memref<128x32xf32, #tpu.memory_space<hbm>>
        tpu.wait_dma2 semaphore(%run_scoped3A : memref<!tpu.dma_semaphore, #tpu.memory_space<semaphore_mem>>) src(%arg7 : memref<128x32xf32, #tpu.memory_space<vmem>>) dst(%dma_wait3A_65 : memref<128x32xf32, #tpu.memory_space<hbm>>)
        tpu.yield
      }) : () -> ()
      %add3A_51 = arith.constant 2 : i32
      %add3A_52 = arith.addi %add3A_41, %add3A_51 : i32
      %lt3A_53 = arith.constant 70 : i32
      %lt3A_54 = arith.cmpi slt, %add3A_52, %lt3A_53 : i32
      %convert_element_type3A_55 = arith.extui %lt3A_54 : i1 to i32
      %cond3A_56 = arith.constant 0 : i32
      %cond3A_57 = arith.cmpi ne, %convert_element_type3A_55, %cond3A_56 : i32
      scf.if %cond3A_57 {
        %add3A_58 = arith.constant 2 : i32
        %add3A_59 = arith.addi %add3A_41, %add3A_58 : i32
        %dma_start3A_60 = arith.constant 0 : i32
        %dma_start3A_61 = tpu.memref_slice %arg5[%add3A_59, %dma_start3A_60] : memref<70x128xi32, #tpu.memory_space<vmem>> -> memref<1x128xi32, #tpu.memory_space<vmem>>
        %dma_start3A_62 = tpu.memref_squeeze %dma_start3A_61 : memref<1x128xi32, #tpu.memory_space<vmem>> -> memref<128xi32, #tpu.memory_space<vmem>>
        %dma_start3A_63 = arith.constant 0 : i32
        %dma_start3A_64 = arith.constant 0 : i32
        %dma_start3A_65 = tpu.memref_slice %arg2[%dma_start3A_63, %dma_start3A_64] : memref<524288x32xf32, #tpu.memory_space<hbm>> -> memref<524288x32xf32, #tpu.memory_space<hbm>>
        tpu.enqueue_indirect_dma source(%dma_start3A_65 : memref<524288x32xf32, #tpu.memory_space<hbm>>) target(%arg7 : memref<128x32xf32, #tpu.memory_space<vmem>>) offsets(%dma_start3A_62 : memref<128xi32, #tpu.memory_space<vmem>>) semaphore(%arg9 : memref<!tpu.dma_semaphore, #tpu.memory_space<semaphore_mem>>)
      } else {
      }
    }
    %scan3A_20 = arith.constant 35 : i32
    return
  }
}

module attributes {stable_mosaic.version = 14 : i64} {
  func.func @_tc_body(%arg0: i32, %arg1: i32, %arg2: memref<1x128x12xi32, #tpu.memory_space<vmem>>, %arg3: memref<1x128x12xf32, #tpu.memory_space<vmem>>, %arg4: memref<1x128x12xf32, #tpu.memory_space<vmem>>, %arg5: memref<1x35x128x128xf32, #tpu.memory_space<vmem>>, %arg6: memref<27x3xi32, #tpu.memory_space<vmem>>, %arg7: memref<3x64xf32, #tpu.memory_space<vmem>>, %arg8: memref<1x64xf32, #tpu.memory_space<vmem>>, %arg9: memref<96x128xf32, #tpu.memory_space<vmem>>, %arg10: memref<1x128xf32, #tpu.memory_space<vmem>>, %arg11: memref<32x64xf32, #tpu.memory_space<vmem>>, %arg12: memref<1x64xf32, #tpu.memory_space<vmem>>, %arg13: memref<64x64xf32, #tpu.memory_space<vmem>>, %arg14: memref<1x64xf32, #tpu.memory_space<vmem>>, %arg15: memref<64x320xf32, #tpu.memory_space<vmem>>, %arg16: memref<1x320xf32, #tpu.memory_space<vmem>>, %arg17: memref<5x64x64xf32, #tpu.memory_space<vmem>>, %arg18: memref<5x1x64xf32, #tpu.memory_space<vmem>>, %arg19: memref<5x64x64xf32, #tpu.memory_space<vmem>>, %arg20: memref<5x1x64xf32, #tpu.memory_space<vmem>>, %arg21: memref<64x1xf32, #tpu.memory_space<vmem>>, %arg22: memref<1x1xf32, #tpu.memory_space<vmem>>, %arg23: memref<1x128x4xf32, #tpu.memory_space<vmem>>) attributes {dimension_semantics = [#tpu.dimension_semantics<parallel>, #tpu.dimension_semantics<parallel>], iteration_bounds = array<i64: 1, 16>, scalar_prefetch = 0 : i64, scratch_operands = 0 : i64, tpu.core_type = #tpu.core_type<tc>, window_params = [{transform_indices = @transform_0, window_bounds = array<i64: 1, 128, 12>}, {transform_indices = @transform_1, window_bounds = array<i64: 1, 128, 12>}, {transform_indices = @transform_2, window_bounds = array<i64: 1, 128, 12>}, {transform_indices = @transform_3, window_bounds = array<i64: 1, 35, 128, 128>}, {pipeline_mode = #tpu.pipeline_mode<synchronous>, transform_indices = @transform_4, window_bounds = array<i64: 27, 3>}, {pipeline_mode = #tpu.pipeline_mode<synchronous>, transform_indices = @transform_5, window_bounds = array<i64: 3, 64>}, {pipeline_mode = #tpu.pipeline_mode<synchronous>, transform_indices = @transform_6, window_bounds = array<i64: 1, 64>}, {pipeline_mode = #tpu.pipeline_mode<synchronous>, transform_indices = @transform_7, window_bounds = array<i64: 96, 128>}, {pipeline_mode = #tpu.pipeline_mode<synchronous>, transform_indices = @transform_8, window_bounds = array<i64: 1, 128>}, {pipeline_mode = #tpu.pipeline_mode<synchronous>, transform_indices = @transform_9, window_bounds = array<i64: 32, 64>}, {pipeline_mode = #tpu.pipeline_mode<synchronous>, transform_indices = @transform_10, window_bounds = array<i64: 1, 64>}, {pipeline_mode = #tpu.pipeline_mode<synchronous>, transform_indices = @transform_11, window_bounds = array<i64: 64, 64>}, {pipeline_mode = #tpu.pipeline_mode<synchronous>, transform_indices = @transform_12, window_bounds = array<i64: 1, 64>}, {pipeline_mode = #tpu.pipeline_mode<synchronous>, transform_indices = @transform_13, window_bounds = array<i64: 64, 320>}, {pipeline_mode = #tpu.pipeline_mode<synchronous>, transform_indices = @transform_14, window_bounds = array<i64: 1, 320>}, {pipeline_mode = #tpu.pipeline_mode<synchronous>, transform_indices = @transform_15, window_bounds = array<i64: 5, 64, 64>}, {pipeline_mode = #tpu.pipeline_mode<synchronous>, transform_indices = @transform_16, window_bounds = array<i64: 5, 1, 64>}, {pipeline_mode = #tpu.pipeline_mode<synchronous>, transform_indices = @transform_17, window_bounds = array<i64: 5, 64, 64>}, {pipeline_mode = #tpu.pipeline_mode<synchronous>, transform_indices = @transform_18, window_bounds = array<i64: 5, 1, 64>}, {pipeline_mode = #tpu.pipeline_mode<synchronous>, transform_indices = @transform_19, window_bounds = array<i64: 64, 1>}, {pipeline_mode = #tpu.pipeline_mode<synchronous>, transform_indices = @transform_20, window_bounds = array<i64: 1, 1>}, {transform_indices = @transform_21, window_bounds = array<i64: 1, 128, 4>}]} {
    %get3A = arith.constant 0 : index
    %get3A_0 = arith.constant 0 : index
    %get3A_1 = arith.constant 0 : index
    %get3A_2 = vector.load %arg2[%get3A, %get3A_0, %get3A_1] : memref<1x128x12xi32, #tpu.memory_space<vmem>>, vector<1x128x12xi32>
    %get3A_3 = vector.shape_cast %get3A_2 : vector<1x128x12xi32> to vector<128x12xi32>
    %slice3A = vector.extract_strided_slice %get3A_3 {offsets = [0, 0], sizes = [128, 3], strides = [1, 1]} : vector<128x12xi32> to vector<128x3xi32>
    %slice3A_4 = vector.extract_strided_slice %get3A_3 {offsets = [0, 3], sizes = [128, 3], strides = [1, 1]} : vector<128x12xi32> to vector<128x3xi32>
    %slice3A_5 = vector.extract_strided_slice %get3A_3 {offsets = [0, 6], sizes = [128, 3], strides = [1, 1]} : vector<128x12xi32> to vector<128x3xi32>
    %slice3A_6 = vector.extract_strided_slice %get3A_3 {offsets = [0, 9], sizes = [128, 3], strides = [1, 1]} : vector<128x12xi32> to vector<128x3xi32>
    %concatenate3A = tpu.concatenate %slice3A, %slice3A_4, %slice3A_5, %slice3A_6 in 0 : vector<128x3xi32>, vector<128x3xi32>, vector<128x3xi32>, vector<128x3xi32> -> vector<512x3xi32>
    %get3A_7 = arith.constant 0 : index
    %get3A_8 = arith.constant 0 : index
    %get3A_9 = arith.constant 0 : index
    %get3A_10 = vector.load %arg3[%get3A_7, %get3A_8, %get3A_9] : memref<1x128x12xf32, #tpu.memory_space<vmem>>, vector<1x128x12xf32>
    %get3A_11 = vector.shape_cast %get3A_10 : vector<1x128x12xf32> to vector<128x12xf32>
    %slice3A_12 = vector.extract_strided_slice %get3A_11 {offsets = [0, 0], sizes = [128, 3], strides = [1, 1]} : vector<128x12xf32> to vector<128x3xf32>
    %slice3A_13 = vector.extract_strided_slice %get3A_11 {offsets = [0, 3], sizes = [128, 3], strides = [1, 1]} : vector<128x12xf32> to vector<128x3xf32>
    %slice3A_14 = vector.extract_strided_slice %get3A_11 {offsets = [0, 6], sizes = [128, 3], strides = [1, 1]} : vector<128x12xf32> to vector<128x3xf32>
    %slice3A_15 = vector.extract_strided_slice %get3A_11 {offsets = [0, 9], sizes = [128, 3], strides = [1, 1]} : vector<128x12xf32> to vector<128x3xf32>
    %concatenate3A_16 = tpu.concatenate %slice3A_12, %slice3A_13, %slice3A_14, %slice3A_15 in 0 : vector<128x3xf32>, vector<128x3xf32>, vector<128x3xf32>, vector<128x3xf32> -> vector<512x3xf32>
    %get3A_17 = arith.constant 0 : index
    %get3A_18 = arith.constant 0 : index
    %get3A_19 = arith.constant 0 : index
    %get3A_20 = vector.load %arg4[%get3A_17, %get3A_18, %get3A_19] : memref<1x128x12xf32, #tpu.memory_space<vmem>>, vector<1x128x12xf32>
    %get3A_21 = vector.shape_cast %get3A_20 : vector<1x128x12xf32> to vector<128x12xf32>
    %slice3A_22 = vector.extract_strided_slice %get3A_21 {offsets = [0, 0], sizes = [128, 3], strides = [1, 1]} : vector<128x12xf32> to vector<128x3xf32>
    %slice3A_23 = vector.extract_strided_slice %get3A_21 {offsets = [0, 3], sizes = [128, 3], strides = [1, 1]} : vector<128x12xf32> to vector<128x3xf32>
    %slice3A_24 = vector.extract_strided_slice %get3A_21 {offsets = [0, 6], sizes = [128, 3], strides = [1, 1]} : vector<128x12xf32> to vector<128x3xf32>
    %slice3A_25 = vector.extract_strided_slice %get3A_21 {offsets = [0, 9], sizes = [128, 3], strides = [1, 1]} : vector<128x12xf32> to vector<128x3xf32>
    %concatenate3A_26 = tpu.concatenate %slice3A_22, %slice3A_23, %slice3A_24, %slice3A_25 in 0 : vector<128x3xf32>, vector<128x3xf32>, vector<128x3xf32>, vector<128x3xf32> -> vector<512x3xf32>
    %get3A_27 = arith.constant 0 : index
    %get3A_28 = arith.constant 0 : index
    %get3A_29 = arith.constant 0 : index
    %get3A_30 = arith.constant 0 : index
    %get3A_31 = vector.load %arg5[%get3A_27, %get3A_28, %get3A_29, %get3A_30] : memref<1x35x128x128xf32, #tpu.memory_space<vmem>>, vector<1x35x128x128xf32>
    %get3A_32 = vector.shape_cast %get3A_31 : vector<1x35x128x128xf32> to vector<35x128x128xf32>
    %get3A_33 = arith.constant 0 : index
    %get3A_34 = arith.constant 0 : index
    %get3A_35 = vector.load %arg6[%get3A_33, %get3A_34] : memref<27x3xi32, #tpu.memory_space<vmem>>, vector<1x3xi32>
    %add3A = vector.broadcast %get3A_35 : vector<1x3xi32> to vector<512x3xi32>
    %add3A_36 = arith.addi %concatenate3A, %add3A : vector<512x3xi32>
    %jit3A = arith.constant 0 : i32
    %jit3A_37 = arith.constant 63 : i32
    %max3A = vector.broadcast %jit3A : i32 to vector<512x3xi32>
    %max3A_38 = arith.maxsi %max3A, %add3A_36 : vector<512x3xi32>
    %min3A = vector.broadcast %jit3A_37 : i32 to vector<512x3xi32>
    %min3A_39 = arith.minsi %min3A, %max3A_38 : vector<512x3xi32>
    %get3A_40 = arith.constant 1 : index
    %get3A_41 = arith.constant 0 : index
    %get3A_42 = vector.load %arg6[%get3A_40, %get3A_41] : memref<27x3xi32, #tpu.memory_space<vmem>>, vector<1x3xi32>
    %add3A_43 = vector.broadcast %get3A_42 : vector<1x3xi32> to vector<512x3xi32>
    %add3A_44 = arith.addi %concatenate3A, %add3A_43 : vector<512x3xi32>
    %jit3A_45 = arith.constant 0 : i32
    %jit3A_46 = arith.constant 63 : i32
    %max3A_47 = vector.broadcast %jit3A_45 : i32 to vector<512x3xi32>
    %max3A_48 = arith.maxsi %max3A_47, %add3A_44 : vector<512x3xi32>
    %min3A_49 = vector.broadcast %jit3A_46 : i32 to vector<512x3xi32>
    %min3A_50 = arith.minsi %min3A_49, %max3A_48 : vector<512x3xi32>
    %get3A_51 = arith.constant 2 : index
    %get3A_52 = arith.constant 0 : index
    %get3A_53 = vector.load %arg6[%get3A_51, %get3A_52] : memref<27x3xi32, #tpu.memory_space<vmem>>, vector<1x3xi32>
    %add3A_54 = vector.broadcast %get3A_53 : vector<1x3xi32> to vector<512x3xi32>
    %add3A_55 = arith.addi %concatenate3A, %add3A_54 : vector<512x3xi32>
    %jit3A_56 = arith.constant 0 : i32
    %jit3A_57 = arith.constant 63 : i32
    %max3A_58 = vector.broadcast %jit3A_56 : i32 to vector<512x3xi32>
    %max3A_59 = arith.maxsi %max3A_58, %add3A_55 : vector<512x3xi32>
    %min3A_60 = vector.broadcast %jit3A_57 : i32 to vector<512x3xi32>
    %min3A_61 = arith.minsi %min3A_60, %max3A_59 : vector<512x3xi32>
    %get3A_62 = arith.constant 3 : index
    %get3A_63 = arith.constant 0 : index
    %get3A_64 = vector.load %arg6[%get3A_62, %get3A_63] : memref<27x3xi32, #tpu.memory_space<vmem>>, vector<1x3xi32>
    %add3A_65 = vector.broadcast %get3A_64 : vector<1x3xi32> to vector<512x3xi32>
    %add3A_66 = arith.addi %concatenate3A, %add3A_65 : vector<512x3xi32>
    %jit3A_67 = arith.constant 0 : i32
    %jit3A_68 = arith.constant 63 : i32
    %max3A_69 = vector.broadcast %jit3A_67 : i32 to vector<512x3xi32>
    %max3A_70 = arith.maxsi %max3A_69, %add3A_66 : vector<512x3xi32>
    %min3A_71 = vector.broadcast %jit3A_68 : i32 to vector<512x3xi32>
    %min3A_72 = arith.minsi %min3A_71, %max3A_70 : vector<512x3xi32>
    %get3A_73 = arith.constant 4 : index
    %get3A_74 = arith.constant 0 : index
    %get3A_75 = vector.load %arg6[%get3A_73, %get3A_74] : memref<27x3xi32, #tpu.memory_space<vmem>>, vector<1x3xi32>
    %add3A_76 = vector.broadcast %get3A_75 : vector<1x3xi32> to vector<512x3xi32>
    %add3A_77 = arith.addi %concatenate3A, %add3A_76 : vector<512x3xi32>
    %jit3A_78 = arith.constant 0 : i32
    %jit3A_79 = arith.constant 63 : i32
    %max3A_80 = vector.broadcast %jit3A_78 : i32 to vector<512x3xi32>
    %max3A_81 = arith.maxsi %max3A_80, %add3A_77 : vector<512x3xi32>
    %min3A_82 = vector.broadcast %jit3A_79 : i32 to vector<512x3xi32>
    %min3A_83 = arith.minsi %min3A_82, %max3A_81 : vector<512x3xi32>
    %get3A_84 = arith.constant 5 : index
    %get3A_85 = arith.constant 0 : index
    %get3A_86 = vector.load %arg6[%get3A_84, %get3A_85] : memref<27x3xi32, #tpu.memory_space<vmem>>, vector<1x3xi32>
    %add3A_87 = vector.broadcast %get3A_86 : vector<1x3xi32> to vector<512x3xi32>
    %add3A_88 = arith.addi %concatenate3A, %add3A_87 : vector<512x3xi32>
    %jit3A_89 = arith.constant 0 : i32
    %jit3A_90 = arith.constant 63 : i32
    %max3A_91 = vector.broadcast %jit3A_89 : i32 to vector<512x3xi32>
    %max3A_92 = arith.maxsi %max3A_91, %add3A_88 : vector<512x3xi32>
    %min3A_93 = vector.broadcast %jit3A_90 : i32 to vector<512x3xi32>
    %min3A_94 = arith.minsi %min3A_93, %max3A_92 : vector<512x3xi32>
    %get3A_95 = arith.constant 6 : index
    %get3A_96 = arith.constant 0 : index
    %get3A_97 = vector.load %arg6[%get3A_95, %get3A_96] : memref<27x3xi32, #tpu.memory_space<vmem>>, vector<1x3xi32>
    %add3A_98 = vector.broadcast %get3A_97 : vector<1x3xi32> to vector<512x3xi32>
    %add3A_99 = arith.addi %concatenate3A, %add3A_98 : vector<512x3xi32>
    %jit3A_100 = arith.constant 0 : i32
    %jit3A_101 = arith.constant 63 : i32
    %max3A_102 = vector.broadcast %jit3A_100 : i32 to vector<512x3xi32>
    %max3A_103 = arith.maxsi %max3A_102, %add3A_99 : vector<512x3xi32>
    %min3A_104 = vector.broadcast %jit3A_101 : i32 to vector<512x3xi32>
    %min3A_105 = arith.minsi %min3A_104, %max3A_103 : vector<512x3xi32>
    %get3A_106 = arith.constant 7 : index
    %get3A_107 = arith.constant 0 : index
    %get3A_108 = vector.load %arg6[%get3A_106, %get3A_107] : memref<27x3xi32, #tpu.memory_space<vmem>>, vector<1x3xi32>
    %add3A_109 = vector.broadcast %get3A_108 : vector<1x3xi32> to vector<512x3xi32>
    %add3A_110 = arith.addi %concatenate3A, %add3A_109 : vector<512x3xi32>
    %jit3A_111 = arith.constant 0 : i32
    %jit3A_112 = arith.constant 63 : i32
    %max3A_113 = vector.broadcast %jit3A_111 : i32 to vector<512x3xi32>
    %max3A_114 = arith.maxsi %max3A_113, %add3A_110 : vector<512x3xi32>
    %min3A_115 = vector.broadcast %jit3A_112 : i32 to vector<512x3xi32>
    %min3A_116 = arith.minsi %min3A_115, %max3A_114 : vector<512x3xi32>
    %get3A_117 = arith.constant 8 : index
    %get3A_118 = arith.constant 0 : index
    %get3A_119 = vector.load %arg6[%get3A_117, %get3A_118] : memref<27x3xi32, #tpu.memory_space<vmem>>, vector<1x3xi32>
    %add3A_120 = vector.broadcast %get3A_119 : vector<1x3xi32> to vector<512x3xi32>
    %add3A_121 = arith.addi %concatenate3A, %add3A_120 : vector<512x3xi32>
    %jit3A_122 = arith.constant 0 : i32
    %jit3A_123 = arith.constant 63 : i32
    %max3A_124 = vector.broadcast %jit3A_122 : i32 to vector<512x3xi32>
    %max3A_125 = arith.maxsi %max3A_124, %add3A_121 : vector<512x3xi32>
    %min3A_126 = vector.broadcast %jit3A_123 : i32 to vector<512x3xi32>
    %min3A_127 = arith.minsi %min3A_126, %max3A_125 : vector<512x3xi32>
    %get3A_128 = arith.constant 9 : index
    %get3A_129 = arith.constant 0 : index
    %get3A_130 = vector.load %arg6[%get3A_128, %get3A_129] : memref<27x3xi32, #tpu.memory_space<vmem>>, vector<1x3xi32>
    %add3A_131 = vector.broadcast %get3A_130 : vector<1x3xi32> to vector<512x3xi32>
    %add3A_132 = arith.addi %concatenate3A, %add3A_131 : vector<512x3xi32>
    %jit3A_133 = arith.constant 0 : i32
    %jit3A_134 = arith.constant 63 : i32
    %max3A_135 = vector.broadcast %jit3A_133 : i32 to vector<512x3xi32>
    %max3A_136 = arith.maxsi %max3A_135, %add3A_132 : vector<512x3xi32>
    %min3A_137 = vector.broadcast %jit3A_134 : i32 to vector<512x3xi32>
    %min3A_138 = arith.minsi %min3A_137, %max3A_136 : vector<512x3xi32>
    %get3A_139 = arith.constant 10 : index
    %get3A_140 = arith.constant 0 : index
    %get3A_141 = vector.load %arg6[%get3A_139, %get3A_140] : memref<27x3xi32, #tpu.memory_space<vmem>>, vector<1x3xi32>
    %add3A_142 = vector.broadcast %get3A_141 : vector<1x3xi32> to vector<512x3xi32>
    %add3A_143 = arith.addi %concatenate3A, %add3A_142 : vector<512x3xi32>
    %jit3A_144 = arith.constant 0 : i32
    %jit3A_145 = arith.constant 63 : i32
    %max3A_146 = vector.broadcast %jit3A_144 : i32 to vector<512x3xi32>
    %max3A_147 = arith.maxsi %max3A_146, %add3A_143 : vector<512x3xi32>
    %min3A_148 = vector.broadcast %jit3A_145 : i32 to vector<512x3xi32>
    %min3A_149 = arith.minsi %min3A_148, %max3A_147 : vector<512x3xi32>
    %get3A_150 = arith.constant 11 : index
    %get3A_151 = arith.constant 0 : index
    %get3A_152 = vector.load %arg6[%get3A_150, %get3A_151] : memref<27x3xi32, #tpu.memory_space<vmem>>, vector<1x3xi32>
    %add3A_153 = vector.broadcast %get3A_152 : vector<1x3xi32> to vector<512x3xi32>
    %add3A_154 = arith.addi %concatenate3A, %add3A_153 : vector<512x3xi32>
    %jit3A_155 = arith.constant 0 : i32
    %jit3A_156 = arith.constant 63 : i32
    %max3A_157 = vector.broadcast %jit3A_155 : i32 to vector<512x3xi32>
    %max3A_158 = arith.maxsi %max3A_157, %add3A_154 : vector<512x3xi32>
    %min3A_159 = vector.broadcast %jit3A_156 : i32 to vector<512x3xi32>
    %min3A_160 = arith.minsi %min3A_159, %max3A_158 : vector<512x3xi32>
    %get3A_161 = arith.constant 12 : index
    %get3A_162 = arith.constant 0 : index
    %get3A_163 = vector.load %arg6[%get3A_161, %get3A_162] : memref<27x3xi32, #tpu.memory_space<vmem>>, vector<1x3xi32>
    %add3A_164 = vector.broadcast %get3A_163 : vector<1x3xi32> to vector<512x3xi32>
    %add3A_165 = arith.addi %concatenate3A, %add3A_164 : vector<512x3xi32>
    %jit3A_166 = arith.constant 0 : i32
    %jit3A_167 = arith.constant 63 : i32
    %max3A_168 = vector.broadcast %jit3A_166 : i32 to vector<512x3xi32>
    %max3A_169 = arith.maxsi %max3A_168, %add3A_165 : vector<512x3xi32>
    %min3A_170 = vector.broadcast %jit3A_167 : i32 to vector<512x3xi32>
    %min3A_171 = arith.minsi %min3A_170, %max3A_169 : vector<512x3xi32>
    %get3A_172 = arith.constant 13 : index
    %get3A_173 = arith.constant 0 : index
    %get3A_174 = vector.load %arg6[%get3A_172, %get3A_173] : memref<27x3xi32, #tpu.memory_space<vmem>>, vector<1x3xi32>
    %add3A_175 = vector.broadcast %get3A_174 : vector<1x3xi32> to vector<512x3xi32>
    %add3A_176 = arith.addi %concatenate3A, %add3A_175 : vector<512x3xi32>
    %jit3A_177 = arith.constant 0 : i32
    %jit3A_178 = arith.constant 63 : i32
    %max3A_179 = vector.broadcast %jit3A_177 : i32 to vector<512x3xi32>
    %max3A_180 = arith.maxsi %max3A_179, %add3A_176 : vector<512x3xi32>
    %min3A_181 = vector.broadcast %jit3A_178 : i32 to vector<512x3xi32>
    %min3A_182 = arith.minsi %min3A_181, %max3A_180 : vector<512x3xi32>
    %get3A_183 = arith.constant 14 : index
    %get3A_184 = arith.constant 0 : index
    %get3A_185 = vector.load %arg6[%get3A_183, %get3A_184] : memref<27x3xi32, #tpu.memory_space<vmem>>, vector<1x3xi32>
    %add3A_186 = vector.broadcast %get3A_185 : vector<1x3xi32> to vector<512x3xi32>
    %add3A_187 = arith.addi %concatenate3A, %add3A_186 : vector<512x3xi32>
    %jit3A_188 = arith.constant 0 : i32
    %jit3A_189 = arith.constant 63 : i32
    %max3A_190 = vector.broadcast %jit3A_188 : i32 to vector<512x3xi32>
    %max3A_191 = arith.maxsi %max3A_190, %add3A_187 : vector<512x3xi32>
    %min3A_192 = vector.broadcast %jit3A_189 : i32 to vector<512x3xi32>
    %min3A_193 = arith.minsi %min3A_192, %max3A_191 : vector<512x3xi32>
    %get3A_194 = arith.constant 15 : index
    %get3A_195 = arith.constant 0 : index
    %get3A_196 = vector.load %arg6[%get3A_194, %get3A_195] : memref<27x3xi32, #tpu.memory_space<vmem>>, vector<1x3xi32>
    %add3A_197 = vector.broadcast %get3A_196 : vector<1x3xi32> to vector<512x3xi32>
    %add3A_198 = arith.addi %concatenate3A, %add3A_197 : vector<512x3xi32>
    %jit3A_199 = arith.constant 0 : i32
    %jit3A_200 = arith.constant 63 : i32
    %max3A_201 = vector.broadcast %jit3A_199 : i32 to vector<512x3xi32>
    %max3A_202 = arith.maxsi %max3A_201, %add3A_198 : vector<512x3xi32>
    %min3A_203 = vector.broadcast %jit3A_200 : i32 to vector<512x3xi32>
    %min3A_204 = arith.minsi %min3A_203, %max3A_202 : vector<512x3xi32>
    %get3A_205 = arith.constant 16 : index
    %get3A_206 = arith.constant 0 : index
    %get3A_207 = vector.load %arg6[%get3A_205, %get3A_206] : memref<27x3xi32, #tpu.memory_space<vmem>>, vector<1x3xi32>
    %add3A_208 = vector.broadcast %get3A_207 : vector<1x3xi32> to vector<512x3xi32>
    %add3A_209 = arith.addi %concatenate3A, %add3A_208 : vector<512x3xi32>
    %jit3A_210 = arith.constant 0 : i32
    %jit3A_211 = arith.constant 63 : i32
    %max3A_212 = vector.broadcast %jit3A_210 : i32 to vector<512x3xi32>
    %max3A_213 = arith.maxsi %max3A_212, %add3A_209 : vector<512x3xi32>
    %min3A_214 = vector.broadcast %jit3A_211 : i32 to vector<512x3xi32>
    %min3A_215 = arith.minsi %min3A_214, %max3A_213 : vector<512x3xi32>
    %get3A_216 = arith.constant 17 : index
    %get3A_217 = arith.constant 0 : index
    %get3A_218 = vector.load %arg6[%get3A_216, %get3A_217] : memref<27x3xi32, #tpu.memory_space<vmem>>, vector<1x3xi32>
    %add3A_219 = vector.broadcast %get3A_218 : vector<1x3xi32> to vector<512x3xi32>
    %add3A_220 = arith.addi %concatenate3A, %add3A_219 : vector<512x3xi32>
    %jit3A_221 = arith.constant 0 : i32
    %jit3A_222 = arith.constant 63 : i32
    %max3A_223 = vector.broadcast %jit3A_221 : i32 to vector<512x3xi32>
    %max3A_224 = arith.maxsi %max3A_223, %add3A_220 : vector<512x3xi32>
    %min3A_225 = vector.broadcast %jit3A_222 : i32 to vector<512x3xi32>
    %min3A_226 = arith.minsi %min3A_225, %max3A_224 : vector<512x3xi32>
    %get3A_227 = arith.constant 18 : index
    %get3A_228 = arith.constant 0 : index
    %get3A_229 = vector.load %arg6[%get3A_227, %get3A_228] : memref<27x3xi32, #tpu.memory_space<vmem>>, vector<1x3xi32>
    %add3A_230 = vector.broadcast %get3A_229 : vector<1x3xi32> to vector<512x3xi32>
    %add3A_231 = arith.addi %concatenate3A, %add3A_230 : vector<512x3xi32>
    %jit3A_232 = arith.constant 0 : i32
    %jit3A_233 = arith.constant 63 : i32
    %max3A_234 = vector.broadcast %jit3A_232 : i32 to vector<512x3xi32>
    %max3A_235 = arith.maxsi %max3A_234, %add3A_231 : vector<512x3xi32>
    %min3A_236 = vector.broadcast %jit3A_233 : i32 to vector<512x3xi32>
    %min3A_237 = arith.minsi %min3A_236, %max3A_235 : vector<512x3xi32>
    %get3A_238 = arith.constant 19 : index
    %get3A_239 = arith.constant 0 : index
    %get3A_240 = vector.load %arg6[%get3A_238, %get3A_239] : memref<27x3xi32, #tpu.memory_space<vmem>>, vector<1x3xi32>
    %add3A_241 = vector.broadcast %get3A_240 : vector<1x3xi32> to vector<512x3xi32>
    %add3A_242 = arith.addi %concatenate3A, %add3A_241 : vector<512x3xi32>
    %jit3A_243 = arith.constant 0 : i32
    %jit3A_244 = arith.constant 63 : i32
    %max3A_245 = vector.broadcast %jit3A_243 : i32 to vector<512x3xi32>
    %max3A_246 = arith.maxsi %max3A_245, %add3A_242 : vector<512x3xi32>
    %min3A_247 = vector.broadcast %jit3A_244 : i32 to vector<512x3xi32>
    %min3A_248 = arith.minsi %min3A_247, %max3A_246 : vector<512x3xi32>
    %get3A_249 = arith.constant 20 : index
    %get3A_250 = arith.constant 0 : index
    %get3A_251 = vector.load %arg6[%get3A_249, %get3A_250] : memref<27x3xi32, #tpu.memory_space<vmem>>, vector<1x3xi32>
    %add3A_252 = vector.broadcast %get3A_251 : vector<1x3xi32> to vector<512x3xi32>
    %add3A_253 = arith.addi %concatenate3A, %add3A_252 : vector<512x3xi32>
    %jit3A_254 = arith.constant 0 : i32
    %jit3A_255 = arith.constant 63 : i32
    %max3A_256 = vector.broadcast %jit3A_254 : i32 to vector<512x3xi32>
    %max3A_257 = arith.maxsi %max3A_256, %add3A_253 : vector<512x3xi32>
    %min3A_258 = vector.broadcast %jit3A_255 : i32 to vector<512x3xi32>
    %min3A_259 = arith.minsi %min3A_258, %max3A_257 : vector<512x3xi32>
    %get3A_260 = arith.constant 21 : index
    %get3A_261 = arith.constant 0 : index
    %get3A_262 = vector.load %arg6[%get3A_260, %get3A_261] : memref<27x3xi32, #tpu.memory_space<vmem>>, vector<1x3xi32>
    %add3A_263 = vector.broadcast %get3A_262 : vector<1x3xi32> to vector<512x3xi32>
    %add3A_264 = arith.addi %concatenate3A, %add3A_263 : vector<512x3xi32>
    %jit3A_265 = arith.constant 0 : i32
    %jit3A_266 = arith.constant 63 : i32
    %max3A_267 = vector.broadcast %jit3A_265 : i32 to vector<512x3xi32>
    %max3A_268 = arith.maxsi %max3A_267, %add3A_264 : vector<512x3xi32>
    %min3A_269 = vector.broadcast %jit3A_266 : i32 to vector<512x3xi32>
    %min3A_270 = arith.minsi %min3A_269, %max3A_268 : vector<512x3xi32>
    %get3A_271 = arith.constant 22 : index
    %get3A_272 = arith.constant 0 : index
    %get3A_273 = vector.load %arg6[%get3A_271, %get3A_272] : memref<27x3xi32, #tpu.memory_space<vmem>>, vector<1x3xi32>
    %add3A_274 = vector.broadcast %get3A_273 : vector<1x3xi32> to vector<512x3xi32>
    %add3A_275 = arith.addi %concatenate3A, %add3A_274 : vector<512x3xi32>
    %jit3A_276 = arith.constant 0 : i32
    %jit3A_277 = arith.constant 63 : i32
    %max3A_278 = vector.broadcast %jit3A_276 : i32 to vector<512x3xi32>
    %max3A_279 = arith.maxsi %max3A_278, %add3A_275 : vector<512x3xi32>
    %min3A_280 = vector.broadcast %jit3A_277 : i32 to vector<512x3xi32>
    %min3A_281 = arith.minsi %min3A_280, %max3A_279 : vector<512x3xi32>
    %get3A_282 = arith.constant 23 : index
    %get3A_283 = arith.constant 0 : index
    %get3A_284 = vector.load %arg6[%get3A_282, %get3A_283] : memref<27x3xi32, #tpu.memory_space<vmem>>, vector<1x3xi32>
    %add3A_285 = vector.broadcast %get3A_284 : vector<1x3xi32> to vector<512x3xi32>
    %add3A_286 = arith.addi %concatenate3A, %add3A_285 : vector<512x3xi32>
    %jit3A_287 = arith.constant 0 : i32
    %jit3A_288 = arith.constant 63 : i32
    %max3A_289 = vector.broadcast %jit3A_287 : i32 to vector<512x3xi32>
    %max3A_290 = arith.maxsi %max3A_289, %add3A_286 : vector<512x3xi32>
    %min3A_291 = vector.broadcast %jit3A_288 : i32 to vector<512x3xi32>
    %min3A_292 = arith.minsi %min3A_291, %max3A_290 : vector<512x3xi32>
    %get3A_293 = arith.constant 24 : index
    %get3A_294 = arith.constant 0 : index
    %get3A_295 = vector.load %arg6[%get3A_293, %get3A_294] : memref<27x3xi32, #tpu.memory_space<vmem>>, vector<1x3xi32>
    %add3A_296 = vector.broadcast %get3A_295 : vector<1x3xi32> to vector<512x3xi32>
    %add3A_297 = arith.addi %concatenate3A, %add3A_296 : vector<512x3xi32>
    %jit3A_298 = arith.constant 0 : i32
    %jit3A_299 = arith.constant 63 : i32
    %max3A_300 = vector.broadcast %jit3A_298 : i32 to vector<512x3xi32>
    %max3A_301 = arith.maxsi %max3A_300, %add3A_297 : vector<512x3xi32>
    %min3A_302 = vector.broadcast %jit3A_299 : i32 to vector<512x3xi32>
    %min3A_303 = arith.minsi %min3A_302, %max3A_301 : vector<512x3xi32>
    %get3A_304 = arith.constant 25 : index
    %get3A_305 = arith.constant 0 : index
    %get3A_306 = vector.load %arg6[%get3A_304, %get3A_305] : memref<27x3xi32, #tpu.memory_space<vmem>>, vector<1x3xi32>
    %add3A_307 = vector.broadcast %get3A_306 : vector<1x3xi32> to vector<512x3xi32>
    %add3A_308 = arith.addi %concatenate3A, %add3A_307 : vector<512x3xi32>
    %jit3A_309 = arith.constant 0 : i32
    %jit3A_310 = arith.constant 63 : i32
    %max3A_311 = vector.broadcast %jit3A_309 : i32 to vector<512x3xi32>
    %max3A_312 = arith.maxsi %max3A_311, %add3A_308 : vector<512x3xi32>
    %min3A_313 = vector.broadcast %jit3A_310 : i32 to vector<512x3xi32>
    %min3A_314 = arith.minsi %min3A_313, %max3A_312 : vector<512x3xi32>
    %get3A_315 = arith.constant 26 : index
    %get3A_316 = arith.constant 0 : index
    %get3A_317 = vector.load %arg6[%get3A_315, %get3A_316] : memref<27x3xi32, #tpu.memory_space<vmem>>, vector<1x3xi32>
    %add3A_318 = vector.broadcast %get3A_317 : vector<1x3xi32> to vector<512x3xi32>
    %add3A_319 = arith.addi %concatenate3A, %add3A_318 : vector<512x3xi32>
    %jit3A_320 = arith.constant 0 : i32
    %jit3A_321 = arith.constant 63 : i32
    %max3A_322 = vector.broadcast %jit3A_320 : i32 to vector<512x3xi32>
    %max3A_323 = arith.maxsi %max3A_322, %add3A_319 : vector<512x3xi32>
    %min3A_324 = vector.broadcast %jit3A_321 : i32 to vector<512x3xi32>
    %min3A_325 = arith.minsi %min3A_324, %max3A_323 : vector<512x3xi32>
    %concatenate3A_326 = tpu.concatenate %min3A_39, %min3A_50, %min3A_61, %min3A_72, %min3A_83, %min3A_94, %min3A_105, %min3A_116, %min3A_127, %min3A_138, %min3A_149, %min3A_160, %min3A_171, %min3A_182, %min3A_193, %min3A_204, %min3A_215, %min3A_226, %min3A_237, %min3A_248, %min3A_259, %min3A_270, %min3A_281, %min3A_292, %min3A_303, %min3A_314, %min3A_325 in 0 : vector<512x3xi32>, vector<512x3xi32>, vector<512x3xi32>, vector<512x3xi32>, vector<512x3xi32>, vector<512x3xi32>, vector<512x3xi32>, vector<512x3xi32>, vector<512x3xi32>, vector<512x3xi32>, vector<512x3xi32>, vector<512x3xi32>, vector<512x3xi32>, vector<512x3xi32>, vector<512x3xi32>, vector<512x3xi32>, vector<512x3xi32>, vector<512x3xi32>, vector<512x3xi32>, vector<512x3xi32>, vector<512x3xi32>, vector<512x3xi32>, vector<512x3xi32>, vector<512x3xi32>, vector<512x3xi32>, vector<512x3xi32>, vector<512x3xi32> -> vector<13824x3xi32>
    %concatenate3A_327 = tpu.concatenate %concatenate3A_16, %concatenate3A_16, %concatenate3A_16, %concatenate3A_16, %concatenate3A_16, %concatenate3A_16, %concatenate3A_16, %concatenate3A_16, %concatenate3A_16, %concatenate3A_16, %concatenate3A_16, %concatenate3A_16, %concatenate3A_16, %concatenate3A_16, %concatenate3A_16, %concatenate3A_16, %concatenate3A_16, %concatenate3A_16, %concatenate3A_16, %concatenate3A_16, %concatenate3A_16, %concatenate3A_16, %concatenate3A_16, %concatenate3A_16, %concatenate3A_16, %concatenate3A_16, %concatenate3A_16 in 0 : vector<512x3xf32>, vector<512x3xf32>, vector<512x3xf32>, vector<512x3xf32>, vector<512x3xf32>, vector<512x3xf32>, vector<512x3xf32>, vector<512x3xf32>, vector<512x3xf32>, vector<512x3xf32>, vector<512x3xf32>, vector<512x3xf32>, vector<512x3xf32>, vector<512x3xf32>, vector<512x3xf32>, vector<512x3xf32>, vector<512x3xf32>, vector<512x3xf32>, vector<512x3xf32>, vector<512x3xf32>, vector<512x3xf32>, vector<512x3xf32>, vector<512x3xf32>, vector<512x3xf32>, vector<512x3xf32>, vector<512x3xf32>, vector<512x3xf32> -> vector<13824x3xf32>
    %convert_element_type3A = arith.sitofp %concatenate3A_326 : vector<13824x3xi32> to vector<13824x3xf32>
    %mul3A = arith.constant 0.0158730168 : f32
    %mul3A_328 = vector.broadcast %mul3A : f32 to vector<13824x3xf32>
    %mul3A_329 = arith.mulf %convert_element_type3A, %mul3A_328 : vector<13824x3xf32>
    %sub3A = arith.subf %mul3A_329, %concatenate3A_327 : vector<13824x3xf32>
    %get3A_330 = arith.constant 0 : index
    %get3A_331 = arith.constant 0 : index
    %get3A_332 = vector.load %arg7[%get3A_330, %get3A_331] : memref<3x64xf32, #tpu.memory_space<vmem>>, vector<3x64xf32>
    %dot_general3A = arith.constant dense<0.000000e+00> : vector<13824x64xf32>
    %dot_general3A_333 = tpu.matmul %sub3A, %get3A_332, %dot_general3A {dimension_numbers = #tpu.dot_dimension_numbers<[1], [0], [0], [1], [0, 0, 1, 1], [], []>, transpose_lhs_hint = false} : vector<13824x3xf32>, vector<3x64xf32>, vector<13824x64xf32> -> vector<13824x64xf32>
    %get3A_334 = arith.constant 0 : index
    %get3A_335 = arith.constant 0 : index
    %get3A_336 = vector.load %arg8[%get3A_334, %get3A_335] : memref<1x64xf32, #tpu.memory_space<vmem>>, vector<1x64xf32>
    %add3A_337 = vector.broadcast %get3A_336 : vector<1x64xf32> to vector<13824x64xf32>
    %add3A_338 = arith.addf %dot_general3A_333, %add3A_337 : vector<13824x64xf32>
    %max3A_339 = arith.constant 0.000000e+00 : f32
    %max3A_340 = vector.broadcast %max3A_339 : f32 to vector<13824x64xf32>
    %max3A_341 = arith.maximumf %add3A_338, %max3A_340 : vector<13824x64xf32>
    %slice3A_342 = vector.extract_strided_slice %get3A_32 {offsets = [0, 0, 0], sizes = [1, 128, 32], strides = [1, 1, 1]} : vector<35x128x128xf32> to vector<1x128x32xf32>
    %squeeze3A = vector.shape_cast %slice3A_342 : vector<1x128x32xf32> to vector<128x32xf32>
    %slice3A_343 = vector.extract_strided_slice %get3A_32 {offsets = [0, 0, 32], sizes = [1, 128, 32], strides = [1, 1, 1]} : vector<35x128x128xf32> to vector<1x128x32xf32>
    %squeeze3A_344 = vector.shape_cast %slice3A_343 : vector<1x128x32xf32> to vector<128x32xf32>
    %slice3A_345 = vector.extract_strided_slice %get3A_32 {offsets = [0, 0, 64], sizes = [1, 128, 32], strides = [1, 1, 1]} : vector<35x128x128xf32> to vector<1x128x32xf32>
    %squeeze3A_346 = vector.shape_cast %slice3A_345 : vector<1x128x32xf32> to vector<128x32xf32>
    %slice3A_347 = vector.extract_strided_slice %get3A_32 {offsets = [0, 0, 96], sizes = [1, 128, 32], strides = [1, 1, 1]} : vector<35x128x128xf32> to vector<1x128x32xf32>
    %squeeze3A_348 = vector.shape_cast %slice3A_347 : vector<1x128x32xf32> to vector<128x32xf32>
    %slice3A_349 = vector.extract_strided_slice %get3A_32 {offsets = [1, 0, 0], sizes = [1, 128, 32], strides = [1, 1, 1]} : vector<35x128x128xf32> to vector<1x128x32xf32>
    %squeeze3A_350 = vector.shape_cast %slice3A_349 : vector<1x128x32xf32> to vector<128x32xf32>
    %slice3A_351 = vector.extract_strided_slice %get3A_32 {offsets = [1, 0, 32], sizes = [1, 128, 32], strides = [1, 1, 1]} : vector<35x128x128xf32> to vector<1x128x32xf32>
    %squeeze3A_352 = vector.shape_cast %slice3A_351 : vector<1x128x32xf32> to vector<128x32xf32>
    %slice3A_353 = vector.extract_strided_slice %get3A_32 {offsets = [1, 0, 64], sizes = [1, 128, 32], strides = [1, 1, 1]} : vector<35x128x128xf32> to vector<1x128x32xf32>
    %squeeze3A_354 = vector.shape_cast %slice3A_353 : vector<1x128x32xf32> to vector<128x32xf32>
    %slice3A_355 = vector.extract_strided_slice %get3A_32 {offsets = [1, 0, 96], sizes = [1, 128, 32], strides = [1, 1, 1]} : vector<35x128x128xf32> to vector<1x128x32xf32>
    %squeeze3A_356 = vector.shape_cast %slice3A_355 : vector<1x128x32xf32> to vector<128x32xf32>
    %slice3A_357 = vector.extract_strided_slice %get3A_32 {offsets = [2, 0, 0], sizes = [1, 128, 32], strides = [1, 1, 1]} : vector<35x128x128xf32> to vector<1x128x32xf32>
    %squeeze3A_358 = vector.shape_cast %slice3A_357 : vector<1x128x32xf32> to vector<128x32xf32>
    %slice3A_359 = vector.extract_strided_slice %get3A_32 {offsets = [2, 0, 32], sizes = [1, 128, 32], strides = [1, 1, 1]} : vector<35x128x128xf32> to vector<1x128x32xf32>
    %squeeze3A_360 = vector.shape_cast %slice3A_359 : vector<1x128x32xf32> to vector<128x32xf32>
    %slice3A_361 = vector.extract_strided_slice %get3A_32 {offsets = [2, 0, 64], sizes = [1, 128, 32], strides = [1, 1, 1]} : vector<35x128x128xf32> to vector<1x128x32xf32>
    %squeeze3A_362 = vector.shape_cast %slice3A_361 : vector<1x128x32xf32> to vector<128x32xf32>
    %slice3A_363 = vector.extract_strided_slice %get3A_32 {offsets = [2, 0, 96], sizes = [1, 128, 32], strides = [1, 1, 1]} : vector<35x128x128xf32> to vector<1x128x32xf32>
    %squeeze3A_364 = vector.shape_cast %slice3A_363 : vector<1x128x32xf32> to vector<128x32xf32>
    %slice3A_365 = vector.extract_strided_slice %get3A_32 {offsets = [3, 0, 0], sizes = [1, 128, 32], strides = [1, 1, 1]} : vector<35x128x128xf32> to vector<1x128x32xf32>
    %squeeze3A_366 = vector.shape_cast %slice3A_365 : vector<1x128x32xf32> to vector<128x32xf32>
    %slice3A_367 = vector.extract_strided_slice %get3A_32 {offsets = [3, 0, 32], sizes = [1, 128, 32], strides = [1, 1, 1]} : vector<35x128x128xf32> to vector<1x128x32xf32>
    %squeeze3A_368 = vector.shape_cast %slice3A_367 : vector<1x128x32xf32> to vector<128x32xf32>
    %slice3A_369 = vector.extract_strided_slice %get3A_32 {offsets = [3, 0, 64], sizes = [1, 128, 32], strides = [1, 1, 1]} : vector<35x128x128xf32> to vector<1x128x32xf32>
    %squeeze3A_370 = vector.shape_cast %slice3A_369 : vector<1x128x32xf32> to vector<128x32xf32>
    %slice3A_371 = vector.extract_strided_slice %get3A_32 {offsets = [3, 0, 96], sizes = [1, 128, 32], strides = [1, 1, 1]} : vector<35x128x128xf32> to vector<1x128x32xf32>
    %squeeze3A_372 = vector.shape_cast %slice3A_371 : vector<1x128x32xf32> to vector<128x32xf32>
    %slice3A_373 = vector.extract_strided_slice %get3A_32 {offsets = [4, 0, 0], sizes = [1, 128, 32], strides = [1, 1, 1]} : vector<35x128x128xf32> to vector<1x128x32xf32>
    %squeeze3A_374 = vector.shape_cast %slice3A_373 : vector<1x128x32xf32> to vector<128x32xf32>
    %slice3A_375 = vector.extract_strided_slice %get3A_32 {offsets = [4, 0, 32], sizes = [1, 128, 32], strides = [1, 1, 1]} : vector<35x128x128xf32> to vector<1x128x32xf32>
    %squeeze3A_376 = vector.shape_cast %slice3A_375 : vector<1x128x32xf32> to vector<128x32xf32>
    %slice3A_377 = vector.extract_strided_slice %get3A_32 {offsets = [4, 0, 64], sizes = [1, 128, 32], strides = [1, 1, 1]} : vector<35x128x128xf32> to vector<1x128x32xf32>
    %squeeze3A_378 = vector.shape_cast %slice3A_377 : vector<1x128x32xf32> to vector<128x32xf32>
    %slice3A_379 = vector.extract_strided_slice %get3A_32 {offsets = [4, 0, 96], sizes = [1, 128, 32], strides = [1, 1, 1]} : vector<35x128x128xf32> to vector<1x128x32xf32>
    %squeeze3A_380 = vector.shape_cast %slice3A_379 : vector<1x128x32xf32> to vector<128x32xf32>
    %slice3A_381 = vector.extract_strided_slice %get3A_32 {offsets = [5, 0, 0], sizes = [1, 128, 32], strides = [1, 1, 1]} : vector<35x128x128xf32> to vector<1x128x32xf32>
    %squeeze3A_382 = vector.shape_cast %slice3A_381 : vector<1x128x32xf32> to vector<128x32xf32>
    %slice3A_383 = vector.extract_strided_slice %get3A_32 {offsets = [5, 0, 32], sizes = [1, 128, 32], strides = [1, 1, 1]} : vector<35x128x128xf32> to vector<1x128x32xf32>
    %squeeze3A_384 = vector.shape_cast %slice3A_383 : vector<1x128x32xf32> to vector<128x32xf32>
    %slice3A_385 = vector.extract_strided_slice %get3A_32 {offsets = [5, 0, 64], sizes = [1, 128, 32], strides = [1, 1, 1]} : vector<35x128x128xf32> to vector<1x128x32xf32>
    %squeeze3A_386 = vector.shape_cast %slice3A_385 : vector<1x128x32xf32> to vector<128x32xf32>
    %slice3A_387 = vector.extract_strided_slice %get3A_32 {offsets = [5, 0, 96], sizes = [1, 128, 32], strides = [1, 1, 1]} : vector<35x128x128xf32> to vector<1x128x32xf32>
    %squeeze3A_388 = vector.shape_cast %slice3A_387 : vector<1x128x32xf32> to vector<128x32xf32>
    %slice3A_389 = vector.extract_strided_slice %get3A_32 {offsets = [6, 0, 0], sizes = [1, 128, 32], strides = [1, 1, 1]} : vector<35x128x128xf32> to vector<1x128x32xf32>
    %squeeze3A_390 = vector.shape_cast %slice3A_389 : vector<1x128x32xf32> to vector<128x32xf32>
    %slice3A_391 = vector.extract_strided_slice %get3A_32 {offsets = [6, 0, 32], sizes = [1, 128, 32], strides = [1, 1, 1]} : vector<35x128x128xf32> to vector<1x128x32xf32>
    %squeeze3A_392 = vector.shape_cast %slice3A_391 : vector<1x128x32xf32> to vector<128x32xf32>
    %slice3A_393 = vector.extract_strided_slice %get3A_32 {offsets = [6, 0, 64], sizes = [1, 128, 32], strides = [1, 1, 1]} : vector<35x128x128xf32> to vector<1x128x32xf32>
    %squeeze3A_394 = vector.shape_cast %slice3A_393 : vector<1x128x32xf32> to vector<128x32xf32>
    %slice3A_395 = vector.extract_strided_slice %get3A_32 {offsets = [6, 0, 96], sizes = [1, 128, 32], strides = [1, 1, 1]} : vector<35x128x128xf32> to vector<1x128x32xf32>
    %squeeze3A_396 = vector.shape_cast %slice3A_395 : vector<1x128x32xf32> to vector<128x32xf32>
    %slice3A_397 = vector.extract_strided_slice %get3A_32 {offsets = [7, 0, 0], sizes = [1, 128, 32], strides = [1, 1, 1]} : vector<35x128x128xf32> to vector<1x128x32xf32>
    %squeeze3A_398 = vector.shape_cast %slice3A_397 : vector<1x128x32xf32> to vector<128x32xf32>
    %slice3A_399 = vector.extract_strided_slice %get3A_32 {offsets = [7, 0, 32], sizes = [1, 128, 32], strides = [1, 1, 1]} : vector<35x128x128xf32> to vector<1x128x32xf32>
    %squeeze3A_400 = vector.shape_cast %slice3A_399 : vector<1x128x32xf32> to vector<128x32xf32>
    %slice3A_401 = vector.extract_strided_slice %get3A_32 {offsets = [7, 0, 64], sizes = [1, 128, 32], strides = [1, 1, 1]} : vector<35x128x128xf32> to vector<1x128x32xf32>
    %squeeze3A_402 = vector.shape_cast %slice3A_401 : vector<1x128x32xf32> to vector<128x32xf32>
    %slice3A_403 = vector.extract_strided_slice %get3A_32 {offsets = [7, 0, 96], sizes = [1, 128, 32], strides = [1, 1, 1]} : vector<35x128x128xf32> to vector<1x128x32xf32>
    %squeeze3A_404 = vector.shape_cast %slice3A_403 : vector<1x128x32xf32> to vector<128x32xf32>
    %slice3A_405 = vector.extract_strided_slice %get3A_32 {offsets = [8, 0, 0], sizes = [1, 128, 32], strides = [1, 1, 1]} : vector<35x128x128xf32> to vector<1x128x32xf32>
    %squeeze3A_406 = vector.shape_cast %slice3A_405 : vector<1x128x32xf32> to vector<128x32xf32>
    %slice3A_407 = vector.extract_strided_slice %get3A_32 {offsets = [8, 0, 32], sizes = [1, 128, 32], strides = [1, 1, 1]} : vector<35x128x128xf32> to vector<1x128x32xf32>
    %squeeze3A_408 = vector.shape_cast %slice3A_407 : vector<1x128x32xf32> to vector<128x32xf32>
    %slice3A_409 = vector.extract_strided_slice %get3A_32 {offsets = [8, 0, 64], sizes = [1, 128, 32], strides = [1, 1, 1]} : vector<35x128x128xf32> to vector<1x128x32xf32>
    %squeeze3A_410 = vector.shape_cast %slice3A_409 : vector<1x128x32xf32> to vector<128x32xf32>
    %slice3A_411 = vector.extract_strided_slice %get3A_32 {offsets = [8, 0, 96], sizes = [1, 128, 32], strides = [1, 1, 1]} : vector<35x128x128xf32> to vector<1x128x32xf32>
    %squeeze3A_412 = vector.shape_cast %slice3A_411 : vector<1x128x32xf32> to vector<128x32xf32>
    %slice3A_413 = vector.extract_strided_slice %get3A_32 {offsets = [9, 0, 0], sizes = [1, 128, 32], strides = [1, 1, 1]} : vector<35x128x128xf32> to vector<1x128x32xf32>
    %squeeze3A_414 = vector.shape_cast %slice3A_413 : vector<1x128x32xf32> to vector<128x32xf32>
    %slice3A_415 = vector.extract_strided_slice %get3A_32 {offsets = [9, 0, 32], sizes = [1, 128, 32], strides = [1, 1, 1]} : vector<35x128x128xf32> to vector<1x128x32xf32>
    %squeeze3A_416 = vector.shape_cast %slice3A_415 : vector<1x128x32xf32> to vector<128x32xf32>
    %slice3A_417 = vector.extract_strided_slice %get3A_32 {offsets = [9, 0, 64], sizes = [1, 128, 32], strides = [1, 1, 1]} : vector<35x128x128xf32> to vector<1x128x32xf32>
    %squeeze3A_418 = vector.shape_cast %slice3A_417 : vector<1x128x32xf32> to vector<128x32xf32>
    %slice3A_419 = vector.extract_strided_slice %get3A_32 {offsets = [9, 0, 96], sizes = [1, 128, 32], strides = [1, 1, 1]} : vector<35x128x128xf32> to vector<1x128x32xf32>
    %squeeze3A_420 = vector.shape_cast %slice3A_419 : vector<1x128x32xf32> to vector<128x32xf32>
    %slice3A_421 = vector.extract_strided_slice %get3A_32 {offsets = [10, 0, 0], sizes = [1, 128, 32], strides = [1, 1, 1]} : vector<35x128x128xf32> to vector<1x128x32xf32>
    %squeeze3A_422 = vector.shape_cast %slice3A_421 : vector<1x128x32xf32> to vector<128x32xf32>
    %slice3A_423 = vector.extract_strided_slice %get3A_32 {offsets = [10, 0, 32], sizes = [1, 128, 32], strides = [1, 1, 1]} : vector<35x128x128xf32> to vector<1x128x32xf32>
    %squeeze3A_424 = vector.shape_cast %slice3A_423 : vector<1x128x32xf32> to vector<128x32xf32>
    %slice3A_425 = vector.extract_strided_slice %get3A_32 {offsets = [10, 0, 64], sizes = [1, 128, 32], strides = [1, 1, 1]} : vector<35x128x128xf32> to vector<1x128x32xf32>
    %squeeze3A_426 = vector.shape_cast %slice3A_425 : vector<1x128x32xf32> to vector<128x32xf32>
    %slice3A_427 = vector.extract_strided_slice %get3A_32 {offsets = [10, 0, 96], sizes = [1, 128, 32], strides = [1, 1, 1]} : vector<35x128x128xf32> to vector<1x128x32xf32>
    %squeeze3A_428 = vector.shape_cast %slice3A_427 : vector<1x128x32xf32> to vector<128x32xf32>
    %slice3A_429 = vector.extract_strided_slice %get3A_32 {offsets = [11, 0, 0], sizes = [1, 128, 32], strides = [1, 1, 1]} : vector<35x128x128xf32> to vector<1x128x32xf32>
    %squeeze3A_430 = vector.shape_cast %slice3A_429 : vector<1x128x32xf32> to vector<128x32xf32>
    %slice3A_431 = vector.extract_strided_slice %get3A_32 {offsets = [11, 0, 32], sizes = [1, 128, 32], strides = [1, 1, 1]} : vector<35x128x128xf32> to vector<1x128x32xf32>
    %squeeze3A_432 = vector.shape_cast %slice3A_431 : vector<1x128x32xf32> to vector<128x32xf32>
    %slice3A_433 = vector.extract_strided_slice %get3A_32 {offsets = [11, 0, 64], sizes = [1, 128, 32], strides = [1, 1, 1]} : vector<35x128x128xf32> to vector<1x128x32xf32>
    %squeeze3A_434 = vector.shape_cast %slice3A_433 : vector<1x128x32xf32> to vector<128x32xf32>
    %slice3A_435 = vector.extract_strided_slice %get3A_32 {offsets = [11, 0, 96], sizes = [1, 128, 32], strides = [1, 1, 1]} : vector<35x128x128xf32> to vector<1x128x32xf32>
    %squeeze3A_436 = vector.shape_cast %slice3A_435 : vector<1x128x32xf32> to vector<128x32xf32>
    %slice3A_437 = vector.extract_strided_slice %get3A_32 {offsets = [12, 0, 0], sizes = [1, 128, 32], strides = [1, 1, 1]} : vector<35x128x128xf32> to vector<1x128x32xf32>
    %squeeze3A_438 = vector.shape_cast %slice3A_437 : vector<1x128x32xf32> to vector<128x32xf32>
    %slice3A_439 = vector.extract_strided_slice %get3A_32 {offsets = [12, 0, 32], sizes = [1, 128, 32], strides = [1, 1, 1]} : vector<35x128x128xf32> to vector<1x128x32xf32>
    %squeeze3A_440 = vector.shape_cast %slice3A_439 : vector<1x128x32xf32> to vector<128x32xf32>
    %slice3A_441 = vector.extract_strided_slice %get3A_32 {offsets = [12, 0, 64], sizes = [1, 128, 32], strides = [1, 1, 1]} : vector<35x128x128xf32> to vector<1x128x32xf32>
    %squeeze3A_442 = vector.shape_cast %slice3A_441 : vector<1x128x32xf32> to vector<128x32xf32>
    %slice3A_443 = vector.extract_strided_slice %get3A_32 {offsets = [12, 0, 96], sizes = [1, 128, 32], strides = [1, 1, 1]} : vector<35x128x128xf32> to vector<1x128x32xf32>
    %squeeze3A_444 = vector.shape_cast %slice3A_443 : vector<1x128x32xf32> to vector<128x32xf32>
    %slice3A_445 = vector.extract_strided_slice %get3A_32 {offsets = [13, 0, 0], sizes = [1, 128, 32], strides = [1, 1, 1]} : vector<35x128x128xf32> to vector<1x128x32xf32>
    %squeeze3A_446 = vector.shape_cast %slice3A_445 : vector<1x128x32xf32> to vector<128x32xf32>
    %slice3A_447 = vector.extract_strided_slice %get3A_32 {offsets = [13, 0, 32], sizes = [1, 128, 32], strides = [1, 1, 1]} : vector<35x128x128xf32> to vector<1x128x32xf32>
    %squeeze3A_448 = vector.shape_cast %slice3A_447 : vector<1x128x32xf32> to vector<128x32xf32>
    %slice3A_449 = vector.extract_strided_slice %get3A_32 {offsets = [13, 0, 64], sizes = [1, 128, 32], strides = [1, 1, 1]} : vector<35x128x128xf32> to vector<1x128x32xf32>
    %squeeze3A_450 = vector.shape_cast %slice3A_449 : vector<1x128x32xf32> to vector<128x32xf32>
    %slice3A_451 = vector.extract_strided_slice %get3A_32 {offsets = [13, 0, 96], sizes = [1, 128, 32], strides = [1, 1, 1]} : vector<35x128x128xf32> to vector<1x128x32xf32>
    %squeeze3A_452 = vector.shape_cast %slice3A_451 : vector<1x128x32xf32> to vector<128x32xf32>
    %slice3A_453 = vector.extract_strided_slice %get3A_32 {offsets = [14, 0, 0], sizes = [1, 128, 32], strides = [1, 1, 1]} : vector<35x128x128xf32> to vector<1x128x32xf32>
    %squeeze3A_454 = vector.shape_cast %slice3A_453 : vector<1x128x32xf32> to vector<128x32xf32>
    %slice3A_455 = vector.extract_strided_slice %get3A_32 {offsets = [14, 0, 32], sizes = [1, 128, 32], strides = [1, 1, 1]} : vector<35x128x128xf32> to vector<1x128x32xf32>
    %squeeze3A_456 = vector.shape_cast %slice3A_455 : vector<1x128x32xf32> to vector<128x32xf32>
    %slice3A_457 = vector.extract_strided_slice %get3A_32 {offsets = [14, 0, 64], sizes = [1, 128, 32], strides = [1, 1, 1]} : vector<35x128x128xf32> to vector<1x128x32xf32>
    %squeeze3A_458 = vector.shape_cast %slice3A_457 : vector<1x128x32xf32> to vector<128x32xf32>
    %slice3A_459 = vector.extract_strided_slice %get3A_32 {offsets = [14, 0, 96], sizes = [1, 128, 32], strides = [1, 1, 1]} : vector<35x128x128xf32> to vector<1x128x32xf32>
    %squeeze3A_460 = vector.shape_cast %slice3A_459 : vector<1x128x32xf32> to vector<128x32xf32>
    %slice3A_461 = vector.extract_strided_slice %get3A_32 {offsets = [15, 0, 0], sizes = [1, 128, 32], strides = [1, 1, 1]} : vector<35x128x128xf32> to vector<1x128x32xf32>
    %squeeze3A_462 = vector.shape_cast %slice3A_461 : vector<1x128x32xf32> to vector<128x32xf32>
    %slice3A_463 = vector.extract_strided_slice %get3A_32 {offsets = [15, 0, 32], sizes = [1, 128, 32], strides = [1, 1, 1]} : vector<35x128x128xf32> to vector<1x128x32xf32>
    %squeeze3A_464 = vector.shape_cast %slice3A_463 : vector<1x128x32xf32> to vector<128x32xf32>
    %slice3A_465 = vector.extract_strided_slice %get3A_32 {offsets = [15, 0, 64], sizes = [1, 128, 32], strides = [1, 1, 1]} : vector<35x128x128xf32> to vector<1x128x32xf32>
    %squeeze3A_466 = vector.shape_cast %slice3A_465 : vector<1x128x32xf32> to vector<128x32xf32>
    %slice3A_467 = vector.extract_strided_slice %get3A_32 {offsets = [15, 0, 96], sizes = [1, 128, 32], strides = [1, 1, 1]} : vector<35x128x128xf32> to vector<1x128x32xf32>
    %squeeze3A_468 = vector.shape_cast %slice3A_467 : vector<1x128x32xf32> to vector<128x32xf32>
    %slice3A_469 = vector.extract_strided_slice %get3A_32 {offsets = [16, 0, 0], sizes = [1, 128, 32], strides = [1, 1, 1]} : vector<35x128x128xf32> to vector<1x128x32xf32>
    %squeeze3A_470 = vector.shape_cast %slice3A_469 : vector<1x128x32xf32> to vector<128x32xf32>
    %slice3A_471 = vector.extract_strided_slice %get3A_32 {offsets = [16, 0, 32], sizes = [1, 128, 32], strides = [1, 1, 1]} : vector<35x128x128xf32> to vector<1x128x32xf32>
    %squeeze3A_472 = vector.shape_cast %slice3A_471 : vector<1x128x32xf32> to vector<128x32xf32>
    %slice3A_473 = vector.extract_strided_slice %get3A_32 {offsets = [16, 0, 64], sizes = [1, 128, 32], strides = [1, 1, 1]} : vector<35x128x128xf32> to vector<1x128x32xf32>
    %squeeze3A_474 = vector.shape_cast %slice3A_473 : vector<1x128x32xf32> to vector<128x32xf32>
    %slice3A_475 = vector.extract_strided_slice %get3A_32 {offsets = [16, 0, 96], sizes = [1, 128, 32], strides = [1, 1, 1]} : vector<35x128x128xf32> to vector<1x128x32xf32>
    %squeeze3A_476 = vector.shape_cast %slice3A_475 : vector<1x128x32xf32> to vector<128x32xf32>
    %slice3A_477 = vector.extract_strided_slice %get3A_32 {offsets = [17, 0, 0], sizes = [1, 128, 32], strides = [1, 1, 1]} : vector<35x128x128xf32> to vector<1x128x32xf32>
    %squeeze3A_478 = vector.shape_cast %slice3A_477 : vector<1x128x32xf32> to vector<128x32xf32>
    %slice3A_479 = vector.extract_strided_slice %get3A_32 {offsets = [17, 0, 32], sizes = [1, 128, 32], strides = [1, 1, 1]} : vector<35x128x128xf32> to vector<1x128x32xf32>
    %squeeze3A_480 = vector.shape_cast %slice3A_479 : vector<1x128x32xf32> to vector<128x32xf32>
    %slice3A_481 = vector.extract_strided_slice %get3A_32 {offsets = [17, 0, 64], sizes = [1, 128, 32], strides = [1, 1, 1]} : vector<35x128x128xf32> to vector<1x128x32xf32>
    %squeeze3A_482 = vector.shape_cast %slice3A_481 : vector<1x128x32xf32> to vector<128x32xf32>
    %slice3A_483 = vector.extract_strided_slice %get3A_32 {offsets = [17, 0, 96], sizes = [1, 128, 32], strides = [1, 1, 1]} : vector<35x128x128xf32> to vector<1x128x32xf32>
    %squeeze3A_484 = vector.shape_cast %slice3A_483 : vector<1x128x32xf32> to vector<128x32xf32>
    %slice3A_485 = vector.extract_strided_slice %get3A_32 {offsets = [18, 0, 0], sizes = [1, 128, 32], strides = [1, 1, 1]} : vector<35x128x128xf32> to vector<1x128x32xf32>
    %squeeze3A_486 = vector.shape_cast %slice3A_485 : vector<1x128x32xf32> to vector<128x32xf32>
    %slice3A_487 = vector.extract_strided_slice %get3A_32 {offsets = [18, 0, 32], sizes = [1, 128, 32], strides = [1, 1, 1]} : vector<35x128x128xf32> to vector<1x128x32xf32>
    %squeeze3A_488 = vector.shape_cast %slice3A_487 : vector<1x128x32xf32> to vector<128x32xf32>
    %slice3A_489 = vector.extract_strided_slice %get3A_32 {offsets = [18, 0, 64], sizes = [1, 128, 32], strides = [1, 1, 1]} : vector<35x128x128xf32> to vector<1x128x32xf32>
    %squeeze3A_490 = vector.shape_cast %slice3A_489 : vector<1x128x32xf32> to vector<128x32xf32>
    %slice3A_491 = vector.extract_strided_slice %get3A_32 {offsets = [18, 0, 96], sizes = [1, 128, 32], strides = [1, 1, 1]} : vector<35x128x128xf32> to vector<1x128x32xf32>
    %squeeze3A_492 = vector.shape_cast %slice3A_491 : vector<1x128x32xf32> to vector<128x32xf32>
    %slice3A_493 = vector.extract_strided_slice %get3A_32 {offsets = [19, 0, 0], sizes = [1, 128, 32], strides = [1, 1, 1]} : vector<35x128x128xf32> to vector<1x128x32xf32>
    %squeeze3A_494 = vector.shape_cast %slice3A_493 : vector<1x128x32xf32> to vector<128x32xf32>
    %slice3A_495 = vector.extract_strided_slice %get3A_32 {offsets = [19, 0, 32], sizes = [1, 128, 32], strides = [1, 1, 1]} : vector<35x128x128xf32> to vector<1x128x32xf32>
    %squeeze3A_496 = vector.shape_cast %slice3A_495 : vector<1x128x32xf32> to vector<128x32xf32>
    %slice3A_497 = vector.extract_strided_slice %get3A_32 {offsets = [19, 0, 64], sizes = [1, 128, 32], strides = [1, 1, 1]} : vector<35x128x128xf32> to vector<1x128x32xf32>
    %squeeze3A_498 = vector.shape_cast %slice3A_497 : vector<1x128x32xf32> to vector<128x32xf32>
    %slice3A_499 = vector.extract_strided_slice %get3A_32 {offsets = [19, 0, 96], sizes = [1, 128, 32], strides = [1, 1, 1]} : vector<35x128x128xf32> to vector<1x128x32xf32>
    %squeeze3A_500 = vector.shape_cast %slice3A_499 : vector<1x128x32xf32> to vector<128x32xf32>
    %slice3A_501 = vector.extract_strided_slice %get3A_32 {offsets = [20, 0, 0], sizes = [1, 128, 32], strides = [1, 1, 1]} : vector<35x128x128xf32> to vector<1x128x32xf32>
    %squeeze3A_502 = vector.shape_cast %slice3A_501 : vector<1x128x32xf32> to vector<128x32xf32>
    %slice3A_503 = vector.extract_strided_slice %get3A_32 {offsets = [20, 0, 32], sizes = [1, 128, 32], strides = [1, 1, 1]} : vector<35x128x128xf32> to vector<1x128x32xf32>
    %squeeze3A_504 = vector.shape_cast %slice3A_503 : vector<1x128x32xf32> to vector<128x32xf32>
    %slice3A_505 = vector.extract_strided_slice %get3A_32 {offsets = [20, 0, 64], sizes = [1, 128, 32], strides = [1, 1, 1]} : vector<35x128x128xf32> to vector<1x128x32xf32>
    %squeeze3A_506 = vector.shape_cast %slice3A_505 : vector<1x128x32xf32> to vector<128x32xf32>
    %slice3A_507 = vector.extract_strided_slice %get3A_32 {offsets = [20, 0, 96], sizes = [1, 128, 32], strides = [1, 1, 1]} : vector<35x128x128xf32> to vector<1x128x32xf32>
    %squeeze3A_508 = vector.shape_cast %slice3A_507 : vector<1x128x32xf32> to vector<128x32xf32>
    %slice3A_509 = vector.extract_strided_slice %get3A_32 {offsets = [21, 0, 0], sizes = [1, 128, 32], strides = [1, 1, 1]} : vector<35x128x128xf32> to vector<1x128x32xf32>
    %squeeze3A_510 = vector.shape_cast %slice3A_509 : vector<1x128x32xf32> to vector<128x32xf32>
    %slice3A_511 = vector.extract_strided_slice %get3A_32 {offsets = [21, 0, 32], sizes = [1, 128, 32], strides = [1, 1, 1]} : vector<35x128x128xf32> to vector<1x128x32xf32>
    %squeeze3A_512 = vector.shape_cast %slice3A_511 : vector<1x128x32xf32> to vector<128x32xf32>
    %slice3A_513 = vector.extract_strided_slice %get3A_32 {offsets = [21, 0, 64], sizes = [1, 128, 32], strides = [1, 1, 1]} : vector<35x128x128xf32> to vector<1x128x32xf32>
    %squeeze3A_514 = vector.shape_cast %slice3A_513 : vector<1x128x32xf32> to vector<128x32xf32>
    %slice3A_515 = vector.extract_strided_slice %get3A_32 {offsets = [21, 0, 96], sizes = [1, 128, 32], strides = [1, 1, 1]} : vector<35x128x128xf32> to vector<1x128x32xf32>
    %squeeze3A_516 = vector.shape_cast %slice3A_515 : vector<1x128x32xf32> to vector<128x32xf32>
    %slice3A_517 = vector.extract_strided_slice %get3A_32 {offsets = [22, 0, 0], sizes = [1, 128, 32], strides = [1, 1, 1]} : vector<35x128x128xf32> to vector<1x128x32xf32>
    %squeeze3A_518 = vector.shape_cast %slice3A_517 : vector<1x128x32xf32> to vector<128x32xf32>
    %slice3A_519 = vector.extract_strided_slice %get3A_32 {offsets = [22, 0, 32], sizes = [1, 128, 32], strides = [1, 1, 1]} : vector<35x128x128xf32> to vector<1x128x32xf32>
    %squeeze3A_520 = vector.shape_cast %slice3A_519 : vector<1x128x32xf32> to vector<128x32xf32>
    %slice3A_521 = vector.extract_strided_slice %get3A_32 {offsets = [22, 0, 64], sizes = [1, 128, 32], strides = [1, 1, 1]} : vector<35x128x128xf32> to vector<1x128x32xf32>
    %squeeze3A_522 = vector.shape_cast %slice3A_521 : vector<1x128x32xf32> to vector<128x32xf32>
    %slice3A_523 = vector.extract_strided_slice %get3A_32 {offsets = [22, 0, 96], sizes = [1, 128, 32], strides = [1, 1, 1]} : vector<35x128x128xf32> to vector<1x128x32xf32>
    %squeeze3A_524 = vector.shape_cast %slice3A_523 : vector<1x128x32xf32> to vector<128x32xf32>
    %slice3A_525 = vector.extract_strided_slice %get3A_32 {offsets = [23, 0, 0], sizes = [1, 128, 32], strides = [1, 1, 1]} : vector<35x128x128xf32> to vector<1x128x32xf32>
    %squeeze3A_526 = vector.shape_cast %slice3A_525 : vector<1x128x32xf32> to vector<128x32xf32>
    %slice3A_527 = vector.extract_strided_slice %get3A_32 {offsets = [23, 0, 32], sizes = [1, 128, 32], strides = [1, 1, 1]} : vector<35x128x128xf32> to vector<1x128x32xf32>
    %squeeze3A_528 = vector.shape_cast %slice3A_527 : vector<1x128x32xf32> to vector<128x32xf32>
    %slice3A_529 = vector.extract_strided_slice %get3A_32 {offsets = [23, 0, 64], sizes = [1, 128, 32], strides = [1, 1, 1]} : vector<35x128x128xf32> to vector<1x128x32xf32>
    %squeeze3A_530 = vector.shape_cast %slice3A_529 : vector<1x128x32xf32> to vector<128x32xf32>
    %slice3A_531 = vector.extract_strided_slice %get3A_32 {offsets = [23, 0, 96], sizes = [1, 128, 32], strides = [1, 1, 1]} : vector<35x128x128xf32> to vector<1x128x32xf32>
    %squeeze3A_532 = vector.shape_cast %slice3A_531 : vector<1x128x32xf32> to vector<128x32xf32>
    %slice3A_533 = vector.extract_strided_slice %get3A_32 {offsets = [24, 0, 0], sizes = [1, 128, 32], strides = [1, 1, 1]} : vector<35x128x128xf32> to vector<1x128x32xf32>
    %squeeze3A_534 = vector.shape_cast %slice3A_533 : vector<1x128x32xf32> to vector<128x32xf32>
    %slice3A_535 = vector.extract_strided_slice %get3A_32 {offsets = [24, 0, 32], sizes = [1, 128, 32], strides = [1, 1, 1]} : vector<35x128x128xf32> to vector<1x128x32xf32>
    %squeeze3A_536 = vector.shape_cast %slice3A_535 : vector<1x128x32xf32> to vector<128x32xf32>
    %slice3A_537 = vector.extract_strided_slice %get3A_32 {offsets = [24, 0, 64], sizes = [1, 128, 32], strides = [1, 1, 1]} : vector<35x128x128xf32> to vector<1x128x32xf32>
    %squeeze3A_538 = vector.shape_cast %slice3A_537 : vector<1x128x32xf32> to vector<128x32xf32>
    %slice3A_539 = vector.extract_strided_slice %get3A_32 {offsets = [24, 0, 96], sizes = [1, 128, 32], strides = [1, 1, 1]} : vector<35x128x128xf32> to vector<1x128x32xf32>
    %squeeze3A_540 = vector.shape_cast %slice3A_539 : vector<1x128x32xf32> to vector<128x32xf32>
    %slice3A_541 = vector.extract_strided_slice %get3A_32 {offsets = [25, 0, 0], sizes = [1, 128, 32], strides = [1, 1, 1]} : vector<35x128x128xf32> to vector<1x128x32xf32>
    %squeeze3A_542 = vector.shape_cast %slice3A_541 : vector<1x128x32xf32> to vector<128x32xf32>
    %slice3A_543 = vector.extract_strided_slice %get3A_32 {offsets = [25, 0, 32], sizes = [1, 128, 32], strides = [1, 1, 1]} : vector<35x128x128xf32> to vector<1x128x32xf32>
    %squeeze3A_544 = vector.shape_cast %slice3A_543 : vector<1x128x32xf32> to vector<128x32xf32>
    %slice3A_545 = vector.extract_strided_slice %get3A_32 {offsets = [25, 0, 64], sizes = [1, 128, 32], strides = [1, 1, 1]} : vector<35x128x128xf32> to vector<1x128x32xf32>
    %squeeze3A_546 = vector.shape_cast %slice3A_545 : vector<1x128x32xf32> to vector<128x32xf32>
    %slice3A_547 = vector.extract_strided_slice %get3A_32 {offsets = [25, 0, 96], sizes = [1, 128, 32], strides = [1, 1, 1]} : vector<35x128x128xf32> to vector<1x128x32xf32>
    %squeeze3A_548 = vector.shape_cast %slice3A_547 : vector<1x128x32xf32> to vector<128x32xf32>
    %slice3A_549 = vector.extract_strided_slice %get3A_32 {offsets = [26, 0, 0], sizes = [1, 128, 32], strides = [1, 1, 1]} : vector<35x128x128xf32> to vector<1x128x32xf32>
    %squeeze3A_550 = vector.shape_cast %slice3A_549 : vector<1x128x32xf32> to vector<128x32xf32>
    %slice3A_551 = vector.extract_strided_slice %get3A_32 {offsets = [26, 0, 32], sizes = [1, 128, 32], strides = [1, 1, 1]} : vector<35x128x128xf32> to vector<1x128x32xf32>
    %squeeze3A_552 = vector.shape_cast %slice3A_551 : vector<1x128x32xf32> to vector<128x32xf32>
    %slice3A_553 = vector.extract_strided_slice %get3A_32 {offsets = [26, 0, 64], sizes = [1, 128, 32], strides = [1, 1, 1]} : vector<35x128x128xf32> to vector<1x128x32xf32>
    %squeeze3A_554 = vector.shape_cast %slice3A_553 : vector<1x128x32xf32> to vector<128x32xf32>
    %slice3A_555 = vector.extract_strided_slice %get3A_32 {offsets = [26, 0, 96], sizes = [1, 128, 32], strides = [1, 1, 1]} : vector<35x128x128xf32> to vector<1x128x32xf32>
    %squeeze3A_556 = vector.shape_cast %slice3A_555 : vector<1x128x32xf32> to vector<128x32xf32>
    %concatenate3A_557 = tpu.concatenate %squeeze3A, %squeeze3A_344, %squeeze3A_346, %squeeze3A_348, %squeeze3A_350, %squeeze3A_352, %squeeze3A_354, %squeeze3A_356, %squeeze3A_358, %squeeze3A_360, %squeeze3A_362, %squeeze3A_364, %squeeze3A_366, %squeeze3A_368, %squeeze3A_370, %squeeze3A_372, %squeeze3A_374, %squeeze3A_376, %squeeze3A_378, %squeeze3A_380, %squeeze3A_382, %squeeze3A_384, %squeeze3A_386, %squeeze3A_388, %squeeze3A_390, %squeeze3A_392, %squeeze3A_394, %squeeze3A_396, %squeeze3A_398, %squeeze3A_400, %squeeze3A_402, %squeeze3A_404, %squeeze3A_406, %squeeze3A_408, %squeeze3A_410, %squeeze3A_412, %squeeze3A_414, %squeeze3A_416, %squeeze3A_418, %squeeze3A_420, %squeeze3A_422, %squeeze3A_424, %squeeze3A_426, %squeeze3A_428, %squeeze3A_430, %squeeze3A_432, %squeeze3A_434, %squeeze3A_436, %squeeze3A_438, %squeeze3A_440, %squeeze3A_442, %squeeze3A_444, %squeeze3A_446, %squeeze3A_448, %squeeze3A_450, %squeeze3A_452, %squeeze3A_454, %squeeze3A_456, %squeeze3A_458, %squeeze3A_460, %squeeze3A_462, %squeeze3A_464, %squeeze3A_466, %squeeze3A_468, %squeeze3A_470, %squeeze3A_472, %squeeze3A_474, %squeeze3A_476, %squeeze3A_478, %squeeze3A_480, %squeeze3A_482, %squeeze3A_484, %squeeze3A_486, %squeeze3A_488, %squeeze3A_490, %squeeze3A_492, %squeeze3A_494, %squeeze3A_496, %squeeze3A_498, %squeeze3A_500, %squeeze3A_502, %squeeze3A_504, %squeeze3A_506, %squeeze3A_508, %squeeze3A_510, %squeeze3A_512, %squeeze3A_514, %squeeze3A_516, %squeeze3A_518, %squeeze3A_520, %squeeze3A_522, %squeeze3A_524, %squeeze3A_526, %squeeze3A_528, %squeeze3A_530, %squeeze3A_532, %squeeze3A_534, %squeeze3A_536, %squeeze3A_538, %squeeze3A_540, %squeeze3A_542, %squeeze3A_544, %squeeze3A_546, %squeeze3A_548, %squeeze3A_550, %squeeze3A_552, %squeeze3A_554, %squeeze3A_556 in 0 : vector<128x32xf32>, vector<128x32xf32>, vector<128x32xf32>, vector<128x32xf32>, vector<128x32xf32>, vector<128x32xf32>, vector<128x32xf32>, vector<128x32xf32>, vector<128x32xf32>, vector<128x32xf32>, vector<128x32xf32>, vector<128x32xf32>, vector<128x32xf32>, vector<128x32xf32>, vector<128x32xf32>, vector<128x32xf32>, vector<128x32xf32>, vector<128x32xf32>, vector<128x32xf32>, vector<128x32xf32>, vector<128x32xf32>, vector<128x32xf32>, vector<128x32xf32>, vector<128x32xf32>, vector<128x32xf32>, vector<128x32xf32>, vector<128x32xf32>, vector<128x32xf32>, vector<128x32xf32>, vector<128x32xf32>, vector<128x32xf32>, vector<128x32xf32>, vector<128x32xf32>, vector<128x32xf32>, vector<128x32xf32>, vector<128x32xf32>, vector<128x32xf32>, vector<128x32xf32>, vector<128x32xf32>, vector<128x32xf32>, vector<128x32xf32>, vector<128x32xf32>, vector<128x32xf32>, vector<128x32xf32>, vector<128x32xf32>, vector<128x32xf32>, vector<128x32xf32>, vector<128x32xf32>, vector<128x32xf32>, vector<128x32xf32>, vector<128x32xf32>, vector<128x32xf32>, vector<128x32xf32>, vector<128x32xf32>, vector<128x32xf32>, vector<128x32xf32>, vector<128x32xf32>, vector<128x32xf32>, vector<128x32xf32>, vector<128x32xf32>, vector<128x32xf32>, vector<128x32xf32>, vector<128x32xf32>, vector<128x32xf32>, vector<128x32xf32>, vector<128x32xf32>, vector<128x32xf32>, vector<128x32xf32>, vector<128x32xf32>, vector<128x32xf32>, vector<128x32xf32>, vector<128x32xf32>, vector<128x32xf32>, vector<128x32xf32>, vector<128x32xf32>, vector<128x32xf32>, vector<128x32xf32>, vector<128x32xf32>, vector<128x32xf32>, vector<128x32xf32>, vector<128x32xf32>, vector<128x32xf32>, vector<128x32xf32>, vector<128x32xf32>, vector<128x32xf32>, vector<128x32xf32>, vector<128x32xf32>, vector<128x32xf32>, vector<128x32xf32>, vector<128x32xf32>, vector<128x32xf32>, vector<128x32xf32>, vector<128x32xf32>, vector<128x32xf32>, vector<128x32xf32>, vector<128x32xf32>, vector<128x32xf32>, vector<128x32xf32>, vector<128x32xf32>, vector<128x32xf32>, vector<128x32xf32>, vector<128x32xf32>, vector<128x32xf32>, vector<128x32xf32>, vector<128x32xf32>, vector<128x32xf32>, vector<128x32xf32>, vector<128x32xf32> -> vector<13824x32xf32>
    %concatenate3A_558 = tpu.concatenate %concatenate3A_557, %max3A_341 in 1 : vector<13824x32xf32>, vector<13824x64xf32> -> vector<13824x96xf32>
    %get3A_559 = arith.constant 0 : index
    %get3A_560 = arith.constant 0 : index
    %get3A_561 = vector.load %arg9[%get3A_559, %get3A_560] : memref<96x128xf32, #tpu.memory_space<vmem>>, vector<96x128xf32>
    %dot_general3A_562 = arith.constant dense<0.000000e+00> : vector<13824x128xf32>
    %dot_general3A_563 = tpu.matmul %concatenate3A_558, %get3A_561, %dot_general3A_562 {dimension_numbers = #tpu.dot_dimension_numbers<[1], [0], [0], [1], [0, 0, 1, 1], [], []>, transpose_lhs_hint = false} : vector<13824x96xf32>, vector<96x128xf32>, vector<13824x128xf32> -> vector<13824x128xf32>
    %get3A_564 = arith.constant 0 : index
    %get3A_565 = arith.constant 0 : index
    %get3A_566 = vector.load %arg10[%get3A_564, %get3A_565] : memref<1x128xf32, #tpu.memory_space<vmem>>, vector<1x128xf32>
    %add3A_567 = vector.broadcast %get3A_566 : vector<1x128xf32> to vector<13824x128xf32>
    %add3A_568 = arith.addf %dot_general3A_563, %add3A_567 : vector<13824x128xf32>
    %slice3A_569 = vector.extract_strided_slice %add3A_568 {offsets = [0, 0], sizes = [13824, 64], strides = [1, 1]} : vector<13824x128xf32> to vector<13824x64xf32>
    %slice3A_570 = vector.extract_strided_slice %add3A_568 {offsets = [0, 64], sizes = [13824, 64], strides = [1, 1]} : vector<13824x128xf32> to vector<13824x64xf32>
    %slice3A_571 = vector.extract_strided_slice %concatenate3A_26 {offsets = [0, 0], sizes = [512, 1], strides = [1, 1]} : vector<512x3xf32> to vector<512x1xf32>
    %slice3A_572 = vector.extract_strided_slice %concatenate3A_26 {offsets = [0, 1], sizes = [512, 1], strides = [1, 1]} : vector<512x3xf32> to vector<512x1xf32>
    %slice3A_573 = vector.extract_strided_slice %concatenate3A_26 {offsets = [0, 2], sizes = [512, 1], strides = [1, 1]} : vector<512x3xf32> to vector<512x1xf32>
    %sub3A_574 = arith.constant 1.000000e+00 : f32
    %sub3A_575 = vector.broadcast %sub3A_574 : f32 to vector<512x1xf32>
    %sub3A_576 = arith.subf %sub3A_575, %slice3A_571 : vector<512x1xf32>
    %sub3A_577 = arith.constant 1.000000e+00 : f32
    %sub3A_578 = vector.broadcast %sub3A_577 : f32 to vector<512x1xf32>
    %sub3A_579 = arith.subf %sub3A_578, %slice3A_572 : vector<512x1xf32>
    %mul3A_580 = arith.mulf %sub3A_576, %sub3A_579 : vector<512x1xf32>
    %sub3A_581 = arith.constant 1.000000e+00 : f32
    %sub3A_582 = vector.broadcast %sub3A_581 : f32 to vector<512x1xf32>
    %sub3A_583 = arith.subf %sub3A_582, %slice3A_573 : vector<512x1xf32>
    %mul3A_584 = arith.mulf %mul3A_580, %sub3A_583 : vector<512x1xf32>
    %sub3A_585 = arith.constant 1.000000e+00 : f32
    %sub3A_586 = vector.broadcast %sub3A_585 : f32 to vector<512x1xf32>
    %sub3A_587 = arith.subf %sub3A_586, %slice3A_571 : vector<512x1xf32>
    %sub3A_588 = arith.constant 1.000000e+00 : f32
    %sub3A_589 = vector.broadcast %sub3A_588 : f32 to vector<512x1xf32>
    %sub3A_590 = arith.subf %sub3A_589, %slice3A_572 : vector<512x1xf32>
    %mul3A_591 = arith.mulf %sub3A_587, %sub3A_590 : vector<512x1xf32>
    %mul3A_592 = arith.mulf %mul3A_591, %slice3A_573 : vector<512x1xf32>
    %sub3A_593 = arith.constant 1.000000e+00 : f32
    %sub3A_594 = vector.broadcast %sub3A_593 : f32 to vector<512x1xf32>
    %sub3A_595 = arith.subf %sub3A_594, %slice3A_571 : vector<512x1xf32>
    %mul3A_596 = arith.mulf %sub3A_595, %slice3A_572 : vector<512x1xf32>
    %sub3A_597 = arith.constant 1.000000e+00 : f32
    %sub3A_598 = vector.broadcast %sub3A_597 : f32 to vector<512x1xf32>
    %sub3A_599 = arith.subf %sub3A_598, %slice3A_573 : vector<512x1xf32>
    %mul3A_600 = arith.mulf %mul3A_596, %sub3A_599 : vector<512x1xf32>
    %sub3A_601 = arith.constant 1.000000e+00 : f32
    %sub3A_602 = vector.broadcast %sub3A_601 : f32 to vector<512x1xf32>
    %sub3A_603 = arith.subf %sub3A_602, %slice3A_571 : vector<512x1xf32>
    %mul3A_604 = arith.mulf %sub3A_603, %slice3A_572 : vector<512x1xf32>
    %mul3A_605 = arith.mulf %mul3A_604, %slice3A_573 : vector<512x1xf32>
    %sub3A_606 = arith.constant 1.000000e+00 : f32
    %sub3A_607 = vector.broadcast %sub3A_606 : f32 to vector<512x1xf32>
    %sub3A_608 = arith.subf %sub3A_607, %slice3A_572 : vector<512x1xf32>
    %mul3A_609 = arith.mulf %slice3A_571, %sub3A_608 : vector<512x1xf32>
    %sub3A_610 = arith.constant 1.000000e+00 : f32
    %sub3A_611 = vector.broadcast %sub3A_610 : f32 to vector<512x1xf32>
    %sub3A_612 = arith.subf %sub3A_611, %slice3A_573 : vector<512x1xf32>
    %mul3A_613 = arith.mulf %mul3A_609, %sub3A_612 : vector<512x1xf32>
    %sub3A_614 = arith.constant 1.000000e+00 : f32
    %sub3A_615 = vector.broadcast %sub3A_614 : f32 to vector<512x1xf32>
    %sub3A_616 = arith.subf %sub3A_615, %slice3A_572 : vector<512x1xf32>
    %mul3A_617 = arith.mulf %slice3A_571, %sub3A_616 : vector<512x1xf32>
    %mul3A_618 = arith.mulf %mul3A_617, %slice3A_573 : vector<512x1xf32>
    %mul3A_619 = arith.mulf %slice3A_571, %slice3A_572 : vector<512x1xf32>
    %sub3A_620 = arith.constant 1.000000e+00 : f32
    %sub3A_621 = vector.broadcast %sub3A_620 : f32 to vector<512x1xf32>
    %sub3A_622 = arith.subf %sub3A_621, %slice3A_573 : vector<512x1xf32>
    %mul3A_623 = arith.mulf %mul3A_619, %sub3A_622 : vector<512x1xf32>
    %mul3A_624 = arith.mulf %slice3A_571, %slice3A_572 : vector<512x1xf32>
    %mul3A_625 = arith.mulf %mul3A_624, %slice3A_573 : vector<512x1xf32>
    %concatenate3A_626 = tpu.concatenate %mul3A_584, %mul3A_592, %mul3A_600, %mul3A_605, %mul3A_613, %mul3A_618, %mul3A_623, %mul3A_625 in 1 : vector<512x1xf32>, vector<512x1xf32>, vector<512x1xf32>, vector<512x1xf32>, vector<512x1xf32>, vector<512x1xf32>, vector<512x1xf32>, vector<512x1xf32> -> vector<512x8xf32>
    %slice3A_627 = vector.extract_strided_slice %get3A_32 {offsets = [27, 0, 0], sizes = [1, 128, 128], strides = [1, 1, 1]} : vector<35x128x128xf32> to vector<1x128x128xf32>
    %squeeze3A_628 = vector.shape_cast %slice3A_627 : vector<1x128x128xf32> to vector<128x128xf32>
    %slice3A_629 = vector.extract_strided_slice %squeeze3A_628 {offsets = [0, 0], sizes = [128, 32], strides = [1, 1]} : vector<128x128xf32> to vector<128x32xf32>
    %slice3A_630 = vector.extract_strided_slice %squeeze3A_628 {offsets = [0, 32], sizes = [128, 32], strides = [1, 1]} : vector<128x128xf32> to vector<128x32xf32>
    %slice3A_631 = vector.extract_strided_slice %squeeze3A_628 {offsets = [0, 64], sizes = [128, 32], strides = [1, 1]} : vector<128x128xf32> to vector<128x32xf32>
    %slice3A_632 = vector.extract_strided_slice %squeeze3A_628 {offsets = [0, 96], sizes = [128, 32], strides = [1, 1]} : vector<128x128xf32> to vector<128x32xf32>
    %concatenate3A_633 = tpu.concatenate %slice3A_629, %slice3A_630, %slice3A_631, %slice3A_632 in 0 : vector<128x32xf32>, vector<128x32xf32>, vector<128x32xf32>, vector<128x32xf32> -> vector<512x32xf32>
    %slice3A_634 = vector.extract_strided_slice %get3A_32 {offsets = [28, 0, 0], sizes = [1, 128, 128], strides = [1, 1, 1]} : vector<35x128x128xf32> to vector<1x128x128xf32>
    %squeeze3A_635 = vector.shape_cast %slice3A_634 : vector<1x128x128xf32> to vector<128x128xf32>
    %slice3A_636 = vector.extract_strided_slice %squeeze3A_635 {offsets = [0, 0], sizes = [128, 32], strides = [1, 1]} : vector<128x128xf32> to vector<128x32xf32>
    %slice3A_637 = vector.extract_strided_slice %squeeze3A_635 {offsets = [0, 32], sizes = [128, 32], strides = [1, 1]} : vector<128x128xf32> to vector<128x32xf32>
    %slice3A_638 = vector.extract_strided_slice %squeeze3A_635 {offsets = [0, 64], sizes = [128, 32], strides = [1, 1]} : vector<128x128xf32> to vector<128x32xf32>
    %slice3A_639 = vector.extract_strided_slice %squeeze3A_635 {offsets = [0, 96], sizes = [128, 32], strides = [1, 1]} : vector<128x128xf32> to vector<128x32xf32>
    %concatenate3A_640 = tpu.concatenate %slice3A_636, %slice3A_637, %slice3A_638, %slice3A_639 in 0 : vector<128x32xf32>, vector<128x32xf32>, vector<128x32xf32>, vector<128x32xf32> -> vector<512x32xf32>
    %slice3A_641 = vector.extract_strided_slice %get3A_32 {offsets = [29, 0, 0], sizes = [1, 128, 128], strides = [1, 1, 1]} : vector<35x128x128xf32> to vector<1x128x128xf32>
    %squeeze3A_642 = vector.shape_cast %slice3A_641 : vector<1x128x128xf32> to vector<128x128xf32>
    %slice3A_643 = vector.extract_strided_slice %squeeze3A_642 {offsets = [0, 0], sizes = [128, 32], strides = [1, 1]} : vector<128x128xf32> to vector<128x32xf32>
    %slice3A_644 = vector.extract_strided_slice %squeeze3A_642 {offsets = [0, 32], sizes = [128, 32], strides = [1, 1]} : vector<128x128xf32> to vector<128x32xf32>
    %slice3A_645 = vector.extract_strided_slice %squeeze3A_642 {offsets = [0, 64], sizes = [128, 32], strides = [1, 1]} : vector<128x128xf32> to vector<128x32xf32>
    %slice3A_646 = vector.extract_strided_slice %squeeze3A_642 {offsets = [0, 96], sizes = [128, 32], strides = [1, 1]} : vector<128x128xf32> to vector<128x32xf32>
    %concatenate3A_647 = tpu.concatenate %slice3A_643, %slice3A_644, %slice3A_645, %slice3A_646 in 0 : vector<128x32xf32>, vector<128x32xf32>, vector<128x32xf32>, vector<128x32xf32> -> vector<512x32xf32>
    %slice3A_648 = vector.extract_strided_slice %get3A_32 {offsets = [30, 0, 0], sizes = [1, 128, 128], strides = [1, 1, 1]} : vector<35x128x128xf32> to vector<1x128x128xf32>
    %squeeze3A_649 = vector.shape_cast %slice3A_648 : vector<1x128x128xf32> to vector<128x128xf32>
    %slice3A_650 = vector.extract_strided_slice %squeeze3A_649 {offsets = [0, 0], sizes = [128, 32], strides = [1, 1]} : vector<128x128xf32> to vector<128x32xf32>
    %slice3A_651 = vector.extract_strided_slice %squeeze3A_649 {offsets = [0, 32], sizes = [128, 32], strides = [1, 1]} : vector<128x128xf32> to vector<128x32xf32>
    %slice3A_652 = vector.extract_strided_slice %squeeze3A_649 {offsets = [0, 64], sizes = [128, 32], strides = [1, 1]} : vector<128x128xf32> to vector<128x32xf32>
    %slice3A_653 = vector.extract_strided_slice %squeeze3A_649 {offsets = [0, 96], sizes = [128, 32], strides = [1, 1]} : vector<128x128xf32> to vector<128x32xf32>
    %concatenate3A_654 = tpu.concatenate %slice3A_650, %slice3A_651, %slice3A_652, %slice3A_653 in 0 : vector<128x32xf32>, vector<128x32xf32>, vector<128x32xf32>, vector<128x32xf32> -> vector<512x32xf32>
    %slice3A_655 = vector.extract_strided_slice %get3A_32 {offsets = [31, 0, 0], sizes = [1, 128, 128], strides = [1, 1, 1]} : vector<35x128x128xf32> to vector<1x128x128xf32>
    %squeeze3A_656 = vector.shape_cast %slice3A_655 : vector<1x128x128xf32> to vector<128x128xf32>
    %slice3A_657 = vector.extract_strided_slice %squeeze3A_656 {offsets = [0, 0], sizes = [128, 32], strides = [1, 1]} : vector<128x128xf32> to vector<128x32xf32>
    %slice3A_658 = vector.extract_strided_slice %squeeze3A_656 {offsets = [0, 32], sizes = [128, 32], strides = [1, 1]} : vector<128x128xf32> to vector<128x32xf32>
    %slice3A_659 = vector.extract_strided_slice %squeeze3A_656 {offsets = [0, 64], sizes = [128, 32], strides = [1, 1]} : vector<128x128xf32> to vector<128x32xf32>
    %slice3A_660 = vector.extract_strided_slice %squeeze3A_656 {offsets = [0, 96], sizes = [128, 32], strides = [1, 1]} : vector<128x128xf32> to vector<128x32xf32>
    %concatenate3A_661 = tpu.concatenate %slice3A_657, %slice3A_658, %slice3A_659, %slice3A_660 in 0 : vector<128x32xf32>, vector<128x32xf32>, vector<128x32xf32>, vector<128x32xf32> -> vector<512x32xf32>
    %slice3A_662 = vector.extract_strided_slice %get3A_32 {offsets = [32, 0, 0], sizes = [1, 128, 128], strides = [1, 1, 1]} : vector<35x128x128xf32> to vector<1x128x128xf32>
    %squeeze3A_663 = vector.shape_cast %slice3A_662 : vector<1x128x128xf32> to vector<128x128xf32>
    %slice3A_664 = vector.extract_strided_slice %squeeze3A_663 {offsets = [0, 0], sizes = [128, 32], strides = [1, 1]} : vector<128x128xf32> to vector<128x32xf32>
    %slice3A_665 = vector.extract_strided_slice %squeeze3A_663 {offsets = [0, 32], sizes = [128, 32], strides = [1, 1]} : vector<128x128xf32> to vector<128x32xf32>
    %slice3A_666 = vector.extract_strided_slice %squeeze3A_663 {offsets = [0, 64], sizes = [128, 32], strides = [1, 1]} : vector<128x128xf32> to vector<128x32xf32>
    %slice3A_667 = vector.extract_strided_slice %squeeze3A_663 {offsets = [0, 96], sizes = [128, 32], strides = [1, 1]} : vector<128x128xf32> to vector<128x32xf32>
    %concatenate3A_668 = tpu.concatenate %slice3A_664, %slice3A_665, %slice3A_666, %slice3A_667 in 0 : vector<128x32xf32>, vector<128x32xf32>, vector<128x32xf32>, vector<128x32xf32> -> vector<512x32xf32>
    %slice3A_669 = vector.extract_strided_slice %get3A_32 {offsets = [33, 0, 0], sizes = [1, 128, 128], strides = [1, 1, 1]} : vector<35x128x128xf32> to vector<1x128x128xf32>
    %squeeze3A_670 = vector.shape_cast %slice3A_669 : vector<1x128x128xf32> to vector<128x128xf32>
    %slice3A_671 = vector.extract_strided_slice %squeeze3A_670 {offsets = [0, 0], sizes = [128, 32], strides = [1, 1]} : vector<128x128xf32> to vector<128x32xf32>
    %slice3A_672 = vector.extract_strided_slice %squeeze3A_670 {offsets = [0, 32], sizes = [128, 32], strides = [1, 1]} : vector<128x128xf32> to vector<128x32xf32>
    %slice3A_673 = vector.extract_strided_slice %squeeze3A_670 {offsets = [0, 64], sizes = [128, 32], strides = [1, 1]} : vector<128x128xf32> to vector<128x32xf32>
    %slice3A_674 = vector.extract_strided_slice %squeeze3A_670 {offsets = [0, 96], sizes = [128, 32], strides = [1, 1]} : vector<128x128xf32> to vector<128x32xf32>
    %concatenate3A_675 = tpu.concatenate %slice3A_671, %slice3A_672, %slice3A_673, %slice3A_674 in 0 : vector<128x32xf32>, vector<128x32xf32>, vector<128x32xf32>, vector<128x32xf32> -> vector<512x32xf32>
    %slice3A_676 = vector.extract_strided_slice %get3A_32 {offsets = [34, 0, 0], sizes = [1, 128, 128], strides = [1, 1, 1]} : vector<35x128x128xf32> to vector<1x128x128xf32>
    %squeeze3A_677 = vector.shape_cast %slice3A_676 : vector<1x128x128xf32> to vector<128x128xf32>
    %slice3A_678 = vector.extract_strided_slice %squeeze3A_677 {offsets = [0, 0], sizes = [128, 32], strides = [1, 1]} : vector<128x128xf32> to vector<128x32xf32>
    %slice3A_679 = vector.extract_strided_slice %squeeze3A_677 {offsets = [0, 32], sizes = [128, 32], strides = [1, 1]} : vector<128x128xf32> to vector<128x32xf32>
    %slice3A_680 = vector.extract_strided_slice %squeeze3A_677 {offsets = [0, 64], sizes = [128, 32], strides = [1, 1]} : vector<128x128xf32> to vector<128x32xf32>
    %slice3A_681 = vector.extract_strided_slice %squeeze3A_677 {offsets = [0, 96], sizes = [128, 32], strides = [1, 1]} : vector<128x128xf32> to vector<128x32xf32>
    %concatenate3A_682 = tpu.concatenate %slice3A_678, %slice3A_679, %slice3A_680, %slice3A_681 in 0 : vector<128x32xf32>, vector<128x32xf32>, vector<128x32xf32>, vector<128x32xf32> -> vector<512x32xf32>
    %concatenate3A_683 = tpu.concatenate %concatenate3A_633, %concatenate3A_640, %concatenate3A_647, %concatenate3A_654, %concatenate3A_661, %concatenate3A_668, %concatenate3A_675, %concatenate3A_682 in 1 : vector<512x32xf32>, vector<512x32xf32>, vector<512x32xf32>, vector<512x32xf32>, vector<512x32xf32>, vector<512x32xf32>, vector<512x32xf32>, vector<512x32xf32> -> vector<512x256xf32>
    %iota3A = tpu.iota {dimensions = array<i32: 1>} : vector<8x256xi32>
    %jit3A_684 = arith.constant 32 : i32
    %div3A = vector.broadcast %jit3A_684 : i32 to vector<8x256xi32>
    %div3A_685 = arith.divsi %iota3A, %div3A : vector<8x256xi32>
    %sign3A = arith.constant 0 : i32
    %sign3A_686 = vector.broadcast %sign3A : i32 to vector<8x256xi32>
    %sign3A_687 = arith.cmpi sgt, %iota3A, %sign3A_686 : vector<8x256xi32>
    %sign3A_688 = arith.extui %sign3A_687 : vector<8x256xi1> to vector<8x256xi32>
    %sign3A_689 = arith.constant 0 : i32
    %sign3A_690 = vector.broadcast %sign3A_689 : i32 to vector<8x256xi32>
    %sign3A_691 = arith.cmpi slt, %iota3A, %sign3A_690 : vector<8x256xi32>
    %sign3A_692 = arith.extui %sign3A_691 : vector<8x256xi1> to vector<8x256xi32>
    %sign3A_693 = arith.subi %sign3A_688, %sign3A_692 : vector<8x256xi32>
    %sign3A_694 = arith.constant 0 : i32
    %sign3A_695 = arith.cmpi sgt, %jit3A_684, %sign3A_694 : i32
    %sign3A_696 = arith.extui %sign3A_695 : i1 to i32
    %sign3A_697 = arith.constant 0 : i32
    %sign3A_698 = arith.cmpi slt, %jit3A_684, %sign3A_697 : i32
    %sign3A_699 = arith.extui %sign3A_698 : i1 to i32
    %sign3A_700 = arith.subi %sign3A_696, %sign3A_699 : i32
    %ne3A = vector.broadcast %sign3A_700 : i32 to vector<8x256xi32>
    %ne3A_701 = arith.cmpi ne, %sign3A_693, %ne3A : vector<8x256xi32>
    %rem3A = vector.broadcast %jit3A_684 : i32 to vector<8x256xi32>
    %rem3A_702 = arith.remsi %iota3A, %rem3A : vector<8x256xi32>
    %ne3A_703 = arith.constant 0 : i32
    %ne3A_704 = vector.broadcast %ne3A_703 : i32 to vector<8x256xi32>
    %ne3A_705 = arith.cmpi ne, %rem3A_702, %ne3A_704 : vector<8x256xi32>
    %and3A = arith.andi %ne3A_701, %ne3A_705 : vector<8x256xi1>
    %sub3A_706 = arith.constant 1 : i32
    %sub3A_707 = vector.broadcast %sub3A_706 : i32 to vector<8x256xi32>
    %sub3A_708 = arith.subi %div3A_685, %sub3A_707 : vector<8x256xi32>
    %select_n3A = arith.select %and3A, %sub3A_708, %div3A_685 : vector<8x256xi1>, vector<8x256xi32>
    %iota3A_709 = tpu.iota {dimensions = array<i32: 0>} : vector<8x256xi32>
    %eq3A = arith.cmpi eq, %select_n3A, %iota3A_709 : vector<8x256xi32>
    %convert_element_type3A_710 = arith.extui %eq3A : vector<8x256xi1> to vector<8x256xi32>
    %convert_element_type3A_711 = arith.sitofp %convert_element_type3A_710 : vector<8x256xi32> to vector<8x256xf32>
    %iota3A_712 = tpu.iota {dimensions = array<i32: 0>} : vector<256x32xi32>
    %jit3A_713 = arith.constant 32 : i32
    %eq3A_714 = arith.constant 0 : i32
    %eq3A_715 = arith.cmpi eq, %jit3A_713, %eq3A_714 : i32
    %jit3A_716 = arith.constant 1 : i32
    %select_n3A_717 = arith.select %eq3A_715, %jit3A_716, %jit3A_713 : i32
    %rem3A_718 = vector.broadcast %select_n3A_717 : i32 to vector<256x32xi32>
    %rem3A_719 = arith.remsi %iota3A_712, %rem3A_718 : vector<256x32xi32>
    %ne3A_720 = arith.constant 0 : i32
    %ne3A_721 = vector.broadcast %ne3A_720 : i32 to vector<256x32xi32>
    %ne3A_722 = arith.cmpi ne, %rem3A_719, %ne3A_721 : vector<256x32xi32>
    %lt3A = arith.constant 0 : i32
    %lt3A_723 = vector.broadcast %lt3A : i32 to vector<256x32xi32>
    %lt3A_724 = arith.cmpi slt, %rem3A_719, %lt3A_723 : vector<256x32xi32>
    %lt3A_725 = arith.constant 0 : i32
    %lt3A_726 = arith.cmpi slt, %select_n3A_717, %lt3A_725 : i32
    %ne3A_727 = vector.broadcast %lt3A_726 : i1 to vector<256x32xi1>
    %ne3A_728 = vector.broadcast %ne3A_727 : vector<256x32xi1> to vector<256x32xi1>
    %ne3A_729 = arith.xori %lt3A_724, %ne3A_728 : vector<256x32xi1>
    %and3A_730 = arith.andi %ne3A_729, %ne3A_722 : vector<256x32xi1>
    %add3A_731 = vector.broadcast %select_n3A_717 : i32 to vector<256x32xi32>
    %add3A_732 = arith.addi %rem3A_719, %add3A_731 : vector<256x32xi32>
    %select_n3A_733 = arith.select %and3A_730, %add3A_732, %rem3A_719 : vector<256x32xi1>, vector<256x32xi32>
    %iota3A_734 = tpu.iota {dimensions = array<i32: 1>} : vector<256x32xi32>
    %eq3A_735 = arith.cmpi eq, %select_n3A_733, %iota3A_734 : vector<256x32xi32>
    %convert_element_type3A_736 = arith.extui %eq3A_735 : vector<256x32xi1> to vector<256x32xi32>
    %convert_element_type3A_737 = arith.sitofp %convert_element_type3A_736 : vector<256x32xi32> to vector<256x32xf32>
    %dot_general3A_738 = arith.constant dense<0.000000e+00> : vector<512x256xf32>
    %dot_general3A_739 = tpu.matmul %concatenate3A_626, %convert_element_type3A_711, %dot_general3A_738 {dimension_numbers = #tpu.dot_dimension_numbers<[1], [0], [0], [1], [0, 0, 1, 1], [], []>, transpose_lhs_hint = false} : vector<512x8xf32>, vector<8x256xf32>, vector<512x256xf32> -> vector<512x256xf32>
    %mul3A_740 = arith.mulf %dot_general3A_739, %concatenate3A_683 : vector<512x256xf32>
    %dot_general3A_741 = arith.constant dense<0.000000e+00> : vector<512x32xf32>
    %dot_general3A_742 = tpu.matmul %mul3A_740, %convert_element_type3A_737, %dot_general3A_741 {dimension_numbers = #tpu.dot_dimension_numbers<[1], [0], [0], [1], [0, 0, 1, 1], [], []>, transpose_lhs_hint = false} : vector<512x256xf32>, vector<256x32xf32>, vector<512x32xf32> -> vector<512x32xf32>
    %get3A_743 = arith.constant 0 : index
    %get3A_744 = arith.constant 0 : index
    %get3A_745 = vector.load %arg11[%get3A_743, %get3A_744] : memref<32x64xf32, #tpu.memory_space<vmem>>, vector<32x64xf32>
    %dot_general3A_746 = arith.constant dense<0.000000e+00> : vector<512x64xf32>
    %dot_general3A_747 = tpu.matmul %dot_general3A_742, %get3A_745, %dot_general3A_746 {dimension_numbers = #tpu.dot_dimension_numbers<[1], [0], [0], [1], [0, 0, 1, 1], [], []>, transpose_lhs_hint = false} : vector<512x32xf32>, vector<32x64xf32>, vector<512x64xf32> -> vector<512x64xf32>
    %get3A_748 = arith.constant 0 : index
    %get3A_749 = arith.constant 0 : index
    %get3A_750 = vector.load %arg12[%get3A_748, %get3A_749] : memref<1x64xf32, #tpu.memory_space<vmem>>, vector<1x64xf32>
    %add3A_751 = vector.broadcast %get3A_750 : vector<1x64xf32> to vector<512x64xf32>
    %add3A_752 = arith.addf %dot_general3A_747, %add3A_751 : vector<512x64xf32>
    %concatenate3A_753 = tpu.concatenate %add3A_752, %add3A_752, %add3A_752, %add3A_752, %add3A_752, %add3A_752, %add3A_752, %add3A_752, %add3A_752, %add3A_752, %add3A_752, %add3A_752, %add3A_752, %add3A_752, %add3A_752, %add3A_752, %add3A_752, %add3A_752, %add3A_752, %add3A_752, %add3A_752, %add3A_752, %add3A_752, %add3A_752, %add3A_752, %add3A_752, %add3A_752 in 0 : vector<512x64xf32>, vector<512x64xf32>, vector<512x64xf32>, vector<512x64xf32>, vector<512x64xf32>, vector<512x64xf32>, vector<512x64xf32>, vector<512x64xf32>, vector<512x64xf32>, vector<512x64xf32>, vector<512x64xf32>, vector<512x64xf32>, vector<512x64xf32>, vector<512x64xf32>, vector<512x64xf32>, vector<512x64xf32>, vector<512x64xf32>, vector<512x64xf32>, vector<512x64xf32>, vector<512x64xf32>, vector<512x64xf32>, vector<512x64xf32>, vector<512x64xf32>, vector<512x64xf32>, vector<512x64xf32>, vector<512x64xf32>, vector<512x64xf32> -> vector<13824x64xf32>
    %mul3A_754 = arith.mulf %concatenate3A_753, %slice3A_569 : vector<13824x64xf32>
    %iota3A_755 = tpu.iota {dimensions = array<i32: 0>} : vector<64x2xi32>
    %jit3A_756 = arith.constant 32 : i32
    %div3A_757 = vector.broadcast %jit3A_756 : i32 to vector<64x2xi32>
    %div3A_758 = arith.divsi %iota3A_755, %div3A_757 : vector<64x2xi32>
    %sign3A_759 = arith.constant 0 : i32
    %sign3A_760 = vector.broadcast %sign3A_759 : i32 to vector<64x2xi32>
    %sign3A_761 = arith.cmpi sgt, %iota3A_755, %sign3A_760 : vector<64x2xi32>
    %sign3A_762 = arith.extui %sign3A_761 : vector<64x2xi1> to vector<64x2xi32>
    %sign3A_763 = arith.constant 0 : i32
    %sign3A_764 = vector.broadcast %sign3A_763 : i32 to vector<64x2xi32>
    %sign3A_765 = arith.cmpi slt, %iota3A_755, %sign3A_764 : vector<64x2xi32>
    %sign3A_766 = arith.extui %sign3A_765 : vector<64x2xi1> to vector<64x2xi32>
    %sign3A_767 = arith.subi %sign3A_762, %sign3A_766 : vector<64x2xi32>
    %sign3A_768 = arith.constant 0 : i32
    %sign3A_769 = arith.cmpi sgt, %jit3A_756, %sign3A_768 : i32
    %sign3A_770 = arith.extui %sign3A_769 : i1 to i32
    %sign3A_771 = arith.constant 0 : i32
    %sign3A_772 = arith.cmpi slt, %jit3A_756, %sign3A_771 : i32
    %sign3A_773 = arith.extui %sign3A_772 : i1 to i32
    %sign3A_774 = arith.subi %sign3A_770, %sign3A_773 : i32
    %ne3A_775 = vector.broadcast %sign3A_774 : i32 to vector<64x2xi32>
    %ne3A_776 = arith.cmpi ne, %sign3A_767, %ne3A_775 : vector<64x2xi32>
    %rem3A_777 = vector.broadcast %jit3A_756 : i32 to vector<64x2xi32>
    %rem3A_778 = arith.remsi %iota3A_755, %rem3A_777 : vector<64x2xi32>
    %ne3A_779 = arith.constant 0 : i32
    %ne3A_780 = vector.broadcast %ne3A_779 : i32 to vector<64x2xi32>
    %ne3A_781 = arith.cmpi ne, %rem3A_778, %ne3A_780 : vector<64x2xi32>
    %and3A_782 = arith.andi %ne3A_776, %ne3A_781 : vector<64x2xi1>
    %sub3A_783 = arith.constant 1 : i32
    %sub3A_784 = vector.broadcast %sub3A_783 : i32 to vector<64x2xi32>
    %sub3A_785 = arith.subi %div3A_758, %sub3A_784 : vector<64x2xi32>
    %select_n3A_786 = arith.select %and3A_782, %sub3A_785, %div3A_758 : vector<64x2xi1>, vector<64x2xi32>
    %iota3A_787 = tpu.iota {dimensions = array<i32: 1>} : vector<64x2xi32>
    %eq3A_788 = arith.cmpi eq, %select_n3A_786, %iota3A_787 : vector<64x2xi32>
    %convert_element_type3A_789 = arith.extui %eq3A_788 : vector<64x2xi1> to vector<64x2xi32>
    %convert_element_type3A_790 = arith.sitofp %convert_element_type3A_789 : vector<64x2xi32> to vector<64x2xf32>
    %dot_general3A_791 = arith.constant dense<0.000000e+00> : vector<13824x2xf32>
    %dot_general3A_792 = tpu.matmul %mul3A_754, %convert_element_type3A_790, %dot_general3A_791 {dimension_numbers = #tpu.dot_dimension_numbers<[1], [0], [0], [1], [0, 0, 1, 1], [], []>, transpose_lhs_hint = false} : vector<13824x64xf32>, vector<64x2xf32>, vector<13824x2xf32> -> vector<13824x2xf32>
    %mul3A_793 = arith.constant 0.176776692 : f32
    %mul3A_794 = vector.broadcast %mul3A_793 : f32 to vector<13824x2xf32>
    %mul3A_795 = arith.mulf %dot_general3A_792, %mul3A_794 : vector<13824x2xf32>
    %slice3A_796 = vector.extract_strided_slice %mul3A_795 {offsets = [0, 0], sizes = [512, 2], strides = [1, 1]} : vector<13824x2xf32> to vector<512x2xf32>
    %slice3A_797 = vector.extract_strided_slice %mul3A_795 {offsets = [512, 0], sizes = [512, 2], strides = [1, 1]} : vector<13824x2xf32> to vector<512x2xf32>
    %slice3A_798 = vector.extract_strided_slice %mul3A_795 {offsets = [1024, 0], sizes = [512, 2], strides = [1, 1]} : vector<13824x2xf32> to vector<512x2xf32>
    %slice3A_799 = vector.extract_strided_slice %mul3A_795 {offsets = [1536, 0], sizes = [512, 2], strides = [1, 1]} : vector<13824x2xf32> to vector<512x2xf32>
    %slice3A_800 = vector.extract_strided_slice %mul3A_795 {offsets = [2048, 0], sizes = [512, 2], strides = [1, 1]} : vector<13824x2xf32> to vector<512x2xf32>
    %slice3A_801 = vector.extract_strided_slice %mul3A_795 {offsets = [2560, 0], sizes = [512, 2], strides = [1, 1]} : vector<13824x2xf32> to vector<512x2xf32>
    %slice3A_802 = vector.extract_strided_slice %mul3A_795 {offsets = [3072, 0], sizes = [512, 2], strides = [1, 1]} : vector<13824x2xf32> to vector<512x2xf32>
    %slice3A_803 = vector.extract_strided_slice %mul3A_795 {offsets = [3584, 0], sizes = [512, 2], strides = [1, 1]} : vector<13824x2xf32> to vector<512x2xf32>
    %slice3A_804 = vector.extract_strided_slice %mul3A_795 {offsets = [4096, 0], sizes = [512, 2], strides = [1, 1]} : vector<13824x2xf32> to vector<512x2xf32>
    %slice3A_805 = vector.extract_strided_slice %mul3A_795 {offsets = [4608, 0], sizes = [512, 2], strides = [1, 1]} : vector<13824x2xf32> to vector<512x2xf32>
    %slice3A_806 = vector.extract_strided_slice %mul3A_795 {offsets = [5120, 0], sizes = [512, 2], strides = [1, 1]} : vector<13824x2xf32> to vector<512x2xf32>
    %slice3A_807 = vector.extract_strided_slice %mul3A_795 {offsets = [5632, 0], sizes = [512, 2], strides = [1, 1]} : vector<13824x2xf32> to vector<512x2xf32>
    %slice3A_808 = vector.extract_strided_slice %mul3A_795 {offsets = [6144, 0], sizes = [512, 2], strides = [1, 1]} : vector<13824x2xf32> to vector<512x2xf32>
    %slice3A_809 = vector.extract_strided_slice %mul3A_795 {offsets = [6656, 0], sizes = [512, 2], strides = [1, 1]} : vector<13824x2xf32> to vector<512x2xf32>
    %slice3A_810 = vector.extract_strided_slice %mul3A_795 {offsets = [7168, 0], sizes = [512, 2], strides = [1, 1]} : vector<13824x2xf32> to vector<512x2xf32>
    %slice3A_811 = vector.extract_strided_slice %mul3A_795 {offsets = [7680, 0], sizes = [512, 2], strides = [1, 1]} : vector<13824x2xf32> to vector<512x2xf32>
    %slice3A_812 = vector.extract_strided_slice %mul3A_795 {offsets = [8192, 0], sizes = [512, 2], strides = [1, 1]} : vector<13824x2xf32> to vector<512x2xf32>
    %slice3A_813 = vector.extract_strided_slice %mul3A_795 {offsets = [8704, 0], sizes = [512, 2], strides = [1, 1]} : vector<13824x2xf32> to vector<512x2xf32>
    %slice3A_814 = vector.extract_strided_slice %mul3A_795 {offsets = [9216, 0], sizes = [512, 2], strides = [1, 1]} : vector<13824x2xf32> to vector<512x2xf32>
    %slice3A_815 = vector.extract_strided_slice %mul3A_795 {offsets = [9728, 0], sizes = [512, 2], strides = [1, 1]} : vector<13824x2xf32> to vector<512x2xf32>
    %slice3A_816 = vector.extract_strided_slice %mul3A_795 {offsets = [10240, 0], sizes = [512, 2], strides = [1, 1]} : vector<13824x2xf32> to vector<512x2xf32>
    %slice3A_817 = vector.extract_strided_slice %mul3A_795 {offsets = [10752, 0], sizes = [512, 2], strides = [1, 1]} : vector<13824x2xf32> to vector<512x2xf32>
    %slice3A_818 = vector.extract_strided_slice %mul3A_795 {offsets = [11264, 0], sizes = [512, 2], strides = [1, 1]} : vector<13824x2xf32> to vector<512x2xf32>
    %slice3A_819 = vector.extract_strided_slice %mul3A_795 {offsets = [11776, 0], sizes = [512, 2], strides = [1, 1]} : vector<13824x2xf32> to vector<512x2xf32>
    %slice3A_820 = vector.extract_strided_slice %mul3A_795 {offsets = [12288, 0], sizes = [512, 2], strides = [1, 1]} : vector<13824x2xf32> to vector<512x2xf32>
    %slice3A_821 = vector.extract_strided_slice %mul3A_795 {offsets = [12800, 0], sizes = [512, 2], strides = [1, 1]} : vector<13824x2xf32> to vector<512x2xf32>
    %slice3A_822 = vector.extract_strided_slice %mul3A_795 {offsets = [13312, 0], sizes = [512, 2], strides = [1, 1]} : vector<13824x2xf32> to vector<512x2xf32>
    %max3A_823 = arith.maximumf %slice3A_796, %slice3A_797 : vector<512x2xf32>
    %max3A_824 = arith.maximumf %slice3A_798, %slice3A_799 : vector<512x2xf32>
    %max3A_825 = arith.maximumf %slice3A_800, %slice3A_801 : vector<512x2xf32>
    %max3A_826 = arith.maximumf %slice3A_802, %slice3A_803 : vector<512x2xf32>
    %max3A_827 = arith.maximumf %slice3A_804, %slice3A_805 : vector<512x2xf32>
    %max3A_828 = arith.maximumf %slice3A_806, %slice3A_807 : vector<512x2xf32>
    %max3A_829 = arith.maximumf %slice3A_808, %slice3A_809 : vector<512x2xf32>
    %max3A_830 = arith.maximumf %slice3A_810, %slice3A_811 : vector<512x2xf32>
    %max3A_831 = arith.maximumf %slice3A_812, %slice3A_813 : vector<512x2xf32>
    %max3A_832 = arith.maximumf %slice3A_814, %slice3A_815 : vector<512x2xf32>
    %max3A_833 = arith.maximumf %slice3A_816, %slice3A_817 : vector<512x2xf32>
    %max3A_834 = arith.maximumf %slice3A_818, %slice3A_819 : vector<512x2xf32>
    %max3A_835 = arith.maximumf %slice3A_820, %slice3A_821 : vector<512x2xf32>
    %max3A_836 = arith.maximumf %max3A_823, %max3A_824 : vector<512x2xf32>
    %max3A_837 = arith.maximumf %max3A_825, %max3A_826 : vector<512x2xf32>
    %max3A_838 = arith.maximumf %max3A_827, %max3A_828 : vector<512x2xf32>
    %max3A_839 = arith.maximumf %max3A_829, %max3A_830 : vector<512x2xf32>
    %max3A_840 = arith.maximumf %max3A_831, %max3A_832 : vector<512x2xf32>
    %max3A_841 = arith.maximumf %max3A_833, %max3A_834 : vector<512x2xf32>
    %max3A_842 = arith.maximumf %max3A_835, %slice3A_822 : vector<512x2xf32>
    %max3A_843 = arith.maximumf %max3A_836, %max3A_837 : vector<512x2xf32>
    %max3A_844 = arith.maximumf %max3A_838, %max3A_839 : vector<512x2xf32>
    %max3A_845 = arith.maximumf %max3A_840, %max3A_841 : vector<512x2xf32>
    %max3A_846 = arith.maximumf %max3A_843, %max3A_844 : vector<512x2xf32>
    %max3A_847 = arith.maximumf %max3A_845, %max3A_842 : vector<512x2xf32>
    %max3A_848 = arith.maximumf %max3A_846, %max3A_847 : vector<512x2xf32>
    %concatenate3A_849 = tpu.concatenate %max3A_848, %max3A_848, %max3A_848, %max3A_848, %max3A_848, %max3A_848, %max3A_848, %max3A_848, %max3A_848, %max3A_848, %max3A_848, %max3A_848, %max3A_848, %max3A_848, %max3A_848, %max3A_848, %max3A_848, %max3A_848, %max3A_848, %max3A_848, %max3A_848, %max3A_848, %max3A_848, %max3A_848, %max3A_848, %max3A_848, %max3A_848 in 0 : vector<512x2xf32>, vector<512x2xf32>, vector<512x2xf32>, vector<512x2xf32>, vector<512x2xf32>, vector<512x2xf32>, vector<512x2xf32>, vector<512x2xf32>, vector<512x2xf32>, vector<512x2xf32>, vector<512x2xf32>, vector<512x2xf32>, vector<512x2xf32>, vector<512x2xf32>, vector<512x2xf32>, vector<512x2xf32>, vector<512x2xf32>, vector<512x2xf32>, vector<512x2xf32>, vector<512x2xf32>, vector<512x2xf32>, vector<512x2xf32>, vector<512x2xf32>, vector<512x2xf32>, vector<512x2xf32>, vector<512x2xf32>, vector<512x2xf32> -> vector<13824x2xf32>
    %sub3A_850 = arith.subf %mul3A_795, %concatenate3A_849 : vector<13824x2xf32>
    %exp3A = math.exp %sub3A_850 : vector<13824x2xf32>
    %slice3A_851 = vector.extract_strided_slice %exp3A {offsets = [0, 0], sizes = [512, 2], strides = [1, 1]} : vector<13824x2xf32> to vector<512x2xf32>
    %slice3A_852 = vector.extract_strided_slice %exp3A {offsets = [512, 0], sizes = [512, 2], strides = [1, 1]} : vector<13824x2xf32> to vector<512x2xf32>
    %slice3A_853 = vector.extract_strided_slice %exp3A {offsets = [1024, 0], sizes = [512, 2], strides = [1, 1]} : vector<13824x2xf32> to vector<512x2xf32>
    %slice3A_854 = vector.extract_strided_slice %exp3A {offsets = [1536, 0], sizes = [512, 2], strides = [1, 1]} : vector<13824x2xf32> to vector<512x2xf32>
    %slice3A_855 = vector.extract_strided_slice %exp3A {offsets = [2048, 0], sizes = [512, 2], strides = [1, 1]} : vector<13824x2xf32> to vector<512x2xf32>
    %slice3A_856 = vector.extract_strided_slice %exp3A {offsets = [2560, 0], sizes = [512, 2], strides = [1, 1]} : vector<13824x2xf32> to vector<512x2xf32>
    %slice3A_857 = vector.extract_strided_slice %exp3A {offsets = [3072, 0], sizes = [512, 2], strides = [1, 1]} : vector<13824x2xf32> to vector<512x2xf32>
    %slice3A_858 = vector.extract_strided_slice %exp3A {offsets = [3584, 0], sizes = [512, 2], strides = [1, 1]} : vector<13824x2xf32> to vector<512x2xf32>
    %slice3A_859 = vector.extract_strided_slice %exp3A {offsets = [4096, 0], sizes = [512, 2], strides = [1, 1]} : vector<13824x2xf32> to vector<512x2xf32>
    %slice3A_860 = vector.extract_strided_slice %exp3A {offsets = [4608, 0], sizes = [512, 2], strides = [1, 1]} : vector<13824x2xf32> to vector<512x2xf32>
    %slice3A_861 = vector.extract_strided_slice %exp3A {offsets = [5120, 0], sizes = [512, 2], strides = [1, 1]} : vector<13824x2xf32> to vector<512x2xf32>
    %slice3A_862 = vector.extract_strided_slice %exp3A {offsets = [5632, 0], sizes = [512, 2], strides = [1, 1]} : vector<13824x2xf32> to vector<512x2xf32>
    %slice3A_863 = vector.extract_strided_slice %exp3A {offsets = [6144, 0], sizes = [512, 2], strides = [1, 1]} : vector<13824x2xf32> to vector<512x2xf32>
    %slice3A_864 = vector.extract_strided_slice %exp3A {offsets = [6656, 0], sizes = [512, 2], strides = [1, 1]} : vector<13824x2xf32> to vector<512x2xf32>
    %slice3A_865 = vector.extract_strided_slice %exp3A {offsets = [7168, 0], sizes = [512, 2], strides = [1, 1]} : vector<13824x2xf32> to vector<512x2xf32>
    %slice3A_866 = vector.extract_strided_slice %exp3A {offsets = [7680, 0], sizes = [512, 2], strides = [1, 1]} : vector<13824x2xf32> to vector<512x2xf32>
    %slice3A_867 = vector.extract_strided_slice %exp3A {offsets = [8192, 0], sizes = [512, 2], strides = [1, 1]} : vector<13824x2xf32> to vector<512x2xf32>
    %slice3A_868 = vector.extract_strided_slice %exp3A {offsets = [8704, 0], sizes = [512, 2], strides = [1, 1]} : vector<13824x2xf32> to vector<512x2xf32>
    %slice3A_869 = vector.extract_strided_slice %exp3A {offsets = [9216, 0], sizes = [512, 2], strides = [1, 1]} : vector<13824x2xf32> to vector<512x2xf32>
    %slice3A_870 = vector.extract_strided_slice %exp3A {offsets = [9728, 0], sizes = [512, 2], strides = [1, 1]} : vector<13824x2xf32> to vector<512x2xf32>
    %slice3A_871 = vector.extract_strided_slice %exp3A {offsets = [10240, 0], sizes = [512, 2], strides = [1, 1]} : vector<13824x2xf32> to vector<512x2xf32>
    %slice3A_872 = vector.extract_strided_slice %exp3A {offsets = [10752, 0], sizes = [512, 2], strides = [1, 1]} : vector<13824x2xf32> to vector<512x2xf32>
    %slice3A_873 = vector.extract_strided_slice %exp3A {offsets = [11264, 0], sizes = [512, 2], strides = [1, 1]} : vector<13824x2xf32> to vector<512x2xf32>
    %slice3A_874 = vector.extract_strided_slice %exp3A {offsets = [11776, 0], sizes = [512, 2], strides = [1, 1]} : vector<13824x2xf32> to vector<512x2xf32>
    %slice3A_875 = vector.extract_strided_slice %exp3A {offsets = [12288, 0], sizes = [512, 2], strides = [1, 1]} : vector<13824x2xf32> to vector<512x2xf32>
    %slice3A_876 = vector.extract_strided_slice %exp3A {offsets = [12800, 0], sizes = [512, 2], strides = [1, 1]} : vector<13824x2xf32> to vector<512x2xf32>
    %slice3A_877 = vector.extract_strided_slice %exp3A {offsets = [13312, 0], sizes = [512, 2], strides = [1, 1]} : vector<13824x2xf32> to vector<512x2xf32>
    %add3A_878 = arith.addf %slice3A_851, %slice3A_852 : vector<512x2xf32>
    %add3A_879 = arith.addf %slice3A_853, %slice3A_854 : vector<512x2xf32>
    %add3A_880 = arith.addf %slice3A_855, %slice3A_856 : vector<512x2xf32>
    %add3A_881 = arith.addf %slice3A_857, %slice3A_858 : vector<512x2xf32>
    %add3A_882 = arith.addf %slice3A_859, %slice3A_860 : vector<512x2xf32>
    %add3A_883 = arith.addf %slice3A_861, %slice3A_862 : vector<512x2xf32>
    %add3A_884 = arith.addf %slice3A_863, %slice3A_864 : vector<512x2xf32>
    %add3A_885 = arith.addf %slice3A_865, %slice3A_866 : vector<512x2xf32>
    %add3A_886 = arith.addf %slice3A_867, %slice3A_868 : vector<512x2xf32>
    %add3A_887 = arith.addf %slice3A_869, %slice3A_870 : vector<512x2xf32>
    %add3A_888 = arith.addf %slice3A_871, %slice3A_872 : vector<512x2xf32>
    %add3A_889 = arith.addf %slice3A_873, %slice3A_874 : vector<512x2xf32>
    %add3A_890 = arith.addf %slice3A_875, %slice3A_876 : vector<512x2xf32>
    %add3A_891 = arith.addf %add3A_878, %add3A_879 : vector<512x2xf32>
    %add3A_892 = arith.addf %add3A_880, %add3A_881 : vector<512x2xf32>
    %add3A_893 = arith.addf %add3A_882, %add3A_883 : vector<512x2xf32>
    %add3A_894 = arith.addf %add3A_884, %add3A_885 : vector<512x2xf32>
    %add3A_895 = arith.addf %add3A_886, %add3A_887 : vector<512x2xf32>
    %add3A_896 = arith.addf %add3A_888, %add3A_889 : vector<512x2xf32>
    %add3A_897 = arith.addf %add3A_890, %slice3A_877 : vector<512x2xf32>
    %add3A_898 = arith.addf %add3A_891, %add3A_892 : vector<512x2xf32>
    %add3A_899 = arith.addf %add3A_893, %add3A_894 : vector<512x2xf32>
    %add3A_900 = arith.addf %add3A_895, %add3A_896 : vector<512x2xf32>
    %add3A_901 = arith.addf %add3A_898, %add3A_899 : vector<512x2xf32>
    %add3A_902 = arith.addf %add3A_900, %add3A_897 : vector<512x2xf32>
    %add3A_903 = arith.addf %add3A_901, %add3A_902 : vector<512x2xf32>
    %div3A_904 = arith.constant 1.000000e+00 : f32
    %div3A_905 = vector.broadcast %div3A_904 : f32 to vector<512x2xf32>
    %div3A_906 = arith.divf %div3A_905, %add3A_903 : vector<512x2xf32>
    %concatenate3A_907 = tpu.concatenate %div3A_906, %div3A_906, %div3A_906, %div3A_906, %div3A_906, %div3A_906, %div3A_906, %div3A_906, %div3A_906, %div3A_906, %div3A_906, %div3A_906, %div3A_906, %div3A_906, %div3A_906, %div3A_906, %div3A_906, %div3A_906, %div3A_906, %div3A_906, %div3A_906, %div3A_906, %div3A_906, %div3A_906, %div3A_906, %div3A_906, %div3A_906 in 0 : vector<512x2xf32>, vector<512x2xf32>, vector<512x2xf32>, vector<512x2xf32>, vector<512x2xf32>, vector<512x2xf32>, vector<512x2xf32>, vector<512x2xf32>, vector<512x2xf32>, vector<512x2xf32>, vector<512x2xf32>, vector<512x2xf32>, vector<512x2xf32>, vector<512x2xf32>, vector<512x2xf32>, vector<512x2xf32>, vector<512x2xf32>, vector<512x2xf32>, vector<512x2xf32>, vector<512x2xf32>, vector<512x2xf32>, vector<512x2xf32>, vector<512x2xf32>, vector<512x2xf32>, vector<512x2xf32>, vector<512x2xf32>, vector<512x2xf32> -> vector<13824x2xf32>
    %mul3A_908 = arith.mulf %exp3A, %concatenate3A_907 : vector<13824x2xf32>
    %transpose3A = tpu.transpose %convert_element_type3A_790, [1, 0] : vector<64x2xf32> -> vector<2x64xf32>
    %dot_general3A_909 = arith.constant dense<0.000000e+00> : vector<13824x64xf32>
    %dot_general3A_910 = tpu.matmul %mul3A_908, %transpose3A, %dot_general3A_909 {dimension_numbers = #tpu.dot_dimension_numbers<[1], [0], [0], [1], [0, 0, 1, 1], [], []>, transpose_lhs_hint = false} : vector<13824x2xf32>, vector<2x64xf32>, vector<13824x64xf32> -> vector<13824x64xf32>
    %mul3A_911 = arith.mulf %dot_general3A_910, %slice3A_570 : vector<13824x64xf32>
    %slice3A_912 = vector.extract_strided_slice %mul3A_911 {offsets = [0, 0], sizes = [512, 64], strides = [1, 1]} : vector<13824x64xf32> to vector<512x64xf32>
    %slice3A_913 = vector.extract_strided_slice %mul3A_911 {offsets = [512, 0], sizes = [512, 64], strides = [1, 1]} : vector<13824x64xf32> to vector<512x64xf32>
    %slice3A_914 = vector.extract_strided_slice %mul3A_911 {offsets = [1024, 0], sizes = [512, 64], strides = [1, 1]} : vector<13824x64xf32> to vector<512x64xf32>
    %slice3A_915 = vector.extract_strided_slice %mul3A_911 {offsets = [1536, 0], sizes = [512, 64], strides = [1, 1]} : vector<13824x64xf32> to vector<512x64xf32>
    %slice3A_916 = vector.extract_strided_slice %mul3A_911 {offsets = [2048, 0], sizes = [512, 64], strides = [1, 1]} : vector<13824x64xf32> to vector<512x64xf32>
    %slice3A_917 = vector.extract_strided_slice %mul3A_911 {offsets = [2560, 0], sizes = [512, 64], strides = [1, 1]} : vector<13824x64xf32> to vector<512x64xf32>
    %slice3A_918 = vector.extract_strided_slice %mul3A_911 {offsets = [3072, 0], sizes = [512, 64], strides = [1, 1]} : vector<13824x64xf32> to vector<512x64xf32>
    %slice3A_919 = vector.extract_strided_slice %mul3A_911 {offsets = [3584, 0], sizes = [512, 64], strides = [1, 1]} : vector<13824x64xf32> to vector<512x64xf32>
    %slice3A_920 = vector.extract_strided_slice %mul3A_911 {offsets = [4096, 0], sizes = [512, 64], strides = [1, 1]} : vector<13824x64xf32> to vector<512x64xf32>
    %slice3A_921 = vector.extract_strided_slice %mul3A_911 {offsets = [4608, 0], sizes = [512, 64], strides = [1, 1]} : vector<13824x64xf32> to vector<512x64xf32>
    %slice3A_922 = vector.extract_strided_slice %mul3A_911 {offsets = [5120, 0], sizes = [512, 64], strides = [1, 1]} : vector<13824x64xf32> to vector<512x64xf32>
    %slice3A_923 = vector.extract_strided_slice %mul3A_911 {offsets = [5632, 0], sizes = [512, 64], strides = [1, 1]} : vector<13824x64xf32> to vector<512x64xf32>
    %slice3A_924 = vector.extract_strided_slice %mul3A_911 {offsets = [6144, 0], sizes = [512, 64], strides = [1, 1]} : vector<13824x64xf32> to vector<512x64xf32>
    %slice3A_925 = vector.extract_strided_slice %mul3A_911 {offsets = [6656, 0], sizes = [512, 64], strides = [1, 1]} : vector<13824x64xf32> to vector<512x64xf32>
    %slice3A_926 = vector.extract_strided_slice %mul3A_911 {offsets = [7168, 0], sizes = [512, 64], strides = [1, 1]} : vector<13824x64xf32> to vector<512x64xf32>
    %slice3A_927 = vector.extract_strided_slice %mul3A_911 {offsets = [7680, 0], sizes = [512, 64], strides = [1, 1]} : vector<13824x64xf32> to vector<512x64xf32>
    %slice3A_928 = vector.extract_strided_slice %mul3A_911 {offsets = [8192, 0], sizes = [512, 64], strides = [1, 1]} : vector<13824x64xf32> to vector<512x64xf32>
    %slice3A_929 = vector.extract_strided_slice %mul3A_911 {offsets = [8704, 0], sizes = [512, 64], strides = [1, 1]} : vector<13824x64xf32> to vector<512x64xf32>
    %slice3A_930 = vector.extract_strided_slice %mul3A_911 {offsets = [9216, 0], sizes = [512, 64], strides = [1, 1]} : vector<13824x64xf32> to vector<512x64xf32>
    %slice3A_931 = vector.extract_strided_slice %mul3A_911 {offsets = [9728, 0], sizes = [512, 64], strides = [1, 1]} : vector<13824x64xf32> to vector<512x64xf32>
    %slice3A_932 = vector.extract_strided_slice %mul3A_911 {offsets = [10240, 0], sizes = [512, 64], strides = [1, 1]} : vector<13824x64xf32> to vector<512x64xf32>
    %slice3A_933 = vector.extract_strided_slice %mul3A_911 {offsets = [10752, 0], sizes = [512, 64], strides = [1, 1]} : vector<13824x64xf32> to vector<512x64xf32>
    %slice3A_934 = vector.extract_strided_slice %mul3A_911 {offsets = [11264, 0], sizes = [512, 64], strides = [1, 1]} : vector<13824x64xf32> to vector<512x64xf32>
    %slice3A_935 = vector.extract_strided_slice %mul3A_911 {offsets = [11776, 0], sizes = [512, 64], strides = [1, 1]} : vector<13824x64xf32> to vector<512x64xf32>
    %slice3A_936 = vector.extract_strided_slice %mul3A_911 {offsets = [12288, 0], sizes = [512, 64], strides = [1, 1]} : vector<13824x64xf32> to vector<512x64xf32>
    %slice3A_937 = vector.extract_strided_slice %mul3A_911 {offsets = [12800, 0], sizes = [512, 64], strides = [1, 1]} : vector<13824x64xf32> to vector<512x64xf32>
    %slice3A_938 = vector.extract_strided_slice %mul3A_911 {offsets = [13312, 0], sizes = [512, 64], strides = [1, 1]} : vector<13824x64xf32> to vector<512x64xf32>
    %add3A_939 = arith.addf %slice3A_912, %slice3A_913 : vector<512x64xf32>
    %add3A_940 = arith.addf %slice3A_914, %slice3A_915 : vector<512x64xf32>
    %add3A_941 = arith.addf %slice3A_916, %slice3A_917 : vector<512x64xf32>
    %add3A_942 = arith.addf %slice3A_918, %slice3A_919 : vector<512x64xf32>
    %add3A_943 = arith.addf %slice3A_920, %slice3A_921 : vector<512x64xf32>
    %add3A_944 = arith.addf %slice3A_922, %slice3A_923 : vector<512x64xf32>
    %add3A_945 = arith.addf %slice3A_924, %slice3A_925 : vector<512x64xf32>
    %add3A_946 = arith.addf %slice3A_926, %slice3A_927 : vector<512x64xf32>
    %add3A_947 = arith.addf %slice3A_928, %slice3A_929 : vector<512x64xf32>
    %add3A_948 = arith.addf %slice3A_930, %slice3A_931 : vector<512x64xf32>
    %add3A_949 = arith.addf %slice3A_932, %slice3A_933 : vector<512x64xf32>
    %add3A_950 = arith.addf %slice3A_934, %slice3A_935 : vector<512x64xf32>
    %add3A_951 = arith.addf %slice3A_936, %slice3A_937 : vector<512x64xf32>
    %add3A_952 = arith.addf %add3A_939, %add3A_940 : vector<512x64xf32>
    %add3A_953 = arith.addf %add3A_941, %add3A_942 : vector<512x64xf32>
    %add3A_954 = arith.addf %add3A_943, %add3A_944 : vector<512x64xf32>
    %add3A_955 = arith.addf %add3A_945, %add3A_946 : vector<512x64xf32>
    %add3A_956 = arith.addf %add3A_947, %add3A_948 : vector<512x64xf32>
    %add3A_957 = arith.addf %add3A_949, %add3A_950 : vector<512x64xf32>
    %add3A_958 = arith.addf %add3A_951, %slice3A_938 : vector<512x64xf32>
    %add3A_959 = arith.addf %add3A_952, %add3A_953 : vector<512x64xf32>
    %add3A_960 = arith.addf %add3A_954, %add3A_955 : vector<512x64xf32>
    %add3A_961 = arith.addf %add3A_956, %add3A_957 : vector<512x64xf32>
    %add3A_962 = arith.addf %add3A_959, %add3A_960 : vector<512x64xf32>
    %add3A_963 = arith.addf %add3A_961, %add3A_958 : vector<512x64xf32>
    %add3A_964 = arith.addf %add3A_962, %add3A_963 : vector<512x64xf32>
    %get3A_965 = arith.constant 0 : index
    %get3A_966 = arith.constant 0 : index
    %get3A_967 = vector.load %arg13[%get3A_965, %get3A_966] : memref<64x64xf32, #tpu.memory_space<vmem>>, vector<64x64xf32>
    %dot_general3A_968 = arith.constant dense<0.000000e+00> : vector<512x64xf32>
    %dot_general3A_969 = tpu.matmul %add3A_964, %get3A_967, %dot_general3A_968 {dimension_numbers = #tpu.dot_dimension_numbers<[1], [0], [0], [1], [0, 0, 1, 1], [], []>, transpose_lhs_hint = false} : vector<512x64xf32>, vector<64x64xf32>, vector<512x64xf32> -> vector<512x64xf32>
    %get3A_970 = arith.constant 0 : index
    %get3A_971 = arith.constant 0 : index
    %get3A_972 = vector.load %arg14[%get3A_970, %get3A_971] : memref<1x64xf32, #tpu.memory_space<vmem>>, vector<1x64xf32>
    %add3A_973 = vector.broadcast %get3A_972 : vector<1x64xf32> to vector<512x64xf32>
    %add3A_974 = arith.addf %dot_general3A_969, %add3A_973 : vector<512x64xf32>
    %get3A_975 = arith.constant 0 : index
    %get3A_976 = arith.constant 0 : index
    %get3A_977 = vector.load %arg15[%get3A_975, %get3A_976] : memref<64x320xf32, #tpu.memory_space<vmem>>, vector<64x320xf32>
    %dot_general3A_978 = arith.constant dense<0.000000e+00> : vector<512x320xf32>
    %dot_general3A_979 = tpu.matmul %add3A_964, %get3A_977, %dot_general3A_978 {dimension_numbers = #tpu.dot_dimension_numbers<[1], [0], [0], [1], [0, 0, 1, 1], [], []>, transpose_lhs_hint = false} : vector<512x64xf32>, vector<64x320xf32>, vector<512x320xf32> -> vector<512x320xf32>
    %get3A_980 = arith.constant 0 : index
    %get3A_981 = arith.constant 0 : index
    %get3A_982 = vector.load %arg16[%get3A_980, %get3A_981] : memref<1x320xf32, #tpu.memory_space<vmem>>, vector<1x320xf32>
    %add3A_983 = vector.broadcast %get3A_982 : vector<1x320xf32> to vector<512x320xf32>
    %add3A_984 = arith.addf %dot_general3A_979, %add3A_983 : vector<512x320xf32>
    %slice3A_985 = vector.extract_strided_slice %add3A_984 {offsets = [0, 0], sizes = [512, 64], strides = [1, 1]} : vector<512x320xf32> to vector<512x64xf32>
    %add3A_986 = arith.addf %add3A_974, %slice3A_985 : vector<512x64xf32>
    %max3A_987 = arith.constant 0.000000e+00 : f32
    %max3A_988 = vector.broadcast %max3A_987 : f32 to vector<512x64xf32>
    %max3A_989 = arith.maximumf %add3A_986, %max3A_988 : vector<512x64xf32>
    %get3A_990 = arith.constant 0 : index
    %get3A_991 = arith.constant 0 : index
    %get3A_992 = arith.constant 0 : index
    %get3A_993 = vector.load %arg17[%get3A_990, %get3A_991, %get3A_992] : memref<5x64x64xf32, #tpu.memory_space<vmem>>, vector<1x64x64xf32>
    %get3A_994 = vector.shape_cast %get3A_993 : vector<1x64x64xf32> to vector<64x64xf32>
    %dot_general3A_995 = arith.constant dense<0.000000e+00> : vector<512x64xf32>
    %dot_general3A_996 = tpu.matmul %max3A_989, %get3A_994, %dot_general3A_995 {dimension_numbers = #tpu.dot_dimension_numbers<[1], [0], [0], [1], [0, 0, 1, 1], [], []>, transpose_lhs_hint = false} : vector<512x64xf32>, vector<64x64xf32>, vector<512x64xf32> -> vector<512x64xf32>
    %get3A_997 = arith.constant 0 : index
    %get3A_998 = arith.constant 0 : index
    %get3A_999 = arith.constant 0 : index
    %get3A_1000 = vector.load %arg18[%get3A_997, %get3A_998, %get3A_999] : memref<5x1x64xf32, #tpu.memory_space<vmem>>, vector<1x1x64xf32>
    %get3A_1001 = vector.shape_cast %get3A_1000 : vector<1x1x64xf32> to vector<1x64xf32>
    %add3A_1002 = vector.broadcast %get3A_1001 : vector<1x64xf32> to vector<512x64xf32>
    %add3A_1003 = arith.addf %dot_general3A_996, %add3A_1002 : vector<512x64xf32>
    %max3A_1004 = arith.constant 0.000000e+00 : f32
    %max3A_1005 = vector.broadcast %max3A_1004 : f32 to vector<512x64xf32>
    %max3A_1006 = arith.maximumf %add3A_1003, %max3A_1005 : vector<512x64xf32>
    %get3A_1007 = arith.constant 0 : index
    %get3A_1008 = arith.constant 0 : index
    %get3A_1009 = arith.constant 0 : index
    %get3A_1010 = vector.load %arg19[%get3A_1007, %get3A_1008, %get3A_1009] : memref<5x64x64xf32, #tpu.memory_space<vmem>>, vector<1x64x64xf32>
    %get3A_1011 = vector.shape_cast %get3A_1010 : vector<1x64x64xf32> to vector<64x64xf32>
    %dot_general3A_1012 = arith.constant dense<0.000000e+00> : vector<512x64xf32>
    %dot_general3A_1013 = tpu.matmul %max3A_1006, %get3A_1011, %dot_general3A_1012 {dimension_numbers = #tpu.dot_dimension_numbers<[1], [0], [0], [1], [0, 0, 1, 1], [], []>, transpose_lhs_hint = false} : vector<512x64xf32>, vector<64x64xf32>, vector<512x64xf32> -> vector<512x64xf32>
    %add3A_1014 = arith.addf %add3A_986, %dot_general3A_1013 : vector<512x64xf32>
    %get3A_1015 = arith.constant 0 : index
    %get3A_1016 = arith.constant 0 : index
    %get3A_1017 = arith.constant 0 : index
    %get3A_1018 = vector.load %arg20[%get3A_1015, %get3A_1016, %get3A_1017] : memref<5x1x64xf32, #tpu.memory_space<vmem>>, vector<1x1x64xf32>
    %get3A_1019 = vector.shape_cast %get3A_1018 : vector<1x1x64xf32> to vector<1x64xf32>
    %add3A_1020 = vector.broadcast %get3A_1019 : vector<1x64xf32> to vector<512x64xf32>
    %add3A_1021 = arith.addf %add3A_1014, %add3A_1020 : vector<512x64xf32>
    %slice3A_1022 = vector.extract_strided_slice %add3A_984 {offsets = [0, 64], sizes = [512, 64], strides = [1, 1]} : vector<512x320xf32> to vector<512x64xf32>
    %add3A_1023 = arith.addf %add3A_1021, %slice3A_1022 : vector<512x64xf32>
    %max3A_1024 = arith.constant 0.000000e+00 : f32
    %max3A_1025 = vector.broadcast %max3A_1024 : f32 to vector<512x64xf32>
    %max3A_1026 = arith.maximumf %add3A_1023, %max3A_1025 : vector<512x64xf32>
    %get3A_1027 = arith.constant 1 : index
    %get3A_1028 = arith.constant 0 : index
    %get3A_1029 = arith.constant 0 : index
    %get3A_1030 = vector.load %arg17[%get3A_1027, %get3A_1028, %get3A_1029] : memref<5x64x64xf32, #tpu.memory_space<vmem>>, vector<1x64x64xf32>
    %get3A_1031 = vector.shape_cast %get3A_1030 : vector<1x64x64xf32> to vector<64x64xf32>
    %dot_general3A_1032 = arith.constant dense<0.000000e+00> : vector<512x64xf32>
    %dot_general3A_1033 = tpu.matmul %max3A_1026, %get3A_1031, %dot_general3A_1032 {dimension_numbers = #tpu.dot_dimension_numbers<[1], [0], [0], [1], [0, 0, 1, 1], [], []>, transpose_lhs_hint = false} : vector<512x64xf32>, vector<64x64xf32>, vector<512x64xf32> -> vector<512x64xf32>
    %get3A_1034 = arith.constant 1 : index
    %get3A_1035 = arith.constant 0 : index
    %get3A_1036 = arith.constant 0 : index
    %get3A_1037 = vector.load %arg18[%get3A_1034, %get3A_1035, %get3A_1036] : memref<5x1x64xf32, #tpu.memory_space<vmem>>, vector<1x1x64xf32>
    %get3A_1038 = vector.shape_cast %get3A_1037 : vector<1x1x64xf32> to vector<1x64xf32>
    %add3A_1039 = vector.broadcast %get3A_1038 : vector<1x64xf32> to vector<512x64xf32>
    %add3A_1040 = arith.addf %dot_general3A_1033, %add3A_1039 : vector<512x64xf32>
    %max3A_1041 = arith.constant 0.000000e+00 : f32
    %max3A_1042 = vector.broadcast %max3A_1041 : f32 to vector<512x64xf32>
    %max3A_1043 = arith.maximumf %add3A_1040, %max3A_1042 : vector<512x64xf32>
    %get3A_1044 = arith.constant 1 : index
    %get3A_1045 = arith.constant 0 : index
    %get3A_1046 = arith.constant 0 : index
    %get3A_1047 = vector.load %arg19[%get3A_1044, %get3A_1045, %get3A_1046] : memref<5x64x64xf32, #tpu.memory_space<vmem>>, vector<1x64x64xf32>
    %get3A_1048 = vector.shape_cast %get3A_1047 : vector<1x64x64xf32> to vector<64x64xf32>
    %dot_general3A_1049 = arith.constant dense<0.000000e+00> : vector<512x64xf32>
    %dot_general3A_1050 = tpu.matmul %max3A_1043, %get3A_1048, %dot_general3A_1049 {dimension_numbers = #tpu.dot_dimension_numbers<[1], [0], [0], [1], [0, 0, 1, 1], [], []>, transpose_lhs_hint = false} : vector<512x64xf32>, vector<64x64xf32>, vector<512x64xf32> -> vector<512x64xf32>
    %add3A_1051 = arith.addf %add3A_1023, %dot_general3A_1050 : vector<512x64xf32>
    %get3A_1052 = arith.constant 1 : index
    %get3A_1053 = arith.constant 0 : index
    %get3A_1054 = arith.constant 0 : index
    %get3A_1055 = vector.load %arg20[%get3A_1052, %get3A_1053, %get3A_1054] : memref<5x1x64xf32, #tpu.memory_space<vmem>>, vector<1x1x64xf32>
    %get3A_1056 = vector.shape_cast %get3A_1055 : vector<1x1x64xf32> to vector<1x64xf32>
    %add3A_1057 = vector.broadcast %get3A_1056 : vector<1x64xf32> to vector<512x64xf32>
    %add3A_1058 = arith.addf %add3A_1051, %add3A_1057 : vector<512x64xf32>
    %slice3A_1059 = vector.extract_strided_slice %add3A_984 {offsets = [0, 128], sizes = [512, 64], strides = [1, 1]} : vector<512x320xf32> to vector<512x64xf32>
    %add3A_1060 = arith.addf %add3A_1058, %slice3A_1059 : vector<512x64xf32>
    %max3A_1061 = arith.constant 0.000000e+00 : f32
    %max3A_1062 = vector.broadcast %max3A_1061 : f32 to vector<512x64xf32>
    %max3A_1063 = arith.maximumf %add3A_1060, %max3A_1062 : vector<512x64xf32>
    %get3A_1064 = arith.constant 2 : index
    %get3A_1065 = arith.constant 0 : index
    %get3A_1066 = arith.constant 0 : index
    %get3A_1067 = vector.load %arg17[%get3A_1064, %get3A_1065, %get3A_1066] : memref<5x64x64xf32, #tpu.memory_space<vmem>>, vector<1x64x64xf32>
    %get3A_1068 = vector.shape_cast %get3A_1067 : vector<1x64x64xf32> to vector<64x64xf32>
    %dot_general3A_1069 = arith.constant dense<0.000000e+00> : vector<512x64xf32>
    %dot_general3A_1070 = tpu.matmul %max3A_1063, %get3A_1068, %dot_general3A_1069 {dimension_numbers = #tpu.dot_dimension_numbers<[1], [0], [0], [1], [0, 0, 1, 1], [], []>, transpose_lhs_hint = false} : vector<512x64xf32>, vector<64x64xf32>, vector<512x64xf32> -> vector<512x64xf32>
    %get3A_1071 = arith.constant 2 : index
    %get3A_1072 = arith.constant 0 : index
    %get3A_1073 = arith.constant 0 : index
    %get3A_1074 = vector.load %arg18[%get3A_1071, %get3A_1072, %get3A_1073] : memref<5x1x64xf32, #tpu.memory_space<vmem>>, vector<1x1x64xf32>
    %get3A_1075 = vector.shape_cast %get3A_1074 : vector<1x1x64xf32> to vector<1x64xf32>
    %add3A_1076 = vector.broadcast %get3A_1075 : vector<1x64xf32> to vector<512x64xf32>
    %add3A_1077 = arith.addf %dot_general3A_1070, %add3A_1076 : vector<512x64xf32>
    %max3A_1078 = arith.constant 0.000000e+00 : f32
    %max3A_1079 = vector.broadcast %max3A_1078 : f32 to vector<512x64xf32>
    %max3A_1080 = arith.maximumf %add3A_1077, %max3A_1079 : vector<512x64xf32>
    %get3A_1081 = arith.constant 2 : index
    %get3A_1082 = arith.constant 0 : index
    %get3A_1083 = arith.constant 0 : index
    %get3A_1084 = vector.load %arg19[%get3A_1081, %get3A_1082, %get3A_1083] : memref<5x64x64xf32, #tpu.memory_space<vmem>>, vector<1x64x64xf32>
    %get3A_1085 = vector.shape_cast %get3A_1084 : vector<1x64x64xf32> to vector<64x64xf32>
    %dot_general3A_1086 = arith.constant dense<0.000000e+00> : vector<512x64xf32>
    %dot_general3A_1087 = tpu.matmul %max3A_1080, %get3A_1085, %dot_general3A_1086 {dimension_numbers = #tpu.dot_dimension_numbers<[1], [0], [0], [1], [0, 0, 1, 1], [], []>, transpose_lhs_hint = false} : vector<512x64xf32>, vector<64x64xf32>, vector<512x64xf32> -> vector<512x64xf32>
    %add3A_1088 = arith.addf %add3A_1060, %dot_general3A_1087 : vector<512x64xf32>
    %get3A_1089 = arith.constant 2 : index
    %get3A_1090 = arith.constant 0 : index
    %get3A_1091 = arith.constant 0 : index
    %get3A_1092 = vector.load %arg20[%get3A_1089, %get3A_1090, %get3A_1091] : memref<5x1x64xf32, #tpu.memory_space<vmem>>, vector<1x1x64xf32>
    %get3A_1093 = vector.shape_cast %get3A_1092 : vector<1x1x64xf32> to vector<1x64xf32>
    %add3A_1094 = vector.broadcast %get3A_1093 : vector<1x64xf32> to vector<512x64xf32>
    %add3A_1095 = arith.addf %add3A_1088, %add3A_1094 : vector<512x64xf32>
    %slice3A_1096 = vector.extract_strided_slice %add3A_984 {offsets = [0, 192], sizes = [512, 64], strides = [1, 1]} : vector<512x320xf32> to vector<512x64xf32>
    %add3A_1097 = arith.addf %add3A_1095, %slice3A_1096 : vector<512x64xf32>
    %max3A_1098 = arith.constant 0.000000e+00 : f32
    %max3A_1099 = vector.broadcast %max3A_1098 : f32 to vector<512x64xf32>
    %max3A_1100 = arith.maximumf %add3A_1097, %max3A_1099 : vector<512x64xf32>
    %get3A_1101 = arith.constant 3 : index
    %get3A_1102 = arith.constant 0 : index
    %get3A_1103 = arith.constant 0 : index
    %get3A_1104 = vector.load %arg17[%get3A_1101, %get3A_1102, %get3A_1103] : memref<5x64x64xf32, #tpu.memory_space<vmem>>, vector<1x64x64xf32>
    %get3A_1105 = vector.shape_cast %get3A_1104 : vector<1x64x64xf32> to vector<64x64xf32>
    %dot_general3A_1106 = arith.constant dense<0.000000e+00> : vector<512x64xf32>
    %dot_general3A_1107 = tpu.matmul %max3A_1100, %get3A_1105, %dot_general3A_1106 {dimension_numbers = #tpu.dot_dimension_numbers<[1], [0], [0], [1], [0, 0, 1, 1], [], []>, transpose_lhs_hint = false} : vector<512x64xf32>, vector<64x64xf32>, vector<512x64xf32> -> vector<512x64xf32>
    %get3A_1108 = arith.constant 3 : index
    %get3A_1109 = arith.constant 0 : index
    %get3A_1110 = arith.constant 0 : index
    %get3A_1111 = vector.load %arg18[%get3A_1108, %get3A_1109, %get3A_1110] : memref<5x1x64xf32, #tpu.memory_space<vmem>>, vector<1x1x64xf32>
    %get3A_1112 = vector.shape_cast %get3A_1111 : vector<1x1x64xf32> to vector<1x64xf32>
    %add3A_1113 = vector.broadcast %get3A_1112 : vector<1x64xf32> to vector<512x64xf32>
    %add3A_1114 = arith.addf %dot_general3A_1107, %add3A_1113 : vector<512x64xf32>
    %max3A_1115 = arith.constant 0.000000e+00 : f32
    %max3A_1116 = vector.broadcast %max3A_1115 : f32 to vector<512x64xf32>
    %max3A_1117 = arith.maximumf %add3A_1114, %max3A_1116 : vector<512x64xf32>
    %get3A_1118 = arith.constant 3 : index
    %get3A_1119 = arith.constant 0 : index
    %get3A_1120 = arith.constant 0 : index
    %get3A_1121 = vector.load %arg19[%get3A_1118, %get3A_1119, %get3A_1120] : memref<5x64x64xf32, #tpu.memory_space<vmem>>, vector<1x64x64xf32>
    %get3A_1122 = vector.shape_cast %get3A_1121 : vector<1x64x64xf32> to vector<64x64xf32>
    %dot_general3A_1123 = arith.constant dense<0.000000e+00> : vector<512x64xf32>
    %dot_general3A_1124 = tpu.matmul %max3A_1117, %get3A_1122, %dot_general3A_1123 {dimension_numbers = #tpu.dot_dimension_numbers<[1], [0], [0], [1], [0, 0, 1, 1], [], []>, transpose_lhs_hint = false} : vector<512x64xf32>, vector<64x64xf32>, vector<512x64xf32> -> vector<512x64xf32>
    %add3A_1125 = arith.addf %add3A_1097, %dot_general3A_1124 : vector<512x64xf32>
    %get3A_1126 = arith.constant 3 : index
    %get3A_1127 = arith.constant 0 : index
    %get3A_1128 = arith.constant 0 : index
    %get3A_1129 = vector.load %arg20[%get3A_1126, %get3A_1127, %get3A_1128] : memref<5x1x64xf32, #tpu.memory_space<vmem>>, vector<1x1x64xf32>
    %get3A_1130 = vector.shape_cast %get3A_1129 : vector<1x1x64xf32> to vector<1x64xf32>
    %add3A_1131 = vector.broadcast %get3A_1130 : vector<1x64xf32> to vector<512x64xf32>
    %add3A_1132 = arith.addf %add3A_1125, %add3A_1131 : vector<512x64xf32>
    %slice3A_1133 = vector.extract_strided_slice %add3A_984 {offsets = [0, 256], sizes = [512, 64], strides = [1, 1]} : vector<512x320xf32> to vector<512x64xf32>
    %add3A_1134 = arith.addf %add3A_1132, %slice3A_1133 : vector<512x64xf32>
    %max3A_1135 = arith.constant 0.000000e+00 : f32
    %max3A_1136 = vector.broadcast %max3A_1135 : f32 to vector<512x64xf32>
    %max3A_1137 = arith.maximumf %add3A_1134, %max3A_1136 : vector<512x64xf32>
    %get3A_1138 = arith.constant 4 : index
    %get3A_1139 = arith.constant 0 : index
    %get3A_1140 = arith.constant 0 : index
    %get3A_1141 = vector.load %arg17[%get3A_1138, %get3A_1139, %get3A_1140] : memref<5x64x64xf32, #tpu.memory_space<vmem>>, vector<1x64x64xf32>
    %get3A_1142 = vector.shape_cast %get3A_1141 : vector<1x64x64xf32> to vector<64x64xf32>
    %dot_general3A_1143 = arith.constant dense<0.000000e+00> : vector<512x64xf32>
    %dot_general3A_1144 = tpu.matmul %max3A_1137, %get3A_1142, %dot_general3A_1143 {dimension_numbers = #tpu.dot_dimension_numbers<[1], [0], [0], [1], [0, 0, 1, 1], [], []>, transpose_lhs_hint = false} : vector<512x64xf32>, vector<64x64xf32>, vector<512x64xf32> -> vector<512x64xf32>
    %get3A_1145 = arith.constant 4 : index
    %get3A_1146 = arith.constant 0 : index
    %get3A_1147 = arith.constant 0 : index
    %get3A_1148 = vector.load %arg18[%get3A_1145, %get3A_1146, %get3A_1147] : memref<5x1x64xf32, #tpu.memory_space<vmem>>, vector<1x1x64xf32>
    %get3A_1149 = vector.shape_cast %get3A_1148 : vector<1x1x64xf32> to vector<1x64xf32>
    %add3A_1150 = vector.broadcast %get3A_1149 : vector<1x64xf32> to vector<512x64xf32>
    %add3A_1151 = arith.addf %dot_general3A_1144, %add3A_1150 : vector<512x64xf32>
    %max3A_1152 = arith.constant 0.000000e+00 : f32
    %max3A_1153 = vector.broadcast %max3A_1152 : f32 to vector<512x64xf32>
    %max3A_1154 = arith.maximumf %add3A_1151, %max3A_1153 : vector<512x64xf32>
    %get3A_1155 = arith.constant 4 : index
    %get3A_1156 = arith.constant 0 : index
    %get3A_1157 = arith.constant 0 : index
    %get3A_1158 = vector.load %arg19[%get3A_1155, %get3A_1156, %get3A_1157] : memref<5x64x64xf32, #tpu.memory_space<vmem>>, vector<1x64x64xf32>
    %get3A_1159 = vector.shape_cast %get3A_1158 : vector<1x64x64xf32> to vector<64x64xf32>
    %dot_general3A_1160 = arith.constant dense<0.000000e+00> : vector<512x64xf32>
    %dot_general3A_1161 = tpu.matmul %max3A_1154, %get3A_1159, %dot_general3A_1160 {dimension_numbers = #tpu.dot_dimension_numbers<[1], [0], [0], [1], [0, 0, 1, 1], [], []>, transpose_lhs_hint = false} : vector<512x64xf32>, vector<64x64xf32>, vector<512x64xf32> -> vector<512x64xf32>
    %add3A_1162 = arith.addf %add3A_1134, %dot_general3A_1161 : vector<512x64xf32>
    %get3A_1163 = arith.constant 4 : index
    %get3A_1164 = arith.constant 0 : index
    %get3A_1165 = arith.constant 0 : index
    %get3A_1166 = vector.load %arg20[%get3A_1163, %get3A_1164, %get3A_1165] : memref<5x1x64xf32, #tpu.memory_space<vmem>>, vector<1x1x64xf32>
    %get3A_1167 = vector.shape_cast %get3A_1166 : vector<1x1x64xf32> to vector<1x64xf32>
    %add3A_1168 = vector.broadcast %get3A_1167 : vector<1x64xf32> to vector<512x64xf32>
    %add3A_1169 = arith.addf %add3A_1162, %add3A_1168 : vector<512x64xf32>
    %max3A_1170 = arith.constant 0.000000e+00 : f32
    %max3A_1171 = vector.broadcast %max3A_1170 : f32 to vector<512x64xf32>
    %max3A_1172 = arith.maximumf %add3A_1169, %max3A_1171 : vector<512x64xf32>
    %get3A_1173 = arith.constant 0 : index
    %get3A_1174 = arith.constant 0 : index
    %get3A_1175 = vector.load %arg21[%get3A_1173, %get3A_1174] : memref<64x1xf32, #tpu.memory_space<vmem>>, vector<64x1xf32>
    %dot_general3A_1176 = arith.constant dense<0.000000e+00> : vector<512x1xf32>
    %dot_general3A_1177 = tpu.matmul %max3A_1172, %get3A_1175, %dot_general3A_1176 {dimension_numbers = #tpu.dot_dimension_numbers<[1], [0], [0], [1], [0, 0, 1, 1], [], []>, transpose_lhs_hint = false} : vector<512x64xf32>, vector<64x1xf32>, vector<512x1xf32> -> vector<512x1xf32>
    %get3A_1178 = arith.constant 0 : index
    %get3A_1179 = arith.constant 0 : index
    %get3A_1180 = vector.load %arg22[%get3A_1178, %get3A_1179] : memref<1x1xf32, #tpu.memory_space<vmem>>, vector<1x1xf32>
    %add3A_1181 = vector.broadcast %get3A_1180 : vector<1x1xf32> to vector<512x1xf32>
    %add3A_1182 = arith.addf %dot_general3A_1177, %add3A_1181 : vector<512x1xf32>
    %slice3A_1183 = vector.extract_strided_slice %add3A_1182 {offsets = [0, 0], sizes = [128, 1], strides = [1, 1]} : vector<512x1xf32> to vector<128x1xf32>
    %slice3A_1184 = vector.extract_strided_slice %add3A_1182 {offsets = [128, 0], sizes = [128, 1], strides = [1, 1]} : vector<512x1xf32> to vector<128x1xf32>
    %slice3A_1185 = vector.extract_strided_slice %add3A_1182 {offsets = [256, 0], sizes = [128, 1], strides = [1, 1]} : vector<512x1xf32> to vector<128x1xf32>
    %slice3A_1186 = vector.extract_strided_slice %add3A_1182 {offsets = [384, 0], sizes = [128, 1], strides = [1, 1]} : vector<512x1xf32> to vector<128x1xf32>
    %concatenate3A_1187 = tpu.concatenate %slice3A_1183, %slice3A_1184, %slice3A_1185, %slice3A_1186 in 1 : vector<128x1xf32>, vector<128x1xf32>, vector<128x1xf32>, vector<128x1xf32> -> vector<128x4xf32>
    %swap3A = arith.constant 0 : index
    %swap3A_1188 = arith.constant 0 : index
    %swap3A_1189 = arith.constant 0 : index
    %swap3A_1190 = vector.load %arg23[%swap3A, %swap3A_1188, %swap3A_1189] : memref<1x128x4xf32, #tpu.memory_space<vmem>>, vector<1x128x4xf32>
    %swap3A_1191 = vector.shape_cast %swap3A_1190 : vector<1x128x4xf32> to vector<128x4xf32>
    %swap3A_1192 = vector.shape_cast %concatenate3A_1187 : vector<128x4xf32> to vector<1x128x4xf32>
    tpu.vector_store %arg23[%swap3A, %swap3A_1188, %swap3A_1189], %swap3A_1192 {strides = array<i32>} : memref<1x128x4xf32, #tpu.memory_space<vmem>>, vector<1x128x4xf32>,
    return
  }
  func.func @transform_0(%arg0: i32, %arg1: i32) -> (i32, i32, i32) {
    %c0_i32 = arith.constant 0 : i32
    %c0_i32_0 = arith.constant 0 : i32
    return %arg0, %arg1, %c0_i32 : i32, i32, i32
  }
  func.func @transform_1(%arg0: i32, %arg1: i32) -> (i32, i32, i32) {
    %c0_i32 = arith.constant 0 : i32
    %c0_i32_0 = arith.constant 0 : i32
    return %arg0, %arg1, %c0_i32 : i32, i32, i32
  }
  func.func @transform_2(%arg0: i32, %arg1: i32) -> (i32, i32, i32) {
    %c0_i32 = arith.constant 0 : i32
    %c0_i32_0 = arith.constant 0 : i32
    return %arg0, %arg1, %c0_i32 : i32, i32, i32
  }
  func.func @transform_3(%arg0: i32, %arg1: i32) -> (i32, i32, i32, i32) {
    %c0_i32 = arith.constant 0 : i32
    %c0_i32_0 = arith.constant 0 : i32
    %c0_i32_1 = arith.constant 0 : i32
    return %arg0, %c0_i32, %arg1, %c0_i32_0 : i32, i32, i32, i32
  }
  func.func @transform_4(%arg0: i32, %arg1: i32) -> (i32, i32) {
    %c0_i32 = arith.constant 0 : i32
    %c0_i32_0 = arith.constant 0 : i32
    %c0_i32_1 = arith.constant 0 : i32
    return %c0_i32, %c0_i32_0 : i32, i32
  }
  func.func @transform_5(%arg0: i32, %arg1: i32) -> (i32, i32) {
    %c0_i32 = arith.constant 0 : i32
    %c0_i32_0 = arith.constant 0 : i32
    %c0_i32_1 = arith.constant 0 : i32
    return %c0_i32, %c0_i32_0 : i32, i32
  }
  func.func @transform_6(%arg0: i32, %arg1: i32) -> (i32, i32) {
    %c0_i32 = arith.constant 0 : i32
    %c0_i32_0 = arith.constant 0 : i32
    %c0_i32_1 = arith.constant 0 : i32
    return %c0_i32, %c0_i32_0 : i32, i32
  }
  func.func @transform_7(%arg0: i32, %arg1: i32) -> (i32, i32) {
    %c0_i32 = arith.constant 0 : i32
    %c0_i32_0 = arith.constant 0 : i32
    %c0_i32_1 = arith.constant 0 : i32
    return %c0_i32, %c0_i32_0 : i32, i32
  }
  func.func @transform_8(%arg0: i32, %arg1: i32) -> (i32, i32) {
    %c0_i32 = arith.constant 0 : i32
    %c0_i32_0 = arith.constant 0 : i32
    %c0_i32_1 = arith.constant 0 : i32
    return %c0_i32, %c0_i32_0 : i32, i32
  }
  func.func @transform_9(%arg0: i32, %arg1: i32) -> (i32, i32) {
    %c0_i32 = arith.constant 0 : i32
    %c0_i32_0 = arith.constant 0 : i32
    %c0_i32_1 = arith.constant 0 : i32
    return %c0_i32, %c0_i32_0 : i32, i32
  }
  func.func @transform_10(%arg0: i32, %arg1: i32) -> (i32, i32) {
    %c0_i32 = arith.constant 0 : i32
    %c0_i32_0 = arith.constant 0 : i32
    %c0_i32_1 = arith.constant 0 : i32
    return %c0_i32, %c0_i32_0 : i32, i32
  }
  func.func @transform_11(%arg0: i32, %arg1: i32) -> (i32, i32) {
    %c0_i32 = arith.constant 0 : i32
    %c0_i32_0 = arith.constant 0 : i32
    %c0_i32_1 = arith.constant 0 : i32
    return %c0_i32, %c0_i32_0 : i32, i32
  }
  func.func @transform_12(%arg0: i32, %arg1: i32) -> (i32, i32) {
    %c0_i32 = arith.constant 0 : i32
    %c0_i32_0 = arith.constant 0 : i32
    %c0_i32_1 = arith.constant 0 : i32
    return %c0_i32, %c0_i32_0 : i32, i32
  }
  func.func @transform_13(%arg0: i32, %arg1: i32) -> (i32, i32) {
    %c0_i32 = arith.constant 0 : i32
    %c0_i32_0 = arith.constant 0 : i32
    %c0_i32_1 = arith.constant 0 : i32
    return %c0_i32, %c0_i32_0 : i32, i32
  }
  func.func @transform_14(%arg0: i32, %arg1: i32) -> (i32, i32) {
    %c0_i32 = arith.constant 0 : i32
    %c0_i32_0 = arith.constant 0 : i32
    %c0_i32_1 = arith.constant 0 : i32
    return %c0_i32, %c0_i32_0 : i32, i32
  }
  func.func @transform_15(%arg0: i32, %arg1: i32) -> (i32, i32, i32) {
    %c0_i32 = arith.constant 0 : i32
    %c0_i32_0 = arith.constant 0 : i32
    %c0_i32_1 = arith.constant 0 : i32
    %c0_i32_2 = arith.constant 0 : i32
    return %c0_i32, %c0_i32_0, %c0_i32_1 : i32, i32, i32
  }
  func.func @transform_16(%arg0: i32, %arg1: i32) -> (i32, i32, i32) {
    %c0_i32 = arith.constant 0 : i32
    %c0_i32_0 = arith.constant 0 : i32
    %c0_i32_1 = arith.constant 0 : i32
    %c0_i32_2 = arith.constant 0 : i32
    return %c0_i32, %c0_i32_0, %c0_i32_1 : i32, i32, i32
  }
  func.func @transform_17(%arg0: i32, %arg1: i32) -> (i32, i32, i32) {
    %c0_i32 = arith.constant 0 : i32
    %c0_i32_0 = arith.constant 0 : i32
    %c0_i32_1 = arith.constant 0 : i32
    %c0_i32_2 = arith.constant 0 : i32
    return %c0_i32, %c0_i32_0, %c0_i32_1 : i32, i32, i32
  }
  func.func @transform_18(%arg0: i32, %arg1: i32) -> (i32, i32, i32) {
    %c0_i32 = arith.constant 0 : i32
    %c0_i32_0 = arith.constant 0 : i32
    %c0_i32_1 = arith.constant 0 : i32
    %c0_i32_2 = arith.constant 0 : i32
    return %c0_i32, %c0_i32_0, %c0_i32_1 : i32, i32, i32
  }
  func.func @transform_19(%arg0: i32, %arg1: i32) -> (i32, i32) {
    %c0_i32 = arith.constant 0 : i32
    %c0_i32_0 = arith.constant 0 : i32
    %c0_i32_1 = arith.constant 0 : i32
    return %c0_i32, %c0_i32_0 : i32, i32
  }
  func.func @transform_20(%arg0: i32, %arg1: i32) -> (i32, i32) {
    %c0_i32 = arith.constant 0 : i32
    %c0_i32_0 = arith.constant 0 : i32
    %c0_i32_1 = arith.constant 0 : i32
    return %c0_i32, %c0_i32_0 : i32, i32
  }
  func.func @transform_21(%arg0: i32, %arg1: i32) -> (i32, i32, i32) {
    %c0_i32 = arith.constant 0 : i32
    %c0_i32_0 = arith.constant 0 : i32
    return %arg0, %arg1, %c0_i32 : i32, i32, i32
  }
}

</mosaic_0001>

<sc_bundles>
// kernel: kernel.6.cloned.1.call-start
scs
__scs_entry_jumppad:
0x0: {  	(pc) =	sbr.rel $0x88, $3  }
0x1: {  	(tag) =	ssettag $0x0;
	lr =	simm.s32 $0x1  }
0x2: {  	[smem:$0x3F8B] =	sst lr;
	_ =	strace $0xD0000000  }
0x3: {  	_ = 	snop  }
0x4: {  	_ = 	snop  }
0x5: {  	_ = 	snop  }
0x6: {  	_ = 	snop  }
0x7: {  	_ = 	snop  }
__scs_overlays_trampoline_lowered:
0x8: {  	[smem:$0x3F9A] =	sst s0  }
0x9: {  	[smem:$0x3F9B] =	sst s1  }
0xa: {  	[smem:$0x3F9C] =	sst s2  }
0xb: {  	[smem:$0x3F9D] =	sst s3  }
0xc: {  	[smem:$0x3F9E] =	sst s4  }
0xd: {  	[smem:$0x3F9F] =	sst s5  }
0xe: {  	[smem:$0x3FA0] =	sst s6  }
0xf: {  	[smem:$0x3FA1] =	sst s7  }
0x10: {  	[smem:$0x3FA2] =	sst s8  }
0x11: {  	[smem:$0x3FA3] =	sst s9;
	s0 =	simm.s32 @!p0 $0x0  }
0x12: {  	s1 =	sld [smem:$0x3F89];
	s0 =	simm.s32 @p0 $0x1  }
0x13: {  	[smem:$0x3FA4] =	sst s0;
	s0 =	simm.s32 @!p1 $0x0  }
0x14: {  	s2 =	sld [smem:$0x3F88];
	s0 =	simm.s32 @p1 $0x1  }
0x15: {  	[smem:$0x3FA5] =	sst s0;
	s0 =	simm.s32 @!p2 $0x0  }
0x16: {  	s3 =	sld [smem:$0x3FDB];
	s0 =	simm.s32 @p2 $0x1  }
0x17: {  	s4 =	simm.s32 $0x1BF5;
	[smem:$0x3FA7] =	sst s0  }
0x18: {  	s0 =	sld [smem:$0x3F8A];
	_ =	swait.ge [sflag:s4], $0x0  }
0x19: {  	s7 =	sld [smem:$0x3F8B]  }
0x1a: {  	s8 =	sadd.s32 $0xFFFFE003, lr  }
0x1b: {  	s9 =	sadd.s32 $0xFFFFFEF7, lr;
	s5 =	simm.s32 $0xFFFFFFFF;
	p2 =	slt.u32 s8, $0xFFFFF086  }
0x1c: {  	p1 =	slt.u32 s9, $0xF7A;
	s5 =	simm.s32 @!p2 $0x0  }
0x1d: {  	s5 =	simm.s32 @p1 $0x1;
	p0 =	seq.s32 s7, s2  }
0x1e: {  	s7 =	smul.u32 @!p0 $0xF7A, s2;
	p2 =	seq.s32 @!p0 s5, $0x0  }
0x1f: {  	s9 =	smul.u32 $0xF7A, s1;
	s8 =	simm.s32 @!p0 $0x1BF5;
	p2 =	por !p2, p0  }
0x20: {  	[sflag:s8] =	ssyncset.s32 @!p0 $0xFFFFF086;
	s6 =	sadd.s32 @!p0 s3, s7;
	s7 =	simm.s32 @!p0 $0x108  }
0x21: {  	s3 =	sadd.s32 s3, s9;
	s6 =	sadd.s32 @!p0 $0x88, s6;
	s7 =	simm.s32 @p2 $0x1082  }
0x22: {  	[simem:s7], [sflag:s8] =	dma.local @!p0 [hbm:s6], $0xF7A  }
0x23: {  	s9 =	sor.u32 $0xD0000000, s2;
	s6 =	simm.s32 $0x108;
	_ =	swait.ge @!p0 [sflag:s8], $0x0  }
0x24: {  	s3 =	sadd.s32 $0x88, s3;
	s6 =	simm.s32 @!p1 $0x1082;
	[sflag:s4] =	ssyncset.s32 $0xFFFFF086  }
0x25: {  	[simem:s6], [sflag:s4] =	dma.local [hbm:s3], $0xF7A  }
0x26: {  	[smem:$0x3F8B] =	sst s1;
	(tag) =	ssettag s2;
	_ =	strace s9  }
0x27: {  	s1 =	sld [smem:$0x3F9B]  }
0x28: {  	s2 =	sld [smem:$0x3F9C]  }
0x29: {  	s4 =	sld [smem:$0x3F9E]  }
0x2a: {  	p0 =	seq.s32 s5, $0x0;
	s5 =	sld [smem:$0x3F9F]  }
0x2b: {  	s6 =	sld [smem:$0x3FA0]  }
0x2c: {  	s7 =	sld [smem:$0x3FA1]  }
0x2d: {  	s3 =	simm.s32 $0x108;
	s8 =	sld [smem:$0x3FA2]  }
0x2e: {  	s3 =	simm.s32 @!p0 $0x1082;
	s9 =	sld [smem:$0x3FA3]  }
0x2f: {  	lr =	sadd.s32 s0, s3;
	s0 =	sld [smem:$0x3F9A]  }
0x30: {  	s3 =	sld [smem:$0x3F9D]  }
0x31: {  	[smem:$0x3FA6] =	sst s10  }
0x32: {  	s10 =	sld [smem:$0x3FA4];
	_ =	sdelay $0x3  }
0x33: {  	p0 =	seq.s32 s10, $0x1;
	s10 =	sld [smem:$0x3FA6];
	_ =	sdelay $0x3  }
0x34: {  	[smem:$0x3FA6] =	sst s10  }
0x35: {  	s10 =	sld [smem:$0x3FA5];
	_ =	sdelay $0x3  }
0x36: {  	p1 =	seq.s32 s10, $0x1;
	s10 =	sld [smem:$0x3FA6];
	_ =	sdelay $0x3  }
0x37: {  	[smem:$0x3FA6] =	sst s10  }
0x38: {  	s10 =	sld [smem:$0x3FA7]  }
0x39: {  	_ = 	snop;
	(pc) =	sbr.ind lr, $3  }
0x3a: {  	_ = 	snop  }
0x3b: {  	_ = 	snop  }
0x3c: {  	p2 =	seq.s32 s10, $0x1;
	s10 =	sld [smem:$0x3FA6]  }
0x3d: {  	_ =	shalt  }
0x3e: {  	_ =	shalt  }
0x3f: {  	_ =	shalt  }
0x40: {  	_ =	shalt  }
0x41: {  	_ =	shalt  }
0x42: {  	_ =	shalt  }
0x43: {  	_ =	shalt  }
0x44: {  	_ =	shalt  }
0x45: {  	_ =	shalt  }
0x46: {  	_ =	shalt  }
0x47: {  	_ =	shalt  }
0x48: {  	_ =	shalt  }
0x49: {  	_ =	shalt  }
0x4a: {  	_ =	shalt  }
0x4b: {  	_ =	shalt  }
0x4c: {  	_ =	shalt  }
0x4d: {  	_ =	shalt  }
0x4e: {  	_ =	shalt  }
0x4f: {  	_ =	shalt  }
0x50: {  	_ =	shalt  }
0x51: {  	_ =	shalt  }
0x52: {  	_ =	shalt  }
0x53: {  	_ =	shalt  }
0x54: {  	_ =	shalt  }
0x55: {  	_ =	shalt  }
0x56: {  	_ =	shalt  }
0x57: {  	_ =	shalt  }
0x58: {  	_ =	shalt  }
0x59: {  	_ =	shalt  }
0x5a: {  	_ =	shalt  }
0x5b: {  	_ =	shalt  }
0x5c: {  	_ =	shalt  }
0x5d: {  	_ =	shalt  }
0x5e: {  	_ =	shalt  }
0x5f: {  	_ =	shalt  }
0x60: {  	_ =	shalt  }
0x61: {  	_ =	shalt  }
0x62: {  	_ =	shalt  }
0x63: {  	_ =	shalt  }
0x64: {  	_ =	shalt  }
0x65: {  	_ =	shalt  }
0x66: {  	_ =	shalt  }
0x67: {  	_ =	shalt  }
0x68: {  	_ =	shalt  }
0x69: {  	_ =	shalt  }
0x6a: {  	_ =	shalt  }
0x6b: {  	_ =	shalt  }
0x6c: {  	_ =	shalt  }
0x6d: {  	_ =	shalt  }
0x6e: {  	_ =	shalt  }
0x6f: {  	_ =	shalt  }
0x70: {  	_ =	shalt  }
0x71: {  	_ =	shalt  }
0x72: {  	_ =	shalt  }
0x73: {  	_ =	shalt  }
0x74: {  	_ =	shalt  }
0x75: {  	_ =	shalt  }
0x76: {  	_ =	shalt  }
0x77: {  	_ =	shalt  }
0x78: {  	_ =	shalt  }
0x79: {  	_ =	shalt  }
0x7a: {  	_ =	shalt  }
0x7b: {  	_ =	shalt  }
0x7c: {  	_ =	shalt  }
0x7d: {  	_ =	shalt  }
0x7e: {  	_ =	shalt  }
0x7f: {  	_ =	shalt  }
0x80: {  	_ =	shalt  }
0x81: {  	_ =	shalt  }
0x82: {  	_ =	shalt  }
0x83: {  	_ =	shalt  }
0x84: {  	_ =	shalt  }
0x85: {  	_ =	shalt  }
0x86: {  	_ =	shalt  }
0x87: {  	_ =	shalt  }
.Lfunc_end0:
.L_simem_size_0:
called_computation.1_lowered:
.L_overlay_start_0:
0x88: {  	s2 =	sld [smem:$0x3FD9]  }
0x89: {  	s3 =	sld [smem:$0x3FFE];
	_ =	sdelay $0x1  }
0x8a: {  	s1 =	srdreg.scid  }
0x8b: {  	s0 =	sand.u32 $0x1, s1  }
0x8c: {  	s17 =	sshll.u32 s0, $0xA;
	s2 =	sadd.s32 s3, s2  }
0x8d: {  	s2 =	sadd.s32 s2, s17  }
0x8e: {  	[smem:$0x3FB2] =	sst s2  }
0x8f: {  	_ = 	snop  }
0x90: {  	(tm) =	ssettm $0x1  }
0x91: {  	s18 =	sld [smem:$0x3FFB];
	_ =	sdelay $0x3  }
0x92: {  	_ =	strace s18  }
0x93: {  	s2 =	sld [smem:$0x3FFC];
	_ =	sdelay $0x3  }
0x94: {  	_ =	strace s2  }
0x95: {  	s2 =	sld [smem:$0x3FFD];
	_ =	sdelay $0x3  }
0x96: {  	_ =	strace s2  }
0x97: {  	_ =	strace $0x8FFFFFFF  }
0x98: {  	s19 =	sld [smem:$0x3FDB];
	_ =	sdelay $0x1  }
0x99: {  	s20 =	simm.s32 $_scs_section_size  }
0x9a: {  	s4 =	simm.s32 $_size__tile_overlayer_lowered;
	s5 =	simm.s32 $_tile_overlayer_lowered  }
0x9b: {  	s6 =	simm.s32 $0x1BFF;
	s21 =	sshll.u32 s5, $0x1;
	s3 =	sadd.s32 s20, s19  }
0x9c: {  	s22 =	simm.s32 $0x0;
	s4 =	sshll.u32 s4, $0x1;
	s5 =	sadd.s32 s21, s3  }
0x9d: {  	[timem:s22], [sflag:s6] =	dma.local [hbm:s5], s4  }
0x9e: {  	_ =	swait.ge [sflag:s6], s4  }
0x9f: {  	s4 =	ssub.s32 $0x0, s4;
	[sflag:s6] =	ssyncset.done $0x0  }
0xa0: {  	[sflag:s6] =	ssyncadd.s32 s4;
	_ =	sdelay $0x1  }
0xa1: {  	s23 =	simm.s32 $0x1B8B  }
0xa2: {  	_ =	swait.ge [sflag:s23], $0x1  }
0xa3: {  	[sflag:s23] =	ssyncset.done $0x0  }
0xa4: {  	[sflag:s23] =	ssyncadd.s32 $0xFFFFFFFF  }
0xa5: {  	s4 =	sld [smem:$0x0]  }
0xa6: {  	s5 =	sand.u32 $0xFFFFFFFE, s1  }
0xa7: {  	p0 =	sne.s32 s1, s5  }
0xa8: {  	s5 =	sshll.u32 @p0 s5, $0xE  }
0xa9: {  	s5 =	sadd.s32 @p0 $0x11B8D, s5;
	s6 =	sshll.u32 @p0 s4, $0x11  }
0xaa: {  	s5 =	sor.u32 @p0 s6, s5  }
0xab: {  	[sflag:s5] =	ssyncadd.remote.s32 @p0 $0x1;
	_ =	sdelay $0x1  }
0xac: {  	s5 =	simm.s32 @p0 $0x1B8D  }
0xad: {  	_ =	swait.eq @p0 [sflag:s5], $0x1  }
0xae: {  	[sflag:s5] =	ssyncadd.s32 @p0 $0xFFFFFFFF  }
0xaf: {  	s6 =	sshll.u32 @!p0 s1, $0xE  }
0xb0: {  	s6 =	sor.u32 @!p0 $0x4000, s6;
	s5 =	simm.s32 @!p0 $0x1B8D  }
0xb1: {  	s4 =	sshll.u32 @!p0 s4, $0x11;
	s6 =	sadd.s32 @!p0 $0x11B8D, s6;
	_ =	swait.eq @!p0 [sflag:s5], $0x1  }
0xb2: {  	s4 =	sor.u32 @!p0 s4, s6;
	[sflag:s5] =	ssyncadd.s32 @!p0 $0xFFFFFFFF  }
0xb3: {  	s25 =	simm.s32 $0x1B8E;
	s24 =	sld [smem:$0x3FFE];
	[sflag:s4] =	ssyncadd.remote.s32 @!p0 $0x1  }
0xb4: {  	s26 =	simm.s32 $execute0_lowered;
	[smem:$0x3FD2] =	sst s25  }
0xb5: {  	s5 =	sshll.u32 s26, $0x1;
	_ =	strace $0x8000004C;
	[dreg:$0x1] =	wrdreg $0xFFFFFFFF  }
0xb6: {  	s28 =	simm.s32 $_size_execute0_lowered;
	s3 =	sadd.s32 s3, s5;
	[dreg:$0x0] =	wrdreg $0x0  }
0xb7: {  	s5 =	sshll.u32 s28, $0x1;
	[dreg:$0x2] =	wrdreg s3  }
0xb8: {  	[dreg:$0x3] =	wrdreg s5  }
0xb9: {  	[dreg:$0x4] =	wrdreg $0xC0  }
0xba: {  	_ =	task [dreg:s22], $0x5FFFF  }
0xbb: {  	[dreg:$0x1] =	wrdreg $0xFFFFFFFF  }
0xbc: {  	[dreg:$0x0] =	wrdreg $0x60  }
0xbd: {  	[dreg:$0x2] =	wrdreg s24  }
0xbe: {  	[dreg:$0x3] =	wrdreg $0x9  }
0xbf: {  	_ =	task.clear_ibuf [dreg:s22], $0x4FFFF;
	_ =	strace $0x9000004C  }
0xc0: {  	s29 =	simm.s32 $0x9;
	_ =	strace $0x8000004E  }
0xc1: {  	_ =	swait.ge [sflag:s29], $0x1  }
0xc2: {  	[sflag:s29] =	ssyncadd.s32 $0xFFFFFFFF  }
0xc3: {  	_ =	strace $0x9000004E  }
0xc4: {  	_ =	sfence  }
0xc5: {  	s30 =	sld [smem:$0x0];
	_ =	sdelay $0x2  }
0xc6: {  	s31 =	sshll.u32 s1, $0xD;
	s1 =	sshrl.u32 s1, $0x2  }
0xc7: {  	s4 =	sand.u32 $0x4000, s31;
	s1 =	sadd.s32 s1, s30  }
0xc8: {  	s0 =	sor.u32 s4, s0;
	s1 =	sshll.u32 s1, $0x11  }
0xc9: {  	s0 =	sor.u32 s1, s0  }
0xca: {  	s0 =	sadd.s32 $0x8F2B, s0  }
0xcb: {  	[sflag:s0] =	ssyncadd.remote.s32 $0x1  }
0xcc: {  	_ =	sfence.sel $0xFFFF  }
0xcd: {  	[dreg:$0x0] =	wrdreg $0xFFFFFFFF;
	(pc) =	sbr.abs _section_cstart, $3  }
0xce: {  	[dreg:$0x1] =	wrdreg $0xFFFFFFFF  }
0xcf: {  	_ =	task.clear_ibuf [dreg:s22], $0x2FFFF;
	_ =	strace $0x9FFFFFFF  }
0xd0: {  	(tm) =	ssettm $0x7FFFFFFF  }
0xd1: {  	_ =	shalt  }
tec
execute0_lowered:
.L_overlay_start_1:
0x0: {  	(tag) =	ssettag $0x1  }
0x1: {  	s4 =	rddreg [dreg:$0x0]  }
0x2: {  	s0 =	rddreg [dreg:$0x1]  }
0x3: {  	s3 =	srdreg.scid;
	s1 =	stileid.u32  }
0x4: {  	s2 =	simm.s32 $0x0;
	s14 =	simm.s32 $0x1;
	s12 =	smul.u32 $0x8C000, s1  }
0x5: {  	s15 =	simm.s32 $0x2;
	s7 =	sand.u32 $0x1, s3;
	s29 =	smul.u32 $0x11800, s1  }
0x6: {  	s16 =	simm.s32 $0x0;
	s23 =	sshll.u32 s1, $0x1;
	s26 =	smul.u32 $0x46000, s7  }
0x7: {  	[smem:$0x7FF] =	sst s2;
	s5 =	sor.u32 s7, s23;
	s13 =	smul.u32 $0x8C00, s7  }
0x8: {  	s3 =	sadd.s32 $0x826400, s4;
	s9 =	ssub.s32 $0x2, s7;
	s6 =	smul.u32 $0x460, s5  }
0x9: {  	s11 =	sadd.s32 $0x11D000, s4;
	s8 =	smul.u32 $0x46000, s5;
	s24 =	sshrl.u32 s9, $0x1  }
0xa: {  	_ =	strace $0x8000004D;
	s10 =	smul.u32 $0x8C00, s5;
	s25 =	ssub.s32 s9, s24  }
0xb: {  	s9 =	sadd.s32 s26, s12;
	s12 =	simm.s32 $0x2300;
	s6 =	sadd.s32 s6, s4  }
0xc: {  	s8 =	sshrl.u32 s8, $0x3;
	s5 =	smax.u32 s25, $0x1;
	s30 =	sadd.s32 s10, s11  }
0xd: {  	s9 =	sshrl.u32 s9, $0x3;
	s10 =	simm.s32 $0x3;
	s4 =	sadd.s32 $0x809800, s6  }
0xe: {  	s28 =	sadd.s32 s11, s8;
	s8 =	sadd.s32 s29, s11;
	s7 =	sadd.s32 $0x8A00, s30  }
0xf: {  	s6 =	sadd.s32 $0x8800, s28;
	s31 =	sadd.s32 s13, s8;
	s8 =	sadd.s32 s9, s11  }
0x10: {  	s11 =	simm.s32 $0x80;
	s13 =	simm.s32 $0x3300;
	s9 =	sadd.s32 $0x200, s31  }
.LBB2_1:
0x11: {  	[tilespmem:s2], [sflag:$0x3] =	stream.linear.gather [hbm4b:s4+s2], $0x2300, $0x38;
	[tilespmem:$0x4300] =	vst v63  }
0x12: {  	_ =	swait.ge [sflag:s10], $0x2300  }
0x13: {  	[sflag:s10] =	ssyncset.done $0x0  }
0x14: {  	[sflag:s10] =	ssyncadd.s32 $0xFFFFDD00  }
0x15: {  	[tilespmem:s12], [sflag:$0x1] =	stream.indirect.gather [hbm4b:s3+s11], $0x20, s2, s11, $0xb8;
	[tilespmem:$0x4300] =	vst v63  }
0x16: {  	_ = 	snop  }
0x17: {  	[tilespmem:s13], [sflag:$0x2] =	stream.indirect.gather [hbm4b:s3+s11], $0x20, s11, s11, $0xb8;
	[tilespmem:$0x4300] =	vst v63  }
0x18: {  	_ =	swait.ge [sflag:s14], $0x1000  }
0x19: {  	[sflag:s14] =	ssyncset.done $0x0  }
0x1a: {  	s17 =	sadd.s32 $0x0, s8;
	[sflag:s14] =	ssyncadd.s32 $0xFFFFF000  }
0x1b: {  	[hbm4b:s17+s2] =	stream.linear.scatter [tilespmem:s12], [sflag:$0x3], $0x1000, $0x38;
	[tilespmem:$0x4300] =	vst v63  }
0x1c: {  	_ =	swait.ge [sflag:s10], $0x1000  }
0x1d: {  	[sflag:s10] =	ssyncset.done $0x0  }
0x1e: {  	s30 =	simm.s32 $0x100;
	[sflag:s10] =	ssyncadd.s32 $0xFFFFF000  }
0x1f: {  	[tilespmem:s12], [sflag:$0x1] =	stream.indirect.gather [hbm4b:s3+s11], $0x20, s30, s11, $0xb8;
	[tilespmem:$0x4300] =	vst v63  }
0x20: {  	_ =	swait.ge [sflag:s15], $0x1000  }
0x21: {  	[sflag:s15] =	ssyncset.done $0x0  }
0x22: {  	s31 =	sadd.s32 $0x0, s9;
	[sflag:s15] =	ssyncadd.s32 $0xFFFFF000  }
0x23: {  	[hbm4b:s31+s2] =	stream.linear.scatter [tilespmem:s13], [sflag:$0x3], $0x1000, $0x38;
	[tilespmem:$0x4300] =	vst v63  }
0x24: {  	_ =	swait.ge [sflag:s10], $0x1000  }
0x25: {  	[sflag:s10] =	ssyncset.done $0x0  }
0x26: {  	s18 =	simm.s32 $0x180;
	s17 =	simm.s32 $0x400;
	[sflag:s10] =	ssyncadd.s32 $0xFFFFF000  }
.LBB2_2:
0x27: {  	[tilespmem:s13], [sflag:$0x2] =	stream.indirect.gather [hbm4b:s3+s11], $0x20, s18, s11, $0xb8;
	[tilespmem:$0x4300] =	vst v63  }
0x28: {  	s18 =	smov.u32 s17  }
0x29: {  	p0 =	sne.s32 s17, $0x8400;
	s17 =	sadd.s32 $0x400, s17;
	_ =	swait.ge [sflag:s14], $0x1000  }
0x2a: {  	[sflag:s14] =	ssyncset.done $0x0  }
0x2b: {  	s19 =	sadd.s32 s18, s8;
	[sflag:s14] =	ssyncadd.s32 $0xFFFFF000  }
0x2c: {  	[hbm4b:s19+s2] =	stream.linear.scatter [tilespmem:s12], [sflag:$0x3], $0x1000, $0x38;
	[tilespmem:$0x4300] =	vst v63  }
0x2d: {  	_ =	swait.ge [sflag:s10], $0x1000  }
0x2e: {  	s19 =	sshra.s32 s18, $0x2;
	[sflag:s10] =	ssyncset.done $0x0  }
0x2f: {  	s20 =	sadd.s32 $0x100, s19;
	[sflag:s10] =	ssyncadd.s32 $0xFFFFF000  }
0x30: {  	[tilespmem:s12], [sflag:$0x1] =	stream.indirect.gather [hbm4b:s3+s11], $0x20, s20, s11, $0xb8;
	[tilespmem:$0x4300] =	vst v63  }
0x31: {  	_ =	swait.ge [sflag:s15], $0x1000  }
0x32: {  	[sflag:s15] =	ssyncset.done $0x0  }
.Ltmp0:
0x33: {  	s18 =	sadd.s32 s18, s9;
	[sflag:s15] =	ssyncadd.s32 $0xFFFFF000;
	(pc) =	sbr.rel @p0 .LBB2_2-.Ltmp0, $4  }
0x34: {  	[hbm4b:s18+s2] =	stream.linear.scatter [tilespmem:s13], [sflag:$0x3], $0x1000, $0x38;
	[tilespmem:$0x4300] =	vst v63  }
0x35: {  	_ =	swait.ge [sflag:s10], $0x1000  }
0x36: {  	[sflag:s10] =	ssyncset.done $0x0  }
0x37: {  	s18 =	sadd.s32 $0x180, s19;
	[sflag:s10] =	ssyncadd.s32 $0xFFFFF000  }
0x38: {  	[tilespmem:s13], [sflag:$0x2] =	stream.indirect.gather [hbm4b:s3+s11], $0x20, s18, s11, $0xb8;
	[tilespmem:$0x4300] =	vst v63  }
0x39: {  	_ =	swait.ge [sflag:s14], $0x1000  }
0x3a: {  	[sflag:s14] =	ssyncset.done $0x0  }
0x3b: {  	[sflag:s14] =	ssyncadd.s32 $0xFFFFF000  }
0x3c: {  	[hbm4b:s6+s2] =	stream.linear.scatter [tilespmem:s12], [sflag:$0x3], $0x1000, $0x38;
	[tilespmem:$0x4300] =	vst v63  }
0x3d: {  	_ =	swait.ge [sflag:s10], $0x1000  }
0x3e: {  	[sflag:s10] =	ssyncset.done $0x0  }
0x3f: {  	[sflag:s10] =	ssyncadd.s32 $0xFFFFF000  }
0x40: {  	s16 =	sadd.s32 $0x1, s16;
	_ =	swait.ge [sflag:s15], $0x1000  }
0x41: {  	p0 =	sne.s32 s16, s5;
	[sflag:s15] =	ssyncset.done $0x0  }
.Ltmp1:
0x42: {  	[sflag:s15] =	ssyncadd.s32 $0xFFFFF000;
	(pc) =	sbr.rel @p0 .LBB2_1-.Ltmp1, $4  }
0x43: {  	[hbm4b:s7+s2] =	stream.linear.scatter [tilespmem:s13], [sflag:$0x3], $0x1000, $0x38;
	[tilespmem:$0x4300] =	vst v63  }
0x44: {  	_ =	swait.ge [sflag:s10], $0x1000  }
0x45: {  	[sflag:s10] =	ssyncset.done $0x0  }
0x46: {  	[sflag:s10] =	ssyncadd.s32 $0xFFFFF000  }
0x47: {  	_ =	sfence.sel $0x180000  }
0x48: {  	[bflag:$0x0] =	sbarrier.arrive $0xFFFF  }
0x49: {  	p0 =	sne.s32 s1, $0x0;
	_ =	strace $0x9000004D  }
0x4a: {  	s0 =	sadd.s32 @!p0 $0x100000, s0;
	[bflag:$0x2] =	sbarrier.arrive $0xFFFF  }
0x4b: {  	[sflag:s0] =	ssyncadd.tile.s32 @!p0 $0x1;
	_ =	shalt  }
.Lfunc_end2:
_tile_overlayer_lowered:
.L_overlay_start_2:
0x4c: {  	(tag) =	ssettag $0x2  }
0x4d: {  	s0 =	rddreg [dreg:$0x0];
	s2 =	stileid.u32  }
0x4e: {  	s1 =	rddreg [dreg:$0x1];
	p0 =	sne.s32 s2, $0x0  }
0x4f: {  	s3 =	rddreg [dreg:$0x2];
	[bflag:$0x3] =	sbarrier.arrive $0xFFFF;
	s2 =	simm.s32 @!p0 $0x1C03  }
0x50: {  	[timem:s3], [sflag:s2] =	dma.local @!p0 [hbm:s0], s1  }
0x51: {  	s0 =	simm.s32 @!p0 $0x3  }
0x52: {  	_ =	swait.ge @!p0 [sflag:s0], s1  }
0x53: {  	s1 =	ssub.s32 @!p0 $0x0, s1;
	[sflag:s0] =	ssyncset.done @!p0 $0x0  }
0x54: {  	[sflag:s0] =	ssyncadd.s32 @!p0 s1  }
0x55: {  	[bflag:$0x3] =	sbarrier.arrive $0xFFFF  }
0x56: {  	_ =	shalt  }

// kernel: kernel.9.cloned.1.call-start
scs
__scs_entry_jumppad:
0x0: {  	(pc) =	sbr.rel $0x88, $3  }
0x1: {  	(tag) =	ssettag $0x0;
	lr =	simm.s32 $0x1  }
0x2: {  	[smem:$0x3F8B] =	sst lr;
	_ =	strace $0xD0000000  }
0x3: {  	_ = 	snop  }
0x4: {  	_ = 	snop  }
0x5: {  	_ = 	snop  }
0x6: {  	_ = 	snop  }
0x7: {  	_ = 	snop  }
__scs_overlays_trampoline_lowered:
0x8: {  	[smem:$0x3F9A] =	sst s0  }
0x9: {  	[smem:$0x3F9B] =	sst s1  }
0xa: {  	[smem:$0x3F9C] =	sst s2  }
0xb: {  	[smem:$0x3F9D] =	sst s3  }
0xc: {  	[smem:$0x3F9E] =	sst s4  }
0xd: {  	[smem:$0x3F9F] =	sst s5  }
0xe: {  	[smem:$0x3FA0] =	sst s6  }
0xf: {  	[smem:$0x3FA1] =	sst s7  }
0x10: {  	[smem:$0x3FA2] =	sst s8  }
0x11: {  	[smem:$0x3FA3] =	sst s9;
	s0 =	simm.s32 @!p0 $0x0  }
0x12: {  	s1 =	sld [smem:$0x3F89];
	s0 =	simm.s32 @p0 $0x1  }
0x13: {  	[smem:$0x3FA4] =	sst s0;
	s0 =	simm.s32 @!p1 $0x0  }
0x14: {  	s2 =	sld [smem:$0x3F88];
	s0 =	simm.s32 @p1 $0x1  }
0x15: {  	[smem:$0x3FA5] =	sst s0;
	s0 =	simm.s32 @!p2 $0x0  }
0x16: {  	s3 =	sld [smem:$0x3FDB];
	s0 =	simm.s32 @p2 $0x1  }
0x17: {  	s4 =	simm.s32 $0x1BF5;
	[smem:$0x3FA7] =	sst s0  }
0x18: {  	s0 =	sld [smem:$0x3F8A];
	_ =	swait.ge [sflag:s4], $0x0  }
0x19: {  	s7 =	sld [smem:$0x3F8B]  }
0x1a: {  	s8 =	sadd.s32 $0xFFFFE003, lr  }
0x1b: {  	s9 =	sadd.s32 $0xFFFFFEF7, lr;
	s5 =	simm.s32 $0xFFFFFFFF;
	p2 =	slt.u32 s8, $0xFFFFF086  }
0x1c: {  	p1 =	slt.u32 s9, $0xF7A;
	s5 =	simm.s32 @!p2 $0x0  }
0x1d: {  	s5 =	simm.s32 @p1 $0x1;
	p0 =	seq.s32 s7, s2  }
0x1e: {  	s7 =	smul.u32 @!p0 $0xF7A, s2;
	p2 =	seq.s32 @!p0 s5, $0x0  }
0x1f: {  	s9 =	smul.u32 $0xF7A, s1;
	s8 =	simm.s32 @!p0 $0x1BF5;
	p2 =	por !p2, p0  }
0x20: {  	[sflag:s8] =	ssyncset.s32 @!p0 $0xFFFFF086;
	s6 =	sadd.s32 @!p0 s3, s7;
	s7 =	simm.s32 @!p0 $0x108  }
0x21: {  	s3 =	sadd.s32 s3, s9;
	s6 =	sadd.s32 @!p0 $0x88, s6;
	s7 =	simm.s32 @p2 $0x1082  }
0x22: {  	[simem:s7], [sflag:s8] =	dma.local @!p0 [hbm:s6], $0xF7A  }
0x23: {  	s9 =	sor.u32 $0xD0000000, s2;
	s6 =	simm.s32 $0x108;
	_ =	swait.ge @!p0 [sflag:s8], $0x0  }
0x24: {  	s3 =	sadd.s32 $0x88, s3;
	s6 =	simm.s32 @!p1 $0x1082;
	[sflag:s4] =	ssyncset.s32 $0xFFFFF086  }
0x25: {  	[simem:s6], [sflag:s4] =	dma.local [hbm:s3], $0xF7A  }
0x26: {  	[smem:$0x3F8B] =	sst s1;
	(tag) =	ssettag s2;
	_ =	strace s9  }
0x27: {  	s1 =	sld [smem:$0x3F9B]  }
0x28: {  	s2 =	sld [smem:$0x3F9C]  }
0x29: {  	s4 =	sld [smem:$0x3F9E]  }
0x2a: {  	p0 =	seq.s32 s5, $0x0;
	s5 =	sld [smem:$0x3F9F]  }
0x2b: {  	s6 =	sld [smem:$0x3FA0]  }
0x2c: {  	s7 =	sld [smem:$0x3FA1]  }
0x2d: {  	s3 =	simm.s32 $0x108;
	s8 =	sld [smem:$0x3FA2]  }
0x2e: {  	s3 =	simm.s32 @!p0 $0x1082;
	s9 =	sld [smem:$0x3FA3]  }
0x2f: {  	lr =	sadd.s32 s0, s3;
	s0 =	sld [smem:$0x3F9A]  }
0x30: {  	s3 =	sld [smem:$0x3F9D]  }
0x31: {  	[smem:$0x3FA6] =	sst s10  }
0x32: {  	s10 =	sld [smem:$0x3FA4];
	_ =	sdelay $0x3  }
0x33: {  	p0 =	seq.s32 s10, $0x1;
	s10 =	sld [smem:$0x3FA6];
	_ =	sdelay $0x3  }
0x34: {  	[smem:$0x3FA6] =	sst s10  }
0x35: {  	s10 =	sld [smem:$0x3FA5];
	_ =	sdelay $0x3  }
0x36: {  	p1 =	seq.s32 s10, $0x1;
	s10 =	sld [smem:$0x3FA6];
	_ =	sdelay $0x3  }
0x37: {  	[smem:$0x3FA6] =	sst s10  }
0x38: {  	s10 =	sld [smem:$0x3FA7]  }
0x39: {  	_ = 	snop;
	(pc) =	sbr.ind lr, $3  }
0x3a: {  	_ = 	snop  }
0x3b: {  	_ = 	snop  }
0x3c: {  	p2 =	seq.s32 s10, $0x1;
	s10 =	sld [smem:$0x3FA6]  }
0x3d: {  	_ =	shalt  }
0x3e: {  	_ =	shalt  }
0x3f: {  	_ =	shalt  }
0x40: {  	_ =	shalt  }
0x41: {  	_ =	shalt  }
0x42: {  	_ =	shalt  }
0x43: {  	_ =	shalt  }
0x44: {  	_ =	shalt  }
0x45: {  	_ =	shalt  }
0x46: {  	_ =	shalt  }
0x47: {  	_ =	shalt  }
0x48: {  	_ =	shalt  }
0x49: {  	_ =	shalt  }
0x4a: {  	_ =	shalt  }
0x4b: {  	_ =	shalt  }
0x4c: {  	_ =	shalt  }
0x4d: {  	_ =	shalt  }
0x4e: {  	_ =	shalt  }
0x4f: {  	_ =	shalt  }
0x50: {  	_ =	shalt  }
0x51: {  	_ =	shalt  }
0x52: {  	_ =	shalt  }
0x53: {  	_ =	shalt  }
0x54: {  	_ =	shalt  }
0x55: {  	_ =	shalt  }
0x56: {  	_ =	shalt  }
0x57: {  	_ =	shalt  }
0x58: {  	_ =	shalt  }
0x59: {  	_ =	shalt  }
0x5a: {  	_ =	shalt  }
0x5b: {  	_ =	shalt  }
0x5c: {  	_ =	shalt  }
0x5d: {  	_ =	shalt  }
0x5e: {  	_ =	shalt  }
0x5f: {  	_ =	shalt  }
0x60: {  	_ =	shalt  }
0x61: {  	_ =	shalt  }
0x62: {  	_ =	shalt  }
0x63: {  	_ =	shalt  }
0x64: {  	_ =	shalt  }
0x65: {  	_ =	shalt  }
0x66: {  	_ =	shalt  }
0x67: {  	_ =	shalt  }
0x68: {  	_ =	shalt  }
0x69: {  	_ =	shalt  }
0x6a: {  	_ =	shalt  }
0x6b: {  	_ =	shalt  }
0x6c: {  	_ =	shalt  }
0x6d: {  	_ =	shalt  }
0x6e: {  	_ =	shalt  }
0x6f: {  	_ =	shalt  }
0x70: {  	_ =	shalt  }
0x71: {  	_ =	shalt  }
0x72: {  	_ =	shalt  }
0x73: {  	_ =	shalt  }
0x74: {  	_ =	shalt  }
0x75: {  	_ =	shalt  }
0x76: {  	_ =	shalt  }
0x77: {  	_ =	shalt  }
0x78: {  	_ =	shalt  }
0x79: {  	_ =	shalt  }
0x7a: {  	_ =	shalt  }
0x7b: {  	_ =	shalt  }
0x7c: {  	_ =	shalt  }
0x7d: {  	_ =	shalt  }
0x7e: {  	_ =	shalt  }
0x7f: {  	_ =	shalt  }
0x80: {  	_ =	shalt  }
0x81: {  	_ =	shalt  }
0x82: {  	_ =	shalt  }
0x83: {  	_ =	shalt  }
0x84: {  	_ =	shalt  }
0x85: {  	_ =	shalt  }
0x86: {  	_ =	shalt  }
0x87: {  	_ =	shalt  }
.Lfunc_end0:
.L_simem_size_0:
called_computation.2_lowered:
.L_overlay_start_0:
0x88: {  	s2 =	sld [smem:$0x3FD9]  }
0x89: {  	s3 =	sld [smem:$0x3FFE];
	_ =	sdelay $0x1  }
0x8a: {  	s1 =	srdreg.scid  }
0x8b: {  	s0 =	sand.u32 $0x1, s1  }
0x8c: {  	s16 =	sshll.u32 s0, $0xA;
	s2 =	sadd.s32 s3, s2  }
0x8d: {  	s2 =	sadd.s32 s2, s16  }
0x8e: {  	[smem:$0x3FB2] =	sst s2  }
0x8f: {  	_ = 	snop  }
0x90: {  	(tm) =	ssettm $0x1  }
0x91: {  	s17 =	sld [smem:$0x3FFB];
	_ =	sdelay $0x3  }
0x92: {  	_ =	strace s17  }
0x93: {  	s2 =	sld [smem:$0x3FFC];
	_ =	sdelay $0x3  }
0x94: {  	_ =	strace s2  }
0x95: {  	s2 =	sld [smem:$0x3FFD];
	_ =	sdelay $0x3  }
0x96: {  	_ =	strace s2  }
0x97: {  	_ =	strace $0x8FFFFFFF  }
0x98: {  	s18 =	sld [smem:$0x3FDB];
	_ =	sdelay $0x1  }
0x99: {  	s19 =	simm.s32 $_scs_section_size  }
0x9a: {  	s4 =	simm.s32 $_size__tile_overlayer_lowered;
	s5 =	simm.s32 $_tile_overlayer_lowered  }
0x9b: {  	s22 =	simm.s32 $0x1BFF;
	s21 =	sshll.u32 s5, $0x1;
	s2 =	sadd.s32 s19, s18  }
0x9c: {  	s6 =	simm.s32 $0x0;
	s20 =	sshll.u32 s4, $0x1;
	s4 =	sadd.s32 s21, s2  }
0x9d: {  	[timem:s6], [sflag:s22] =	dma.local [hbm:s4], s20  }
0x9e: {  	_ =	swait.ge [sflag:s22], s20  }
0x9f: {  	s3 =	ssub.s32 $0x0, s20;
	[sflag:s22] =	ssyncset.done $0x0  }
0xa0: {  	[sflag:s22] =	ssyncadd.s32 s3;
	_ =	sdelay $0x1  }
0xa1: {  	s23 =	simm.s32 $0x1B8B  }
0xa2: {  	_ =	swait.ge [sflag:s23], $0x1  }
0xa3: {  	[sflag:s23] =	ssyncset.done $0x0  }
0xa4: {  	s25 =	simm.s32 $0x1B8E;
	s24 =	sld [smem:$0x3FFE];
	[sflag:s23] =	ssyncadd.s32 $0xFFFFFFFF  }
0xa5: {  	s26 =	simm.s32 $execute0_lowered;
	[smem:$0x3FD2] =	sst s25  }
0xa6: {  	s4 =	sshll.u32 s26, $0x1;
	_ =	strace $0x80000049;
	[dreg:$0x1] =	wrdreg $0xFFFFFFFF  }
0xa7: {  	s28 =	simm.s32 $_size_execute0_lowered;
	s2 =	sadd.s32 s2, s4;
	[dreg:$0x0] =	wrdreg $0x0  }
0xa8: {  	s4 =	sshll.u32 s28, $0x1;
	[dreg:$0x2] =	wrdreg s2  }
0xa9: {  	[dreg:$0x3] =	wrdreg s4  }
0xaa: {  	[dreg:$0x4] =	wrdreg $0xC0  }
0xab: {  	_ =	task [dreg:s6], $0x5FFFF  }
0xac: {  	[dreg:$0x1] =	wrdreg $0xFFFFFFFF  }
0xad: {  	[dreg:$0x0] =	wrdreg $0x60  }
0xae: {  	[dreg:$0x2] =	wrdreg s24  }
0xaf: {  	[dreg:$0x3] =	wrdreg $0xA  }
0xb0: {  	_ =	task.clear_ibuf [dreg:s6], $0x4FFFF;
	_ =	strace $0x90000049  }
0xb1: {  	s29 =	simm.s32 $0xA;
	_ =	strace $0x8000004B  }
0xb2: {  	_ =	swait.ge [sflag:s29], $0x1  }
0xb3: {  	[sflag:s29] =	ssyncadd.s32 $0xFFFFFFFF  }
0xb4: {  	_ =	strace $0x9000004B  }
0xb5: {  	_ =	sfence  }
0xb6: {  	s30 =	sld [smem:$0x0];
	_ =	sdelay $0x2  }
0xb7: {  	s31 =	sshll.u32 s1, $0xD;
	s1 =	sshrl.u32 s1, $0x2  }
0xb8: {  	s3 =	sand.u32 $0x4000, s31;
	s1 =	sadd.s32 s1, s30  }
0xb9: {  	s0 =	sor.u32 s3, s0;
	s1 =	sshll.u32 s1, $0x11  }
0xba: {  	s0 =	sor.u32 s1, s0  }
0xbb: {  	s0 =	sadd.s32 $0x8F2B, s0  }
0xbc: {  	[sflag:s0] =	ssyncadd.remote.s32 $0x1  }
0xbd: {  	_ =	sfence.sel $0xFFFF  }
0xbe: {  	[dreg:$0x0] =	wrdreg $0xFFFFFFFF;
	(pc) =	sbr.abs _section_cstart, $3  }
0xbf: {  	[dreg:$0x1] =	wrdreg $0xFFFFFFFF  }
0xc0: {  	_ =	task.clear_ibuf [dreg:s6], $0x2FFFF;
	_ =	strace $0x9FFFFFFF  }
0xc1: {  	(tm) =	ssettm $0x7FFFFFFF  }
tec
execute0_lowered:
.L_overlay_start_1:
0x0: {  	(tag) =	ssettag $0x1  }
0x1: {  	s4 =	rddreg [dreg:$0x0]  }
0x2: {  	s0 =	rddreg [dreg:$0x1]  }
0x3: {  	s3 =	srdreg.scid;
	s1 =	stileid.u32  }
0x4: {  	s2 =	simm.s32 $0x0;
	s14 =	simm.s32 $0x1;
	s12 =	smul.u32 $0x8C000, s1  }
0x5: {  	s15 =	simm.s32 $0x2;
	s7 =	sand.u32 $0x1, s3;
	s29 =	smul.u32 $0x11800, s1  }
0x6: {  	s16 =	simm.s32 $0x0;
	s23 =	sshll.u32 s1, $0x1;
	s26 =	smul.u32 $0x46000, s7  }
0x7: {  	[smem:$0x7FF] =	sst s2;
	s5 =	sor.u32 s7, s23;
	s13 =	smul.u32 $0x8C00, s7  }
0x8: {  	s3 =	sadd.s32 $0x826400, s4;
	s9 =	ssub.s32 $0x2, s7;
	s6 =	smul.u32 $0x460, s5  }
0x9: {  	s11 =	sadd.s32 $0x5000, s4;
	s8 =	smul.u32 $0x46000, s5;
	s24 =	sshrl.u32 s9, $0x1  }
0xa: {  	_ =	strace $0x8000004A;
	s10 =	smul.u32 $0x8C00, s5;
	s25 =	ssub.s32 s9, s24  }
0xb: {  	s9 =	sadd.s32 s26, s12;
	s12 =	simm.s32 $0x2300;
	s6 =	sadd.s32 s6, s4  }
0xc: {  	s8 =	sshrl.u32 s8, $0x3;
	s5 =	smax.u32 s25, $0x1;
	s30 =	sadd.s32 s10, s11  }
0xd: {  	s9 =	sshrl.u32 s9, $0x3;
	s10 =	simm.s32 $0x3;
	s4 =	sadd.s32 $0x81D800, s6  }
0xe: {  	s28 =	sadd.s32 s11, s8;
	s8 =	sadd.s32 s29, s11;
	s7 =	sadd.s32 $0x8A00, s30  }
0xf: {  	s6 =	sadd.s32 $0x8800, s28;
	s31 =	sadd.s32 s13, s8;
	s8 =	sadd.s32 s9, s11  }
0x10: {  	s11 =	simm.s32 $0x80;
	s13 =	simm.s32 $0x3300;
	s9 =	sadd.s32 $0x200, s31  }
.LBB2_1:
0x11: {  	[tilespmem:s2], [sflag:$0x3] =	stream.linear.gather [hbm4b:s4+s2], $0x2300, $0x38;
	[tilespmem:$0x4300] =	vst v63  }
0x12: {  	_ =	swait.ge [sflag:s10], $0x2300  }
0x13: {  	[sflag:s10] =	ssyncset.done $0x0  }
0x14: {  	[sflag:s10] =	ssyncadd.s32 $0xFFFFDD00  }
0x15: {  	[tilespmem:s12], [sflag:$0x1] =	stream.indirect.gather [hbm4b:s3+s11], $0x20, s2, s11, $0xb8;
	[tilespmem:$0x4300] =	vst v63  }
0x16: {  	_ = 	snop  }
0x17: {  	[tilespmem:s13], [sflag:$0x2] =	stream.indirect.gather [hbm4b:s3+s11], $0x20, s11, s11, $0xb8;
	[tilespmem:$0x4300] =	vst v63  }
0x18: {  	_ =	swait.ge [sflag:s14], $0x1000  }
0x19: {  	[sflag:s14] =	ssyncset.done $0x0  }
0x1a: {  	s17 =	sadd.s32 $0x0, s8;
	[sflag:s14] =	ssyncadd.s32 $0xFFFFF000  }
0x1b: {  	[hbm4b:s17+s2] =	stream.linear.scatter [tilespmem:s12], [sflag:$0x3], $0x1000, $0x38;
	[tilespmem:$0x4300] =	vst v63  }
0x1c: {  	_ =	swait.ge [sflag:s10], $0x1000  }
0x1d: {  	[sflag:s10] =	ssyncset.done $0x0  }
0x1e: {  	s30 =	simm.s32 $0x100;
	[sflag:s10] =	ssyncadd.s32 $0xFFFFF000  }
0x1f: {  	[tilespmem:s12], [sflag:$0x1] =	stream.indirect.gather [hbm4b:s3+s11], $0x20, s30, s11, $0xb8;
	[tilespmem:$0x4300] =	vst v63  }
0x20: {  	_ =	swait.ge [sflag:s15], $0x1000  }
0x21: {  	[sflag:s15] =	ssyncset.done $0x0  }
0x22: {  	s31 =	sadd.s32 $0x0, s9;
	[sflag:s15] =	ssyncadd.s32 $0xFFFFF000  }
0x23: {  	[hbm4b:s31+s2] =	stream.linear.scatter [tilespmem:s13], [sflag:$0x3], $0x1000, $0x38;
	[tilespmem:$0x4300] =	vst v63  }
0x24: {  	_ =	swait.ge [sflag:s10], $0x1000  }
0x25: {  	[sflag:s10] =	ssyncset.done $0x0  }
0x26: {  	s18 =	simm.s32 $0x180;
	s17 =	simm.s32 $0x400;
	[sflag:s10] =	ssyncadd.s32 $0xFFFFF000  }
.LBB2_2:
0x27: {  	[tilespmem:s13], [sflag:$0x2] =	stream.indirect.gather [hbm4b:s3+s11], $0x20, s18, s11, $0xb8;
	[tilespmem:$0x4300] =	vst v63  }
0x28: {  	s18 =	smov.u32 s17  }
0x29: {  	p0 =	sne.s32 s17, $0x8400;
	s17 =	sadd.s32 $0x400, s17;
	_ =	swait.ge [sflag:s14], $0x1000  }
0x2a: {  	[sflag:s14] =	ssyncset.done $0x0  }
0x2b: {  	s19 =	sadd.s32 s18, s8;
	[sflag:s14] =	ssyncadd.s32 $0xFFFFF000  }
0x2c: {  	[hbm4b:s19+s2] =	stream.linear.scatter [tilespmem:s12], [sflag:$0x3], $0x1000, $0x38;
	[tilespmem:$0x4300] =	vst v63  }
0x2d: {  	_ =	swait.ge [sflag:s10], $0x1000  }
0x2e: {  	s19 =	sshra.s32 s18, $0x2;
	[sflag:s10] =	ssyncset.done $0x0  }
0x2f: {  	s20 =	sadd.s32 $0x100, s19;
	[sflag:s10] =	ssyncadd.s32 $0xFFFFF000  }
0x30: {  	[tilespmem:s12], [sflag:$0x1] =	stream.indirect.gather [hbm4b:s3+s11], $0x20, s20, s11, $0xb8;
	[tilespmem:$0x4300] =	vst v63  }
0x31: {  	_ =	swait.ge [sflag:s15], $0x1000  }
0x32: {  	[sflag:s15] =	ssyncset.done $0x0  }
.Ltmp0:
0x33: {  	s18 =	sadd.s32 s18, s9;
	[sflag:s15] =	ssyncadd.s32 $0xFFFFF000;
	(pc) =	sbr.rel @p0 .LBB2_2-.Ltmp0, $4  }
0x34: {  	[hbm4b:s18+s2] =	stream.linear.scatter [tilespmem:s13], [sflag:$0x3], $0x1000, $0x38;
	[tilespmem:$0x4300] =	vst v63  }
0x35: {  	_ =	swait.ge [sflag:s10], $0x1000  }
0x36: {  	[sflag:s10] =	ssyncset.done $0x0  }
0x37: {  	s18 =	sadd.s32 $0x180, s19;
	[sflag:s10] =	ssyncadd.s32 $0xFFFFF000  }
0x38: {  	[tilespmem:s13], [sflag:$0x2] =	stream.indirect.gather [hbm4b:s3+s11], $0x20, s18, s11, $0xb8;
	[tilespmem:$0x4300] =	vst v63  }
0x39: {  	_ =	swait.ge [sflag:s14], $0x1000  }
0x3a: {  	[sflag:s14] =	ssyncset.done $0x0  }
0x3b: {  	[sflag:s14] =	ssyncadd.s32 $0xFFFFF000  }
0x3c: {  	[hbm4b:s6+s2] =	stream.linear.scatter [tilespmem:s12], [sflag:$0x3], $0x1000, $0x38;
	[tilespmem:$0x4300] =	vst v63  }
0x3d: {  	_ =	swait.ge [sflag:s10], $0x1000  }
0x3e: {  	[sflag:s10] =	ssyncset.done $0x0  }
0x3f: {  	[sflag:s10] =	ssyncadd.s32 $0xFFFFF000  }
0x40: {  	s16 =	sadd.s32 $0x1, s16;
	_ =	swait.ge [sflag:s15], $0x1000  }
0x41: {  	p0 =	sne.s32 s16, s5;
	[sflag:s15] =	ssyncset.done $0x0  }
.Ltmp1:
0x42: {  	[sflag:s15] =	ssyncadd.s32 $0xFFFFF000;
	(pc) =	sbr.rel @p0 .LBB2_1-.Ltmp1, $4  }
0x43: {  	[hbm4b:s7+s2] =	stream.linear.scatter [tilespmem:s13], [sflag:$0x3], $0x1000, $0x38;
	[tilespmem:$0x4300] =	vst v63  }
0x44: {  	_ =	swait.ge [sflag:s10], $0x1000  }
0x45: {  	[sflag:s10] =	ssyncset.done $0x0  }
0x46: {  	[sflag:s10] =	ssyncadd.s32 $0xFFFFF000  }
0x47: {  	_ =	sfence.sel $0x180000  }
0x48: {  	[bflag:$0x0] =	sbarrier.arrive $0xFFFF  }
0x49: {  	p0 =	sne.s32 s1, $0x0;
	_ =	strace $0x9000004A  }
0x4a: {  	s0 =	sadd.s32 @!p0 $0x100000, s0;
	[bflag:$0x2] =	sbarrier.arrive $0xFFFF  }
0x4b: {  	[sflag:s0] =	ssyncadd.tile.s32 @!p0 $0x1;
	_ =	shalt  }
.Lfunc_end2:
_tile_overlayer_lowered:
.L_overlay_start_2:
0x4c: {  	(tag) =	ssettag $0x2  }
0x4d: {  	s0 =	rddreg [dreg:$0x0];
	s2 =	stileid.u32  }
0x4e: {  	s1 =	rddreg [dreg:$0x1];
	p0 =	sne.s32 s2, $0x0  }
0x4f: {  	s3 =	rddreg [dreg:$0x2];
	[bflag:$0x3] =	sbarrier.arrive $0xFFFF;
	s2 =	simm.s32 @!p0 $0x1C03  }
0x50: {  	[timem:s3], [sflag:s2] =	dma.local @!p0 [hbm:s0], s1  }
0x51: {  	s0 =	simm.s32 @!p0 $0x3  }
0x52: {  	_ =	swait.ge @!p0 [sflag:s0], s1  }
0x53: {  	s1 =	ssub.s32 @!p0 $0x0, s1;
	[sflag:s0] =	ssyncset.done @!p0 $0x0  }
0x54: {  	[sflag:s0] =	ssyncadd.s32 @!p0 s1  }
0x55: {  	[bflag:$0x3] =	sbarrier.arrive $0xFFFF  }
0x56: {  	_ =	shalt  }

// kernel: sparse-core-data-format-call.cloned.1.call-start
scs
called_computation_lowered:
.L_overlay_start_0:
0x0: {  	s2 =	sld [smem:$0x3FD9]  }
0x1: {  	s3 =	sld [smem:$0x3FFE];
	_ =	sdelay $0x1  }
0x2: {  	s1 =	srdreg.scid  }
0x3: {  	s0 =	sand.u32 $0x1, s1  }
0x4: {  	s18 =	sshll.u32 s0, $0xA;
	s2 =	sadd.s32 s3, s2  }
0x5: {  	s2 =	sadd.s32 s2, s18  }
0x6: {  	[smem:$0x3FB2] =	sst s2  }
0x7: {  	_ = 	snop  }
0x8: {  	s2 =	sld [smem:$0x3FC8];
	(tm) =	ssettm $0x1  }
0x9: {  	s19 =	sld [smem:$0x3FFB];
	_ =	sdelay $0x3  }
0xa: {  	_ =	strace s19  }
0xb: {  	s3 =	sld [smem:$0x3FFC];
	_ =	sdelay $0x3  }
0xc: {  	_ =	strace s3  }
0xd: {  	s3 =	sld [smem:$0x3FFD];
	_ =	sdelay $0x3  }
0xe: {  	_ =	strace s3  }
0xf: {  	_ =	strace $0x8FFFFFFF  }
0x10: {  	s20 =	sld [smem:$0x3FDB];
	_ =	sdelay $0x1  }
0x11: {  	s4 =	simm.s32 $_scs_section_size  }
0x12: {  	s5 =	simm.s32 $_size__tile_overlayer_lowered;
	s6 =	simm.s32 $_tile_overlayer_lowered  }
0x13: {  	s23 =	simm.s32 $0x1BFF;
	s22 =	sshll.u32 s6, $0x1;
	s3 =	sadd.s32 s4, s20  }
0x14: {  	s7 =	simm.s32 $0x0;
	s21 =	sshll.u32 s5, $0x1;
	s5 =	sadd.s32 s22, s3  }
0x15: {  	[timem:s7], [sflag:s23] =	dma.local [hbm:s5], s21  }
0x16: {  	_ =	swait.ge [sflag:s23], s21  }
0x17: {  	s4 =	ssub.s32 $0x0, s21;
	[sflag:s23] =	ssyncset.done $0x0  }
0x18: {  	[sflag:s23] =	ssyncadd.s32 s4;
	_ =	sdelay $0x1  }
0x19: {  	s24 =	simm.s32 $0x1B8B  }
0x1a: {  	_ =	swait.ge [sflag:s24], $0x1  }
0x1b: {  	[sflag:s24] =	ssyncset.done $0x0  }
0x1c: {  	s26 =	simm.s32 $0x1B8E;
	s25 =	sld [smem:$0x3FFE];
	[sflag:s24] =	ssyncadd.s32 $0xFFFFFFFF  }
0x1d: {  	s27 =	simm.s32 $execute0_lowered;
	[smem:$0x3FD2] =	sst s26  }
0x1e: {  	s5 =	sshll.u32 s27, $0x1;
	_ =	strace $0x80000046;
	[dreg:$0x1] =	wrdreg $0xFFFFFFFF  }
0x1f: {  	s28 =	simm.s32 $_size_execute0_lowered;
	s3 =	sadd.s32 s3, s5;
	[dreg:$0x0] =	wrdreg $0x0  }
0x20: {  	s5 =	sshll.u32 s28, $0x1;
	[dreg:$0x2] =	wrdreg s3  }
0x21: {  	[dreg:$0x3] =	wrdreg s5  }
0x22: {  	[dreg:$0x4] =	wrdreg $0xC0  }
0x23: {  	_ =	task [dreg:s7], $0x5FFFF  }
0x24: {  	[dreg:$0x1] =	wrdreg $0xFFFFFFFF  }
0x25: {  	[dreg:$0x0] =	wrdreg $0x60  }
0x26: {  	[dreg:$0x2] =	wrdreg s2  }
0x27: {  	[dreg:$0x3] =	wrdreg s25  }
0x28: {  	[dreg:$0x4] =	wrdreg $0x9  }
0x29: {  	_ =	task.clear_ibuf [dreg:s7], $0x5FFFF;
	_ =	strace $0x90000046  }
0x2a: {  	s29 =	simm.s32 $0x9;
	_ =	strace $0x80000048  }
0x2b: {  	_ =	swait.ge [sflag:s29], $0x1  }
0x2c: {  	[sflag:s29] =	ssyncadd.s32 $0xFFFFFFFF  }
0x2d: {  	_ =	strace $0x90000048  }
0x2e: {  	_ =	sfence  }
0x2f: {  	s30 =	sld [smem:$0x0];
	_ =	sdelay $0x2  }
0x30: {  	s31 =	sshll.u32 s1, $0xD;
	s1 =	sshrl.u32 s1, $0x2  }
0x31: {  	s3 =	sand.u32 $0x4000, s31;
	s1 =	sadd.s32 s1, s30  }
0x32: {  	s0 =	sor.u32 s3, s0;
	s1 =	sshll.u32 s1, $0x11  }
0x33: {  	s0 =	sor.u32 s1, s0  }
0x34: {  	s0 =	sadd.s32 $0x8F2B, s0  }
0x35: {  	[sflag:s0] =	ssyncadd.remote.s32 $0x1  }
0x36: {  	_ =	sfence.sel $0xFFFF  }
0x37: {  	[dreg:$0x0] =	wrdreg $0xFFFFFFFF;
	(pc) =	sbr.abs _section_cstart, $3  }
0x38: {  	[dreg:$0x1] =	wrdreg $0xFFFFFFFF  }
0x39: {  	_ =	task.clear_ibuf [dreg:s7], $0x2FFFF;
	_ =	strace $0x9FFFFFFF  }
0x3a: {  	(tm) =	ssettm $0x7FFFFFFF  }
0x3b: {  	_ =	shalt  }
tec
execute0_lowered:
.L_overlay_start_1:
0x0: {  	(tag) =	ssettag $0x1  }
0x1: {  	s9 =	rddreg [dreg:$0x0]  }
0x2: {  	s0 =	rddreg [dreg:$0x1];
	s7 =	stileid.u32  }
0x3: {  	_ =	strace $0x80000047;
	s16 =	srdreg.scid;
	s0 =	sadd.s32 $0x5000, s0  }
0x4: {  	s18 =	simm.s32 $0x2;
	s19 =	sadd.s32 $0x10000, s9;
	[dreg:$0x3] =	wrdreg s0  }
0x5: {  	p0 =	por $0x0, $0x0;
	s20 =	sadd.s32 $0x20000, s9;
	[dreg:$0x4] =	wrdreg s19  }
0x6: {  	s27 =	simm.s32 $0x0;
	s21 =	sadd.s32 $0x30000, s9;
	[dreg:$0x5] =	wrdreg s20  }
0x7: {  	s31 =	simm.s32 $0x0;
	s22 =	sadd.s32 $0x40000, s9;
	[dreg:$0x6] =	wrdreg s21  }
0x8: {  	s1 =	sshll.u32 s7, $0x3;
	s23 =	sadd.s32 $0x50000, s9;
	[dreg:$0x7] =	wrdreg s22  }
0x9: {  	s4 =	sand.u32 $0x1, s7;
	s24 =	sadd.s32 $0x60000, s9;
	[dreg:$0x8] =	wrdreg s23  }
0xa: {  	s25 =	sadd.s32 $0x70000, s9;
	s26 =	sadd.s32 $0x80000, s9;
	[dreg:$0x9] =	wrdreg s24  }
0xb: {  	s5 =	sand.u32 $0x10, s1;
	s17 =	ssub.s32 $0x2, s4;
	[dreg:$0xa] =	wrdreg s25  }
0xc: {  	s0 =	sshll.u32 s16, $0x4;
	[dreg:$0xb] =	wrdreg s26;
	s19 =	sadd.s32 $0xB0000, s9  }
0xd: {  	s20 =	sadd.s32 $0xC0000, s9;
	s21 =	sadd.s32 $0xD0000, s9;
	s22 =	sadd.s32 $0xE0000, s9  }
0xe: {  	s23 =	sadd.s32 $0xF0000, s9;
	s25 =	simm.s32 $0x40;
	s26 =	simm.s32 $0x80  }
0xf: {  	s30 =	smov.u32 s4;
	s2 =	ssub.s32 $0x20, s5;
	s3 =	sshrl.u32 s17, $0x1  }
0x10: {  	s1 =	sand.u32 $0x1, s17;
	s0 =	sand.u32 $0x10, s0;
	s17 =	sadd.s32 $0x90000, s9  }
0x11: {  	s29 =	smov.u32 s5;
	s6 =	sshrl.u32 s2, $0x4;
	s2 =	sshrl.u32 s2, $0x5  }
0x12: {  	s1 =	sadd.s32 s1, s3;
	s0 =	sor.u32 s7, s0;
	s6 =	sand.u32 $0x1, s6  }
.Ltmp0:
0x13: {  	s3 =	simm.s32 $0x0;
	s2 =	sadd.s32 s2, s6;
	(pc) =	sbr.rel .LBB1_1-.Ltmp0, $4  }
0x14: {  	s7 =	sshrl.u32 s0, $0x2;
	s6 =	simm.s32 $0x1;
	s1 =	smul.u32 s2, s1  }
0x15: {  	s0 =	simm.s32 $0x0;
	s28 =	smov.u32 s7;
	[sflag:s6] =	ssyncpa.u1 $0x0  }
0x16: {  	s2 =	simm.s32 $0x0;
	[sflag:s18] =	ssyncpa.u1 $0x0;
	s8 =	sshll.u32 s1, $0x5  }
0x17: {  	s18 =	sadd.s32 $0xA0000, s9;
	s1 =	simm.s32 $0x0;
	s24 =	sor.u32 $0x1, s8  }
.LBB1_9:
0x18: {  	s9 =	sadd.s32 $0x10, s27  }
0x19: {  	s0 =	sadd.s32 $0x8, s28;
	s10 =	smov.u32 s28;
	p2 =	sgt.s32 s9, $0x3F  }
0x1a: {  	s10 =	smov.u32 @p2 s0  }
0x1b: {  	s11 =	smov.u32 s29;
	s0 =	sadd.s32 $0x20, s29;
	p3 =	sgt.s32 s10, $0x3F  }
0x1c: {  	s11 =	smov.u32 @p3 s0  }
0x1d: {  	s12 =	smov.u32 s30;
	s0 =	sadd.s32 $0x2, s30;
	p4 =	sgt.s32 s11, $0x1F  }
0x1e: {  	p1 =	slt.u32 s31, $0x2;
	s12 =	smov.u32 @p4 s0  }
0x1f: {  	s2 =	smov.u32 s28;
	s9 =	simm.s32 @p2 $0x0;
	p2 =	sgt.s32 s12, $0x1  }
0x20: {  	s13 =	simm.s32 @!p1 $0x2;
	s12 =	smov.u32 @p2 s4;
	p2 =	sne.s32 s31, s24  }
.Ltmp1:
0x21: {  	s1 =	smov.u32 s29;
	_ =	swait.ge @!p1 [sflag:s13], $0x4000;
	(pc) =	sbr.rel @!p2 .LBB1_10-.Ltmp1, $4  }
0x22: {  	s3 =	smov.u32 s30;
	[sflag:s13] =	ssyncset.done @!p1 $0x0;
	s10 =	smov.u32 @p3 s7  }
0x23: {  	p0 =	por !p0, !p0;
	[sflag:s13] =	ssyncadd.s32 @!p1 $0xFFFFC000;
	s28 =	smov.u32 s10  }
0x24: {  	s11 =	smov.u32 @p4 s5;
	s0 =	smov.u32 s27;
	s27 =	smov.u32 s9  }
0x25: {  	s29 =	smov.u32 s11;
	s31 =	sadd.s32 $0x1, s31;
	s30 =	smov.u32 s12  }
.LBB1_1:
0x26: {  	p1 =	sge.u32 s31, s8  }
.Ltmp2:
0x27: {  	_ = 	snop;
	(pc) =	sbr.rel @p1 .LBB1_3-.Ltmp2, $1  }
0x28: {  	_ =	sdelay $0x3  }
0x29: {  	s9 =	sshll.u32 s30, $0x15;
	s10 =	sshll.u32 s29, $0x10  }
0x2a: {  	s12 =	sxor.u32 $0xFFFFFFFF, s31;
	s15 =	rddreg [dreg:$0x0];
	s13 =	sadd.s32 s9, s10  }
0x2b: {  	s11 =	sshll.u32 s28, $0xA;
	s14 =	sshll.u32 s27, $0x4;
	s13 =	sadd.s32 s15, s13  }
0x2c: {  	s15 =	sshll.u32 s12, $0xE;
	s12 =	sand.u32 $0x3F0, s14;
	s16 =	sadd.s32 s11, s13  }
0x2d: {  	s13 =	sand.u32 $0x4000, s15;
	s14 =	sadd.s32 s12, s16;
	s16 =	rddreg [dreg:$0x4]  }
0x2e: {  	[tilespmem:s13], [sflag:$0x1] =	stream.strided.gather [hbm4b:s14+s25], $0x400, s26, s25, $0x38;
	[tilespmem:$0x10800] =	vst v63  }
0x2f: {  	s14 =	sadd.s32 s9, s16  }
0x30: {  	s14 =	sadd.s32 s10, s14  }
0x31: {  	s14 =	sadd.s32 s11, s14  }
0x32: {  	s15 =	sor.u32 $0x400, s13;
	s14 =	sadd.s32 s12, s14  }
0x33: {  	[tilespmem:s15], [sflag:$0x1] =	stream.strided.gather [hbm4b:s14+s25], $0x400, s26, s25, $0x38;
	[tilespmem:$0x10800] =	vst v63  }
0x34: {  	s15 =	rddreg [dreg:$0x5]  }
0x35: {  	s14 =	sadd.s32 s9, s15  }
0x36: {  	s14 =	sadd.s32 s10, s14  }
0x37: {  	s14 =	sadd.s32 s11, s14  }
0x38: {  	s16 =	sor.u32 $0x800, s13;
	s15 =	rddreg [dreg:$0x6];
	s14 =	sadd.s32 s12, s14  }
0x39: {  	[tilespmem:s16], [sflag:$0x1] =	stream.strided.gather [hbm4b:s14+s25], $0x400, s26, s25, $0x38;
	[tilespmem:$0x10800] =	vst v63  }
0x3a: {  	s14 =	sadd.s32 s9, s15  }
0x3b: {  	s14 =	sadd.s32 s10, s14  }
0x3c: {  	s14 =	sadd.s32 s11, s14  }
0x3d: {  	s16 =	sor.u32 $0xC00, s13;
	s15 =	rddreg [dreg:$0x7];
	s14 =	sadd.s32 s12, s14  }
0x3e: {  	[tilespmem:s16], [sflag:$0x1] =	stream.strided.gather [hbm4b:s14+s25], $0x400, s26, s25, $0x38;
	[tilespmem:$0x10800] =	vst v63  }
0x3f: {  	s14 =	sadd.s32 s9, s15  }
0x40: {  	s14 =	sadd.s32 s10, s14  }
0x41: {  	s14 =	sadd.s32 s11, s14  }
0x42: {  	s16 =	sor.u32 $0x1000, s13;
	s15 =	rddreg [dreg:$0x8];
	s14 =	sadd.s32 s12, s14  }
0x43: {  	[tilespmem:s16], [sflag:$0x1] =	stream.strided.gather [hbm4b:s14+s25], $0x400, s26, s25, $0x38;
	[tilespmem:$0x10800] =	vst v63  }
0x44: {  	s14 =	sadd.s32 s9, s15  }
0x45: {  	s14 =	sadd.s32 s10, s14  }
0x46: {  	s14 =	sadd.s32 s11, s14  }
0x47: {  	s16 =	sor.u32 $0x1400, s13;
	s15 =	rddreg [dreg:$0x9];
	s14 =	sadd.s32 s12, s14  }
0x48: {  	[tilespmem:s16], [sflag:$0x1] =	stream.strided.gather [hbm4b:s14+s25], $0x400, s26, s25, $0x38;
	[tilespmem:$0x10800] =	vst v63  }
0x49: {  	s14 =	sadd.s32 s9, s15  }
0x4a: {  	s14 =	sadd.s32 s10, s14  }
0x4b: {  	s14 =	sadd.s32 s11, s14  }
0x4c: {  	s16 =	sor.u32 $0x1800, s13;
	s15 =	rddreg [dreg:$0xa];
	s14 =	sadd.s32 s12, s14  }
0x4d: {  	[tilespmem:s16], [sflag:$0x1] =	stream.strided.gather [hbm4b:s14+s25], $0x400, s26, s25, $0x38;
	[tilespmem:$0x10800] =	vst v63  }
0x4e: {  	s14 =	sadd.s32 s9, s15  }
0x4f: {  	s14 =	sadd.s32 s10, s14  }
0x50: {  	s14 =	sadd.s32 s11, s14  }
0x51: {  	s16 =	sor.u32 $0x1C00, s13;
	s15 =	rddreg [dreg:$0xb];
	s14 =	sadd.s32 s12, s14  }
0x52: {  	[tilespmem:s16], [sflag:$0x1] =	stream.strided.gather [hbm4b:s14+s25], $0x400, s26, s25, $0x38;
	[tilespmem:$0x10800] =	vst v63  }
0x53: {  	s14 =	sadd.s32 s9, s15  }
0x54: {  	s14 =	sadd.s32 s10, s14  }
0x55: {  	s14 =	sadd.s32 s11, s14  }
0x56: {  	s16 =	sor.u32 $0x2000, s13;
	s15 =	sadd.s32 s9, s17;
	s14 =	sadd.s32 s12, s14  }
0x57: {  	[tilespmem:s16], [sflag:$0x1] =	stream.strided.gather [hbm4b:s14+s25], $0x400, s26, s25, $0x38;
	[tilespmem:$0x10800] =	vst v63  }
0x58: {  	s14 =	sadd.s32 s10, s15  }
0x59: {  	s14 =	sadd.s32 s11, s14  }
0x5a: {  	s16 =	sor.u32 $0x2400, s13;
	s15 =	sadd.s32 s9, s18;
	s14 =	sadd.s32 s12, s14  }
0x5b: {  	[tilespmem:s16], [sflag:$0x1] =	stream.strided.gather [hbm4b:s14+s25], $0x400, s26, s25, $0x38;
	[tilespmem:$0x10800] =	vst v63  }
0x5c: {  	s14 =	sadd.s32 s10, s15  }
0x5d: {  	s14 =	sadd.s32 s11, s14  }
0x5e: {  	s16 =	sor.u32 $0x2800, s13;
	s15 =	sadd.s32 s9, s19;
	s14 =	sadd.s32 s12, s14  }
0x5f: {  	[tilespmem:s16], [sflag:$0x1] =	stream.strided.gather [hbm4b:s14+s25], $0x400, s26, s25, $0x38;
	[tilespmem:$0x10800] =	vst v63  }
0x60: {  	s14 =	sadd.s32 s10, s15  }
0x61: {  	s14 =	sadd.s32 s11, s14  }
0x62: {  	s16 =	sor.u32 $0x2C00, s13;
	s15 =	sadd.s32 s9, s20;
	s14 =	sadd.s32 s12, s14  }
0x63: {  	[tilespmem:s16], [sflag:$0x1] =	stream.strided.gather [hbm4b:s14+s25], $0x400, s26, s25, $0x38;
	[tilespmem:$0x10800] =	vst v63  }
0x64: {  	s14 =	sadd.s32 s10, s15  }
0x65: {  	s14 =	sadd.s32 s11, s14  }
0x66: {  	s16 =	sor.u32 $0x3000, s13;
	s15 =	sadd.s32 s9, s21;
	s14 =	sadd.s32 s12, s14  }
0x67: {  	[tilespmem:s16], [sflag:$0x1] =	stream.strided.gather [hbm4b:s14+s25], $0x400, s26, s25, $0x38;
	[tilespmem:$0x10800] =	vst v63  }
0x68: {  	s14 =	sadd.s32 s10, s15  }
0x69: {  	s14 =	sadd.s32 s11, s14  }
0x6a: {  	s16 =	sor.u32 $0x3400, s13;
	s15 =	sadd.s32 s9, s22;
	s14 =	sadd.s32 s12, s14  }
0x6b: {  	[tilespmem:s16], [sflag:$0x1] =	stream.strided.gather [hbm4b:s14+s25], $0x400, s26, s25, $0x38;
	[tilespmem:$0x10800] =	vst v63  }
0x6c: {  	s9 =	sadd.s32 s9, s23;
	s14 =	sadd.s32 s10, s15  }
0x6d: {  	s9 =	sadd.s32 s10, s9;
	s14 =	sadd.s32 s11, s14  }
0x6e: {  	s9 =	sadd.s32 s11, s9;
	s16 =	sor.u32 $0x3800, s13;
	s14 =	sadd.s32 s12, s14  }
0x6f: {  	[tilespmem:s16], [sflag:$0x1] =	stream.strided.gather [hbm4b:s14+s25], $0x400, s26, s25, $0x38;
	[tilespmem:$0x10800] =	vst v63  }
0x70: {  	s9 =	sadd.s32 s12, s9;
	s16 =	sor.u32 $0x3C00, s13  }
0x71: {  	[tilespmem:s16], [sflag:$0x1] =	stream.strided.gather [hbm4b:s9+s25], $0x400, s26, s25, $0x38;
	[tilespmem:$0x10800] =	vst v63  }
.LBB1_3:
0x72: {  	s9 =	sadd.s32 $0xFFFFFFFF, s31  }
0x73: {  	p1 =	sge.u32 s9, s8  }
.Ltmp3:
0x74: {  	_ = 	snop;
	(pc) =	sbr.rel @p1 .LBB1_9-.Ltmp3, $1  }
0x75: {  	_ =	sdelay $0x3  }
0x76: {  	s9 =	simm.s32 $0x1;
	s11 =	sand.u32 $0x1, s31  }
0x77: {  	_ =	swait.ge [sflag:s6], $0x4000;
	s9 =	simm.s32 @!p0 $0x0;
	s12 =	smul.u32 $0x11000, s11  }
0x78: {  	[sflag:s6] =	ssyncset.done $0x0;
	s10 =	smul.u32 $0x11000, s9  }
0x79: {  	s9 =	sshll.u32 s9, $0xE;
	[sflag:s6] =	ssyncadd.s32 $0xFFFFC000  }
0x7a: {  	s11 =	sor.u32 $0x20, s9;
	s16 =	sshrl.u32 s12, $0x2;
	s10 =	sshrl.u32 s10, $0x2  }
0x7b: {  	s12 =	simm.s32 $0x0;
	s9 =	sor.u32 $0x8000, s16;
	s10 =	sor.u32 $0x8000, s10  }
.LBB1_5:
0x7c: {  	v3 =	vld [tilespmem:s11+$0x10]  }
0x7d: {  	v2 =	vld [tilespmem:s11+$0xFFFFFFF0]  }
0x7e: {  	v0 =	vld [tilespmem:s11+$0x0]  }
0x7f: {  	v1 =	vld [tilespmem:s11+$0xFFFFFFE0]  }
0x80: {  	s13 =	sadd.s32 $0x0, s10  }
0x81: {  	s14 =	simm.s32 $0x1100;
	s15 =	sadd.s32 $0x40, s11;
	[tilespmem:s13+$0x330 ss:$0x11] =	vst.msk $0xffff, v3  }
.LBB1_6:
0x82: {  	v3 =	vld [tilespmem:s15+$0x10];
	p1 =	sne.s32 s14, $0xFF00;
	[tilespmem:s13+$0x110 ss:$0x11] =	vst.msk $0xffff, v2;
	s16 =	smov.u32 s14;
	s14 =	sadd.s32 $0x1100, s14  }
.Ltmp4:
0x83: {  	v2 =	vld [tilespmem:s15+$0xFFFFFFF0];
	[tilespmem:s13+$0x220 ss:$0x11] =	vst.msk $0xffff, v0;
	(pc) =	sbr.rel @p1 .LBB1_6-.Ltmp4, $4  }
0x84: {  	v0 =	vld [tilespmem:s15+$0x0];
	[tilespmem:s13+$0x0 ss:$0x11] =	vst.msk $0xffff, v1  }
0x85: {  	s13 =	sshra.s32 s16, $0x2;
	v1 =	vld [tilespmem:s15+$0xFFFFFFE0]  }
0x86: {  	s13 =	sadd.s32 s13, s10  }
0x87: {  	s15 =	sadd.s32 $0x40, s15;
	[tilespmem:s13+$0x330 ss:$0x11] =	vst.msk $0xffff, v3  }
0x88: {  	s12 =	sadd.s32 $0x1, s12  }
0x89: {  	p1 =	sne.s32 s12, $0x10  }
.Ltmp5:
0x8a: {  	_ = 	snop;
	(pc) =	sbr.rel @p1 .LBB1_5-.Ltmp5, $4  }
0x8b: {  	_ = 	snop  }
0x8c: {  	[tilespmem:s13+$0x110 ss:$0x11] =	vst.msk $0xffff, v2  }
0x8d: {  	[tilespmem:s13+$0x220 ss:$0x11] =	vst.msk $0xffff, v0  }
0x8e: {  	s10 =	sadd.s32 $0x1, s10;
	s11 =	sadd.s32 $0x400, s11;
	[tilespmem:s13+$0x0 ss:$0x11] =	vst.msk $0xffff, v1  }
0x8f: {  	s3 =	sshll.u32 s3, $0x16;
	s11 =	rddreg [dreg:$0x3]  }
0x90: {  	s10 =	sand.u32 $0x380, s1;
	s2 =	sshll.u32 s2, $0x10;
	s3 =	sadd.s32 s11, s3  }
.Ltmp6:
0x91: {  	s14 =	sshrl.u32 s1, $0x3;
	s3 =	sadd.s32 s10, s3;
	(pc) =	sbr.rel .LBB1_9-.Ltmp6, $4  }
0x92: {  	s16 =	sand.u32 $0x7, s1;
	s15 =	sand.u32 $0xF, s14;
	s2 =	sadd.s32 s2, s3  }
0x93: {  	s0 =	sshll.u32 s0, $0xA;
	s1 =	sshll.u32 s16, $0x12;
	s2 =	sadd.s32 s15, s2  }
0x94: {  	s1 =	sor.u32 $0x10, s1;
	s0 =	sadd.s32 s0, s2  }
0x95: {  	[hbm4b:s0+s1] =	stream.strided.scatter [tilespmem:s9], [sflag:$0x2], $0x4000, s26, s1, $0x8;
	[tilespmem:$0x10800] =	vst v63  }
.LBB1_10:
0x96: {  	_ =	sfence.sel $0x180000  }
0x97: {  	s0 =	simm.s32 $0x1;
	[bflag:$0x0] =	sbarrier.arrive $0xFFFF  }
0x98: {  	s30 =	simm.s32 $0x2;
	[sflag:s0] =	ssyncpa.u1 $0x1  }
0x99: {  	[sflag:s30] =	ssyncpa.u1 $0x1  }
0x9a: {  	_ =	strace $0x90000047  }
0x9b: {  	s31 =	stileid.u32;
	[bflag:$0x2] =	sbarrier.arrive $0xFFFF  }
0x9c: {  	p0 =	sne.s32 s31, $0x0;
	s0 =	rddreg [dreg:$0x2]  }
0x9d: {  	s0 =	sadd.s32 @!p0 $0x100000, s0  }
0x9e: {  	[sflag:s0] =	ssyncadd.tile.s32 @!p0 $0x1;
	_ =	shalt  }
.Lfunc_end1:
_tile_overlayer_lowered:
.L_overlay_start_2:
0x9f: {  	(tag) =	ssettag $0x2  }
0xa0: {  	s0 =	rddreg [dreg:$0x0];
	s2 =	stileid.u32  }
0xa1: {  	s1 =	rddreg [dreg:$0x1];
	p0 =	sne.s32 s2, $0x0  }
0xa2: {  	s3 =	rddreg [dreg:$0x2];
	[bflag:$0x3] =	sbarrier.arrive $0xFFFF;
	s2 =	simm.s32 @!p0 $0x1C01  }
0xa3: {  	[timem:s3], [sflag:s2] =	dma.local @!p0 [hbm:s0], s1  }
0xa4: {  	s0 =	simm.s32 @!p0 $0x1  }
0xa5: {  	_ =	swait.ge @!p0 [sflag:s0], s1  }
0xa6: {  	s1 =	ssub.s32 @!p0 $0x0, s1;
	[sflag:s0] =	ssyncset.done @!p0 $0x0  }
0xa7: {  	[sflag:s0] =	ssyncadd.s32 @!p0 s1  }
0xa8: {  	[bflag:$0x3] =	sbarrier.arrive $0xFFFF  }
0xa9: {  	_ =	shalt  }

</sc_bundles>
